<compile_context>
chip_gen: v7x
topology: tpu7x:2x2x1
jax: 0.10.2.dev20260603
libtpu: 0.0.44.dev20260713+nightly
codegen_flags: <defaults>
</compile_context>

<pallas_src>
import dataclasses
import functools

import jax
import jax.numpy as jnp
from jax import lax
from jax.experimental import pallas as pl
from jax.experimental.pallas import tpu as pltpu
from jax.experimental.pallas import tpu_sc as plsc

D = 128
B = 16384
NC = 2
NS = 16
L = 16
NW = NC * NS
BPW = B // NW
BLK = 64
NBLK = BPW // BLK
NBUF = 4

_mesh = plsc.VectorSubcoreMesh(core_axis_name="c", subcore_axis_name="s")

_sc_params = pltpu.CompilerParams()
if "needs_layout_passes" in pltpu.CompilerParams.__dataclass_fields__:
    _sc_params = dataclasses.replace(_sc_params, needs_layout_passes=False)


def _sc_inner(parent_idx, child_idx, embeddings):

    @functools.partial(
        pl.kernel,
        out_type=jax.ShapeDtypeStruct((L, B), jnp.float32),
        mesh=_mesh,
        compiler_params=_sc_params,
        scratch_types=[
            pltpu.VMEM((BPW,), jnp.int32),
            pltpu.VMEM((BPW,), jnp.int32),
            pltpu.VMEM((NBUF, BLK, D), jnp.float32),
            pltpu.VMEM((NBUF, BLK, D), jnp.float32),
            pltpu.VMEM((L, BPW + 1), jnp.float32),
        ] + [pltpu.SemaphoreType.DMA] * (2 * NBUF + 2),
    )
    def k(pidx_hbm, cidx_hbm, table_hbm, out_hbm,
          pidx_v, cidx_v, prow_v, crow_v, out_v, *sems):
        wid = lax.axis_index("s") * NC + lax.axis_index("c")
        base = wid * BPW
        hi_p = pltpu.async_copy(pidx_hbm.at[pl.ds(base, BPW)], pidx_v, sems[-2])
        hi_c = pltpu.async_copy(cidx_hbm.at[pl.ds(base, BPW)], cidx_v, sems[-1])
        hi_p.wait()
        hi_c.wait()

        lanes = lax.iota(jnp.int32, L)
        sgn = jnp.where(lanes == 0, jnp.float32(-1.0), jnp.float32(1.0))

        psems = sems[:NBUF]
        csems = sems[NBUF:]
        handles = {}

        def start(blk):
            b = blk % NBUF
            handles[blk] = (
                pltpu.async_copy(
                    table_hbm.at[pidx_v.at[pl.ds(blk * BLK, BLK)]],
                    prow_v.at[b], psems[b]),
                pltpu.async_copy(
                    table_hbm.at[cidx_v.at[pl.ds(blk * BLK, BLK)]],
                    crow_v.at[b], csems[b]),
            )

        for blk in range(NBUF - 1):
            start(blk)
        for blk in range(NBLK):
            if blk + NBUF - 1 < NBLK:
                start(blk + NBUF - 1)
            hp, hc = handles.pop(blk)
            hp.wait()
            hc.wait()
            b = blk % NBUF
            pb = prow_v.at[b]
            cb = crow_v.at[b]

            @plsc.parallel_loop(0, BLK, unroll=1)
            def pair(w):
                acc = (pb[w, pl.ds(0, L)] * sgn) * cb[w, pl.ds(0, L)]
                for kk in range(1, D // L):
                    acc = acc + (pb[w, pl.ds(kk * L, L)]
                                 * cb[w, pl.ds(kk * L, L)])
                cols = jnp.full((L,), blk * BLK + w, jnp.int32)
                plsc.store_scatter(out_v, [lanes, cols], acc)

        pltpu.sync_copy(out_v.at[:, pl.ds(0, BPW)],
                        out_hbm.at[:, pl.ds(base, BPW)])

    return k(parent_idx, child_idx, embeddings)


def _tc_dist(partials, curvature_k):
    kv = curvature_k.reshape(1)

    def body(k_ref, x_ref, o_ref):
        kk = k_ref[0]
        inner = jnp.sum(x_ref[...], axis=0)
        arg = jnp.maximum(-inner / kk, jnp.float32(1.0 + 1e-7))
        acosh = jnp.log(arg + jnp.sqrt((arg - 1.0) * (arg + 1.0)))
        o_ref[...] = jnp.sqrt(kk) * acosh

    return pl.pallas_call(
        body,
        out_shape=jax.ShapeDtypeStruct((B,), jnp.float32),
        in_specs=[
            pl.BlockSpec(memory_space=pltpu.SMEM),
            pl.BlockSpec(memory_space=pltpu.VMEM),
        ],
        out_specs=pl.BlockSpec(memory_space=pltpu.VMEM),
    )(kv, partials)


def kernel(parent_idx, child_idx, embeddings, curvature_k):
    pidx = parent_idx.astype(jnp.int32)
    cidx = child_idx.astype(jnp.int32)
    partials = _sc_inner(pidx, cidx, embeddings)
    return _tc_dist(partials, curvature_k)

# --- scband reference (transcript-rebuilt; emitter-appended) ---
"""Pipeline reference for scband-hierarchical-lorentz-model-1563368096204 (READ-ONLY COPY).

The authoritative reference and input builder live on the scoring server;
editing this copy changes nothing except your own understanding.
"""

import jax, jax.numpy as jnp
import numpy as np

NUM_NODES = 100000
EMBED_DIM = 128
BATCH = 16384


def _init_lorentz_embeddings(key, num_nodes, dim, k=1.0, std=0.1):
    # geoopt-style Lorentz.random_normal: sample spatial components from N(0, std),
    # set time (first) component so the point lies on the hyperboloid:
    #   -x0^2 + ||x_space||^2 = -k  =>  x0 = sqrt(k + ||x_space||^2)
    spatial = jax.random.normal(key, (num_nodes, dim - 1), dtype=jnp.float32) * std
    time = jnp.sqrt(k + jnp.sum(spatial * spatial, axis=-1, keepdims=True))
    return jnp.concatenate([time, spatial], axis=-1)


def setup_inputs(seed: int = 0) -> dict:
    key = jax.random.key(seed)
    k_emb, k_p, k_c = jax.random.split(key, 3)
    embeddings = _init_lorentz_embeddings(k_emb, NUM_NODES, EMBED_DIM, k=1.0, std=0.1)
    parent_idx = jax.random.randint(k_p, (BATCH,), 0, NUM_NODES, dtype=jnp.int64 if jax.config.jax_enable_x64 else jnp.int32)
    child_idx = jax.random.randint(k_c, (BATCH,), 0, NUM_NODES, dtype=jnp.int64 if jax.config.jax_enable_x64 else jnp.int32)
    curvature_k = jnp.array(1.0, dtype=jnp.float32)  # learnable curvature parameter
    return {"parent_idx": parent_idx, "child_idx": child_idx, "embeddings": embeddings, "curvature_k": curvature_k}


def _lorentz_inner(x, y):
    # Minkowski inner product: -x0*y0 + <x_space, y_space>
    return -x[..., 0] * y[..., 0] + jnp.sum(x[..., 1:] * y[..., 1:], axis=-1)


def reference(parent_idx, child_idx, embeddings, curvature_k):
    # entailment_cone_loss: gather parent/child embeddings, Lorentz geodesic distance
    parent = jnp.take(embeddings, parent_idx, axis=0)
    child = jnp.take(embeddings, child_idx, axis=0)
    inner = _lorentz_inner(parent, child)
    # dist = sqrt(k) * arccosh(-<x,y>_L / k), clamped for numerical stability
    arg = jnp.maximum(-inner / curvature_k, 1.0 + 1e-7)
    dist = jnp.sqrt(curvature_k) * jnp.arccosh(arg)
    return dist

if __name__ == "__main__":
    import jax
    _d = setup_inputs()
    print(jax.jit(kernel)(*tuple(_d.values())))

</pallas_src>

<mosaic_0001>
#map = affine_map<(d0, d1) -> (0)>
#map1 = affine_map<(d0, d1) -> (0, 0)>
module attributes {stable_mosaic.version = 14 : i64} {
  func.func @k(%arg0: i32, %arg1: i32, %arg2: memref<16384xi32, #tpu.memory_space<hbm>>, %arg3: memref<16384xi32, #tpu.memory_space<hbm>>, %arg4: memref<100000x128xf32, #tpu.memory_space<hbm>>, %arg5: memref<16x16384xf32, #tpu.memory_space<hbm>>, %arg6: memref<512xi32, #tpu.memory_space<vmem>>, %arg7: memref<512xi32, #tpu.memory_space<vmem>>, %arg8: memref<4x64x128xf32, #tpu.memory_space<vmem>>, %arg9: memref<4x64x128xf32, #tpu.memory_space<vmem>>, %arg10: memref<16x513xf32, #tpu.memory_space<vmem>>, %arg11: memref<!tpu.dma_semaphore, #tpu.memory_space<semaphore_mem>>, %arg12: memref<!tpu.dma_semaphore, #tpu.memory_space<semaphore_mem>>, %arg13: memref<!tpu.dma_semaphore, #tpu.memory_space<semaphore_mem>>, %arg14: memref<!tpu.dma_semaphore, #tpu.memory_space<semaphore_mem>>, %arg15: memref<!tpu.dma_semaphore, #tpu.memory_space<semaphore_mem>>, %arg16: memref<!tpu.dma_semaphore, #tpu.memory_space<semaphore_mem>>, %arg17: memref<!tpu.dma_semaphore, #tpu.memory_space<semaphore_mem>>, %arg18: memref<!tpu.dma_semaphore, #tpu.memory_space<semaphore_mem>>, %arg19: memref<!tpu.dma_semaphore, #tpu.memory_space<semaphore_mem>>, %arg20: memref<!tpu.dma_semaphore, #tpu.memory_space<semaphore_mem>>) attributes {dimension_semantics = [#tpu.dimension_semantics<core_parallel>, #tpu.dimension_semantics<subcore_parallel>], iteration_bounds = array<i64: 2, 16>, scalar_prefetch = 0 : i64, scratch_operands = 15 : i64, tpu.core_type = #tpu.core_type<sc_vector_subcore>, window_params = [{transform_indices = #map}, {transform_indices = #map}, {transform_indices = #map1}, {transform_indices = #map1}]} {
    %mul3A = arith.constant 2 : i32
    %mul3A_0 = arith.muli %arg1, %mul3A : i32
    %add3A = arith.addi %mul3A_0, %arg0 : i32
    %mul3A_1 = arith.constant 512 : i32
    %mul3A_2 = arith.muli %add3A, %mul3A_1 : i32
    %dma_start3A = tpu.memref_slice %arg2[%mul3A_2] : memref<16384xi32, #tpu.memory_space<hbm>> -> memref<512xi32, #tpu.memory_space<hbm>>
    %dma_start3A_3 = tpu.memref_slice %arg2[%mul3A_2] : memref<16384xi32, #tpu.memory_space<hbm>> -> memref<512xi32, #tpu.memory_space<hbm>>
    tpu.enqueue_dma source(%dma_start3A_3 : memref<512xi32, #tpu.memory_space<hbm>>) target(%arg6 : memref<512xi32, #tpu.memory_space<vmem>>) target_semaphore(%arg19 : memref<!tpu.dma_semaphore, #tpu.memory_space<semaphore_mem>>)
    %dma_start3A_4 = tpu.memref_slice %arg3[%mul3A_2] : memref<16384xi32, #tpu.memory_space<hbm>> -> memref<512xi32, #tpu.memory_space<hbm>>
    %dma_start3A_5 = tpu.memref_slice %arg3[%mul3A_2] : memref<16384xi32, #tpu.memory_space<hbm>> -> memref<512xi32, #tpu.memory_space<hbm>>
    tpu.enqueue_dma source(%dma_start3A_5 : memref<512xi32, #tpu.memory_space<hbm>>) target(%arg7 : memref<512xi32, #tpu.memory_space<vmem>>) target_semaphore(%arg20 : memref<!tpu.dma_semaphore, #tpu.memory_space<semaphore_mem>>)
    %dma_wait3A = tpu.memref_slice %arg2[%mul3A_2] : memref<16384xi32, #tpu.memory_space<hbm>> -> memref<512xi32, #tpu.memory_space<hbm>>
    %dma_wait3A_6 = tpu.memref_slice %arg2[%mul3A_2] : memref<16384xi32, #tpu.memory_space<hbm>> -> memref<512xi32, #tpu.memory_space<hbm>>
    tpu.wait_dma2 semaphore(%arg19 : memref<!tpu.dma_semaphore, #tpu.memory_space<semaphore_mem>>) src(%dma_wait3A_6 : memref<512xi32, #tpu.memory_space<hbm>>) dst(%arg6 : memref<512xi32, #tpu.memory_space<vmem>>)
    %dma_wait3A_7 = tpu.memref_slice %arg3[%mul3A_2] : memref<16384xi32, #tpu.memory_space<hbm>> -> memref<512xi32, #tpu.memory_space<hbm>>
    %dma_wait3A_8 = tpu.memref_slice %arg3[%mul3A_2] : memref<16384xi32, #tpu.memory_space<hbm>> -> memref<512xi32, #tpu.memory_space<hbm>>
    tpu.wait_dma2 semaphore(%arg20 : memref<!tpu.dma_semaphore, #tpu.memory_space<semaphore_mem>>) src(%dma_wait3A_8 : memref<512xi32, #tpu.memory_space<hbm>>) dst(%arg7 : memref<512xi32, #tpu.memory_space<vmem>>)
    %iota3A = tpu.iota {dimensions = array<i32: 0>} : vector<16xi32>
    %eq3A = arith.constant 0 : i32
    %eq3A_9 = vector.broadcast %eq3A : i32 to vector<16xi32>
    %eq3A_10 = arith.cmpi eq, %iota3A, %eq3A_9 : vector<16xi32>
    %jit3A = arith.constant -1.000000e+00 : f32
    %jit3A_11 = arith.constant 1.000000e+00 : f32
    %broadcast_in_dim3A = vector.broadcast %jit3A : f32 to vector<16xf32>
    %broadcast_in_dim3A_12 = vector.broadcast %jit3A_11 : f32 to vector<16xf32>
    %select_n3A = arith.select %eq3A_10, %broadcast_in_dim3A, %broadcast_in_dim3A_12 : vector<16xi1>, vector<16xf32>
    %dma_start3A_13 = arith.constant 0 : i32
    %dma_start3A_14 = arith.constant 0 : i32
    %dma_start3A_15 = arith.constant 0 : i32
    %dma_start3A_16 = tpu.memref_slice %arg8[%dma_start3A_13, %dma_start3A_14, %dma_start3A_15] : memref<4x64x128xf32, #tpu.memory_space<vmem>> -> memref<1x64x128xf32, #tpu.memory_space<vmem>>
    %dma_start3A_17 = tpu.memref_squeeze %dma_start3A_16 : memref<1x64x128xf32, #tpu.memory_space<vmem>> -> memref<64x128xf32, #tpu.memory_space<vmem>>
    %dma_start3A_18 = arith.constant 0 : i32
    %dma_start3A_19 = tpu.memref_slice %arg6[%dma_start3A_18] : memref<512xi32, #tpu.memory_space<vmem>> -> memref<64xi32, #tpu.memory_space<vmem>>
    %dma_start3A_20 = arith.constant 0 : i32
    %dma_start3A_21 = arith.constant 0 : i32
    %dma_start3A_22 = tpu.memref_slice %arg4[%dma_start3A_20, %dma_start3A_21] : memref<100000x128xf32, #tpu.memory_space<hbm>> -> memref<100000x128xf32, #tpu.memory_space<hbm>>
    tpu.enqueue_indirect_dma source(%dma_start3A_22 : memref<100000x128xf32, #tpu.memory_space<hbm>>) target(%dma_start3A_17 : memref<64x128xf32, #tpu.memory_space<vmem>>) offsets(%dma_start3A_19 : memref<64xi32, #tpu.memory_space<vmem>>) semaphore(%arg11 : memref<!tpu.dma_semaphore, #tpu.memory_space<semaphore_mem>>)
    %dma_start3A_23 = arith.constant 0 : i32
    %dma_start3A_24 = arith.constant 0 : i32
    %dma_start3A_25 = arith.constant 0 : i32
    %dma_start3A_26 = tpu.memref_slice %arg9[%dma_start3A_23, %dma_start3A_24, %dma_start3A_25] : memref<4x64x128xf32, #tpu.memory_space<vmem>> -> memref<1x64x128xf32, #tpu.memory_space<vmem>>
    %dma_start3A_27 = tpu.memref_squeeze %dma_start3A_26 : memref<1x64x128xf32, #tpu.memory_space<vmem>> -> memref<64x128xf32, #tpu.memory_space<vmem>>
    %dma_start3A_28 = arith.constant 0 : i32
    %dma_start3A_29 = tpu.memref_slice %arg7[%dma_start3A_28] : memref<512xi32, #tpu.memory_space<vmem>> -> memref<64xi32, #tpu.memory_space<vmem>>
    %dma_start3A_30 = arith.constant 0 : i32
    %dma_start3A_31 = arith.constant 0 : i32
    %dma_start3A_32 = tpu.memref_slice %arg4[%dma_start3A_30, %dma_start3A_31] : memref<100000x128xf32, #tpu.memory_space<hbm>> -> memref<100000x128xf32, #tpu.memory_space<hbm>>
    tpu.enqueue_indirect_dma source(%dma_start3A_32 : memref<100000x128xf32, #tpu.memory_space<hbm>>) target(%dma_start3A_27 : memref<64x128xf32, #tpu.memory_space<vmem>>) offsets(%dma_start3A_29 : memref<64xi32, #tpu.memory_space<vmem>>) semaphore(%arg15 : memref<!tpu.dma_semaphore, #tpu.memory_space<semaphore_mem>>)
    %dma_start3A_33 = arith.constant 1 : i32
    %dma_start3A_34 = arith.constant 0 : i32
    %dma_start3A_35 = arith.constant 0 : i32
    %dma_start3A_36 = tpu.memref_slice %arg8[%dma_start3A_33, %dma_start3A_34, %dma_start3A_35] : memref<4x64x128xf32, #tpu.memory_space<vmem>> -> memref<1x64x128xf32, #tpu.memory_space<vmem>>
    %dma_start3A_37 = tpu.memref_squeeze %dma_start3A_36 : memref<1x64x128xf32, #tpu.memory_space<vmem>> -> memref<64x128xf32, #tpu.memory_space<vmem>>
    %dma_start3A_38 = arith.constant 64 : i32
    %dma_start3A_39 = tpu.memref_slice %arg6[%dma_start3A_38] : memref<512xi32, #tpu.memory_space<vmem>> -> memref<64xi32, #tpu.memory_space<vmem>>
    %dma_start3A_40 = arith.constant 0 : i32
    %dma_start3A_41 = arith.constant 0 : i32
    %dma_start3A_42 = tpu.memref_slice %arg4[%dma_start3A_40, %dma_start3A_41] : memref<100000x128xf32, #tpu.memory_space<hbm>> -> memref<100000x128xf32, #tpu.memory_space<hbm>>
    tpu.enqueue_indirect_dma source(%dma_start3A_42 : memref<100000x128xf32, #tpu.memory_space<hbm>>) target(%dma_start3A_37 : memref<64x128xf32, #tpu.memory_space<vmem>>) offsets(%dma_start3A_39 : memref<64xi32, #tpu.memory_space<vmem>>) semaphore(%arg12 : memref<!tpu.dma_semaphore, #tpu.memory_space<semaphore_mem>>)
    %dma_start3A_43 = arith.constant 1 : i32
    %dma_start3A_44 = arith.constant 0 : i32
    %dma_start3A_45 = arith.constant 0 : i32
    %dma_start3A_46 = tpu.memref_slice %arg9[%dma_start3A_43, %dma_start3A_44, %dma_start3A_45] : memref<4x64x128xf32, #tpu.memory_space<vmem>> -> memref<1x64x128xf32, #tpu.memory_space<vmem>>
    %dma_start3A_47 = tpu.memref_squeeze %dma_start3A_46 : memref<1x64x128xf32, #tpu.memory_space<vmem>> -> memref<64x128xf32, #tpu.memory_space<vmem>>
    %dma_start3A_48 = arith.constant 64 : i32
    %dma_start3A_49 = tpu.memref_slice %arg7[%dma_start3A_48] : memref<512xi32, #tpu.memory_space<vmem>> -> memref<64xi32, #tpu.memory_space<vmem>>
    %dma_start3A_50 = arith.constant 0 : i32
    %dma_start3A_51 = arith.constant 0 : i32
    %dma_start3A_52 = tpu.memref_slice %arg4[%dma_start3A_50, %dma_start3A_51] : memref<100000x128xf32, #tpu.memory_space<hbm>> -> memref<100000x128xf32, #tpu.memory_space<hbm>>
    tpu.enqueue_indirect_dma source(%dma_start3A_52 : memref<100000x128xf32, #tpu.memory_space<hbm>>) target(%dma_start3A_47 : memref<64x128xf32, #tpu.memory_space<vmem>>) offsets(%dma_start3A_49 : memref<64xi32, #tpu.memory_space<vmem>>) semaphore(%arg16 : memref<!tpu.dma_semaphore, #tpu.memory_space<semaphore_mem>>)
    %dma_start3A_53 = arith.constant 2 : i32
    %dma_start3A_54 = arith.constant 0 : i32
    %dma_start3A_55 = arith.constant 0 : i32
    %dma_start3A_56 = tpu.memref_slice %arg8[%dma_start3A_53, %dma_start3A_54, %dma_start3A_55] : memref<4x64x128xf32, #tpu.memory_space<vmem>> -> memref<1x64x128xf32, #tpu.memory_space<vmem>>
    %dma_start3A_57 = tpu.memref_squeeze %dma_start3A_56 : memref<1x64x128xf32, #tpu.memory_space<vmem>> -> memref<64x128xf32, #tpu.memory_space<vmem>>
    %dma_start3A_58 = arith.constant 128 : i32
    %dma_start3A_59 = tpu.memref_slice %arg6[%dma_start3A_58] : memref<512xi32, #tpu.memory_space<vmem>> -> memref<64xi32, #tpu.memory_space<vmem>>
    %dma_start3A_60 = arith.constant 0 : i32
    %dma_start3A_61 = arith.constant 0 : i32
    %dma_start3A_62 = tpu.memref_slice %arg4[%dma_start3A_60, %dma_start3A_61] : memref<100000x128xf32, #tpu.memory_space<hbm>> -> memref<100000x128xf32, #tpu.memory_space<hbm>>
    tpu.enqueue_indirect_dma source(%dma_start3A_62 : memref<100000x128xf32, #tpu.memory_space<hbm>>) target(%dma_start3A_57 : memref<64x128xf32, #tpu.memory_space<vmem>>) offsets(%dma_start3A_59 : memref<64xi32, #tpu.memory_space<vmem>>) semaphore(%arg13 : memref<!tpu.dma_semaphore, #tpu.memory_space<semaphore_mem>>)
    %dma_start3A_63 = arith.constant 2 : i32
    %dma_start3A_64 = arith.constant 0 : i32
    %dma_start3A_65 = arith.constant 0 : i32
    %dma_start3A_66 = tpu.memref_slice %arg9[%dma_start3A_63, %dma_start3A_64, %dma_start3A_65] : memref<4x64x128xf32, #tpu.memory_space<vmem>> -> memref<1x64x128xf32, #tpu.memory_space<vmem>>
    %dma_start3A_67 = tpu.memref_squeeze %dma_start3A_66 : memref<1x64x128xf32, #tpu.memory_space<vmem>> -> memref<64x128xf32, #tpu.memory_space<vmem>>
    %dma_start3A_68 = arith.constant 128 : i32
    %dma_start3A_69 = tpu.memref_slice %arg7[%dma_start3A_68] : memref<512xi32, #tpu.memory_space<vmem>> -> memref<64xi32, #tpu.memory_space<vmem>>
    %dma_start3A_70 = arith.constant 0 : i32
    %dma_start3A_71 = arith.constant 0 : i32
    %dma_start3A_72 = tpu.memref_slice %arg4[%dma_start3A_70, %dma_start3A_71] : memref<100000x128xf32, #tpu.memory_space<hbm>> -> memref<100000x128xf32, #tpu.memory_space<hbm>>
    tpu.enqueue_indirect_dma source(%dma_start3A_72 : memref<100000x128xf32, #tpu.memory_space<hbm>>) target(%dma_start3A_67 : memref<64x128xf32, #tpu.memory_space<vmem>>) offsets(%dma_start3A_69 : memref<64xi32, #tpu.memory_space<vmem>>) semaphore(%arg17 : memref<!tpu.dma_semaphore, #tpu.memory_space<semaphore_mem>>)
    %dma_start3A_73 = arith.constant 3 : i32
    %dma_start3A_74 = arith.constant 0 : i32
    %dma_start3A_75 = arith.constant 0 : i32
    %dma_start3A_76 = tpu.memref_slice %arg8[%dma_start3A_73, %dma_start3A_74, %dma_start3A_75] : memref<4x64x128xf32, #tpu.memory_space<vmem>> -> memref<1x64x128xf32, #tpu.memory_space<vmem>>
    %dma_start3A_77 = tpu.memref_squeeze %dma_start3A_76 : memref<1x64x128xf32, #tpu.memory_space<vmem>> -> memref<64x128xf32, #tpu.memory_space<vmem>>
    %dma_start3A_78 = arith.constant 192 : i32
    %dma_start3A_79 = tpu.memref_slice %arg6[%dma_start3A_78] : memref<512xi32, #tpu.memory_space<vmem>> -> memref<64xi32, #tpu.memory_space<vmem>>
    %dma_start3A_80 = arith.constant 0 : i32
    %dma_start3A_81 = arith.constant 0 : i32
    %dma_start3A_82 = tpu.memref_slice %arg4[%dma_start3A_80, %dma_start3A_81] : memref<100000x128xf32, #tpu.memory_space<hbm>> -> memref<100000x128xf32, #tpu.memory_space<hbm>>
    tpu.enqueue_indirect_dma source(%dma_start3A_82 : memref<100000x128xf32, #tpu.memory_space<hbm>>) target(%dma_start3A_77 : memref<64x128xf32, #tpu.memory_space<vmem>>) offsets(%dma_start3A_79 : memref<64xi32, #tpu.memory_space<vmem>>) semaphore(%arg14 : memref<!tpu.dma_semaphore, #tpu.memory_space<semaphore_mem>>)
    %dma_start3A_83 = arith.constant 3 : i32
    %dma_start3A_84 = arith.constant 0 : i32
    %dma_start3A_85 = arith.constant 0 : i32
    %dma_start3A_86 = tpu.memref_slice %arg9[%dma_start3A_83, %dma_start3A_84, %dma_start3A_85] : memref<4x64x128xf32, #tpu.memory_space<vmem>> -> memref<1x64x128xf32, #tpu.memory_space<vmem>>
    %dma_start3A_87 = tpu.memref_squeeze %dma_start3A_86 : memref<1x64x128xf32, #tpu.memory_space<vmem>> -> memref<64x128xf32, #tpu.memory_space<vmem>>
    %dma_start3A_88 = arith.constant 192 : i32
    %dma_start3A_89 = tpu.memref_slice %arg7[%dma_start3A_88] : memref<512xi32, #tpu.memory_space<vmem>> -> memref<64xi32, #tpu.memory_space<vmem>>
    %dma_start3A_90 = arith.constant 0 : i32
    %dma_start3A_91 = arith.constant 0 : i32
    %dma_start3A_92 = tpu.memref_slice %arg4[%dma_start3A_90, %dma_start3A_91] : memref<100000x128xf32, #tpu.memory_space<hbm>> -> memref<100000x128xf32, #tpu.memory_space<hbm>>
    tpu.enqueue_indirect_dma source(%dma_start3A_92 : memref<100000x128xf32, #tpu.memory_space<hbm>>) target(%dma_start3A_87 : memref<64x128xf32, #tpu.memory_space<vmem>>) offsets(%dma_start3A_89 : memref<64xi32, #tpu.memory_space<vmem>>) semaphore(%arg18 : memref<!tpu.dma_semaphore, #tpu.memory_space<semaphore_mem>>)
    %dma_wait3A_93 = arith.constant 0 : i32
    %dma_wait3A_94 = arith.constant 0 : i32
    %dma_wait3A_95 = arith.constant 0 : i32
    %dma_wait3A_96 = tpu.memref_slice %arg8[%dma_wait3A_93, %dma_wait3A_94, %dma_wait3A_95] : memref<4x64x128xf32, #tpu.memory_space<vmem>> -> memref<1x64x128xf32, #tpu.memory_space<vmem>>
    %dma_wait3A_97 = tpu.memref_squeeze %dma_wait3A_96 : memref<1x64x128xf32, #tpu.memory_space<vmem>> -> memref<64x128xf32, #tpu.memory_space<vmem>>
    %dma_wait3A_98 = arith.constant 0 : i32
    %dma_wait3A_99 = tpu.memref_slice %arg6[%dma_wait3A_98] : memref<512xi32, #tpu.memory_space<vmem>> -> memref<64xi32, #tpu.memory_space<vmem>>
    %dma_wait3A_100 = arith.constant 0 : i32
    %dma_wait3A_101 = arith.constant 0 : i32
    %dma_wait3A_102 = tpu.memref_slice %arg4[%dma_wait3A_100, %dma_wait3A_101] : memref<100000x128xf32, #tpu.memory_space<hbm>> -> memref<100000x128xf32, #tpu.memory_space<hbm>>
    tpu.wait_indirect_dma semaphore(%arg11 : memref<!tpu.dma_semaphore, #tpu.memory_space<semaphore_mem>>) src(%dma_wait3A_102 : memref<100000x128xf32, #tpu.memory_space<hbm>>) dst(%dma_wait3A_97 : memref<64x128xf32, #tpu.memory_space<vmem>>)
    %dma_wait3A_103 = arith.constant 0 : i32
    %dma_wait3A_104 = arith.constant 0 : i32
    %dma_wait3A_105 = arith.constant 0 : i32
    %dma_wait3A_106 = tpu.memref_slice %arg9[%dma_wait3A_103, %dma_wait3A_104, %dma_wait3A_105] : memref<4x64x128xf32, #tpu.memory_space<vmem>> -> memref<1x64x128xf32, #tpu.memory_space<vmem>>
    %dma_wait3A_107 = tpu.memref_squeeze %dma_wait3A_106 : memref<1x64x128xf32, #tpu.memory_space<vmem>> -> memref<64x128xf32, #tpu.memory_space<vmem>>
    %dma_wait3A_108 = arith.constant 0 : i32
    %dma_wait3A_109 = tpu.memref_slice %arg7[%dma_wait3A_108] : memref<512xi32, #tpu.memory_space<vmem>> -> memref<64xi32, #tpu.memory_space<vmem>>
    %dma_wait3A_110 = arith.constant 0 : i32
    %dma_wait3A_111 = arith.constant 0 : i32
    %dma_wait3A_112 = tpu.memref_slice %arg4[%dma_wait3A_110, %dma_wait3A_111] : memref<100000x128xf32, #tpu.memory_space<hbm>> -> memref<100000x128xf32, #tpu.memory_space<hbm>>
    tpu.wait_indirect_dma semaphore(%arg15 : memref<!tpu.dma_semaphore, #tpu.memory_space<semaphore_mem>>) src(%dma_wait3A_112 : memref<100000x128xf32, #tpu.memory_space<hbm>>) dst(%dma_wait3A_107 : memref<64x128xf32, #tpu.memory_space<vmem>>)
    %parallel_loop3A = arith.constant 0 : i32
    %parallel_loop3A_113 = arith.constant 64 : i32
    %parallel_loop3A_114 = arith.constant 1 : i32
    %parallel_loop3A_115 = arith.constant 0 : i32
    %parallel_loop3A_116 = arith.constant 0 : i32
    scf.for %parallel_loop3A_372 = %parallel_loop3A to %parallel_loop3A_113 step %parallel_loop3A_114  : i32 {
      %parallel_loop3A_373 = arith.constant 0 : i32
      %parallel_loop3A_374 = arith.constant 0 : i32
      %parallel_loop3A_375 = tpu.memref_slice %arg8[%parallel_loop3A_115, %parallel_loop3A_373, %parallel_loop3A_374] : memref<4x64x128xf32, #tpu.memory_space<vmem>> -> memref<1x64x128xf32, #tpu.memory_space<vmem>>
      %parallel_loop3A_376 = tpu.memref_squeeze %parallel_loop3A_375 : memref<1x64x128xf32, #tpu.memory_space<vmem>> -> memref<64x128xf32, #tpu.memory_space<vmem>>
      %parallel_loop3A_377 = arith.index_cast %parallel_loop3A_372 : i32 to index
      %parallel_loop3A_378 = arith.constant 0 : index
      %parallel_loop3A_379 = tpu.vector_load %parallel_loop3A_376[%parallel_loop3A_377, %parallel_loop3A_378] {strides = array<i32>} : memref<64x128xf32, #tpu.memory_space<vmem>>, vector<16xf32>,
      %parallel_loop3A_380 = arith.mulf %parallel_loop3A_379, %select_n3A : vector<16xf32>
      %parallel_loop3A_381 = arith.constant 0 : i32
      %parallel_loop3A_382 = arith.constant 0 : i32
      %parallel_loop3A_383 = tpu.memref_slice %arg9[%parallel_loop3A_116, %parallel_loop3A_381, %parallel_loop3A_382] : memref<4x64x128xf32, #tpu.memory_space<vmem>> -> memref<1x64x128xf32, #tpu.memory_space<vmem>>
      %parallel_loop3A_384 = tpu.memref_squeeze %parallel_loop3A_383 : memref<1x64x128xf32, #tpu.memory_space<vmem>> -> memref<64x128xf32, #tpu.memory_space<vmem>>
      %parallel_loop3A_385 = arith.index_cast %parallel_loop3A_372 : i32 to index
      %parallel_loop3A_386 = arith.constant 0 : index
      %parallel_loop3A_387 = tpu.vector_load %parallel_loop3A_384[%parallel_loop3A_385, %parallel_loop3A_386] {strides = array<i32>} : memref<64x128xf32, #tpu.memory_space<vmem>>, vector<16xf32>,
      %parallel_loop3A_388 = arith.mulf %parallel_loop3A_380, %parallel_loop3A_387 : vector<16xf32>
      %parallel_loop3A_389 = arith.constant 0 : i32
      %parallel_loop3A_390 = arith.constant 0 : i32
      %parallel_loop3A_391 = tpu.memref_slice %arg8[%parallel_loop3A_115, %parallel_loop3A_389, %parallel_loop3A_390] : memref<4x64x128xf32, #tpu.memory_space<vmem>> -> memref<1x64x128xf32, #tpu.memory_space<vmem>>
      %parallel_loop3A_392 = tpu.memref_squeeze %parallel_loop3A_391 : memref<1x64x128xf32, #tpu.memory_space<vmem>> -> memref<64x128xf32, #tpu.memory_space<vmem>>
      %parallel_loop3A_393 = arith.index_cast %parallel_loop3A_372 : i32 to index
      %parallel_loop3A_394 = arith.constant 16 : index
      %parallel_loop3A_395 = tpu.vector_load %parallel_loop3A_392[%parallel_loop3A_393, %parallel_loop3A_394] {strides = array<i32>} : memref<64x128xf32, #tpu.memory_space<vmem>>, vector<16xf32>,
      %parallel_loop3A_396 = arith.constant 0 : i32
      %parallel_loop3A_397 = arith.constant 0 : i32
      %parallel_loop3A_398 = tpu.memref_slice %arg9[%parallel_loop3A_116, %parallel_loop3A_396, %parallel_loop3A_397] : memref<4x64x128xf32, #tpu.memory_space<vmem>> -> memref<1x64x128xf32, #tpu.memory_space<vmem>>
      %parallel_loop3A_399 = tpu.memref_squeeze %parallel_loop3A_398 : memref<1x64x128xf32, #tpu.memory_space<vmem>> -> memref<64x128xf32, #tpu.memory_space<vmem>>
      %parallel_loop3A_400 = arith.index_cast %parallel_loop3A_372 : i32 to index
      %parallel_loop3A_401 = arith.constant 16 : index
      %parallel_loop3A_402 = tpu.vector_load %parallel_loop3A_399[%parallel_loop3A_400, %parallel_loop3A_401] {strides = array<i32>} : memref<64x128xf32, #tpu.memory_space<vmem>>, vector<16xf32>,
      %parallel_loop3A_403 = arith.mulf %parallel_loop3A_395, %parallel_loop3A_402 : vector<16xf32>
      %parallel_loop3A_404 = arith.addf %parallel_loop3A_388, %parallel_loop3A_403 : vector<16xf32>
      %parallel_loop3A_405 = arith.constant 0 : i32
      %parallel_loop3A_406 = arith.constant 0 : i32
      %parallel_loop3A_407 = tpu.memref_slice %arg8[%parallel_loop3A_115, %parallel_loop3A_405, %parallel_loop3A_406] : memref<4x64x128xf32, #tpu.memory_space<vmem>> -> memref<1x64x128xf32, #tpu.memory_space<vmem>>
      %parallel_loop3A_408 = tpu.memref_squeeze %parallel_loop3A_407 : memref<1x64x128xf32, #tpu.memory_space<vmem>> -> memref<64x128xf32, #tpu.memory_space<vmem>>
      %parallel_loop3A_409 = arith.index_cast %parallel_loop3A_372 : i32 to index
      %parallel_loop3A_410 = arith.constant 32 : index
      %parallel_loop3A_411 = tpu.vector_load %parallel_loop3A_408[%parallel_loop3A_409, %parallel_loop3A_410] {strides = array<i32>} : memref<64x128xf32, #tpu.memory_space<vmem>>, vector<16xf32>,
      %parallel_loop3A_412 = arith.constant 0 : i32
      %parallel_loop3A_413 = arith.constant 0 : i32
      %parallel_loop3A_414 = tpu.memref_slice %arg9[%parallel_loop3A_116, %parallel_loop3A_412, %parallel_loop3A_413] : memref<4x64x128xf32, #tpu.memory_space<vmem>> -> memref<1x64x128xf32, #tpu.memory_space<vmem>>
      %parallel_loop3A_415 = tpu.memref_squeeze %parallel_loop3A_414 : memref<1x64x128xf32, #tpu.memory_space<vmem>> -> memref<64x128xf32, #tpu.memory_space<vmem>>
      %parallel_loop3A_416 = arith.index_cast %parallel_loop3A_372 : i32 to index
      %parallel_loop3A_417 = arith.constant 32 : index
      %parallel_loop3A_418 = tpu.vector_load %parallel_loop3A_415[%parallel_loop3A_416, %parallel_loop3A_417] {strides = array<i32>} : memref<64x128xf32, #tpu.memory_space<vmem>>, vector<16xf32>,
      %parallel_loop3A_419 = arith.mulf %parallel_loop3A_411, %parallel_loop3A_418 : vector<16xf32>
      %parallel_loop3A_420 = arith.addf %parallel_loop3A_404, %parallel_loop3A_419 : vector<16xf32>
      %parallel_loop3A_421 = arith.constant 0 : i32
      %parallel_loop3A_422 = arith.constant 0 : i32
      %parallel_loop3A_423 = tpu.memref_slice %arg8[%parallel_loop3A_115, %parallel_loop3A_421, %parallel_loop3A_422] : memref<4x64x128xf32, #tpu.memory_space<vmem>> -> memref<1x64x128xf32, #tpu.memory_space<vmem>>
      %parallel_loop3A_424 = tpu.memref_squeeze %parallel_loop3A_423 : memref<1x64x128xf32, #tpu.memory_space<vmem>> -> memref<64x128xf32, #tpu.memory_space<vmem>>
      %parallel_loop3A_425 = arith.index_cast %parallel_loop3A_372 : i32 to index
      %parallel_loop3A_426 = arith.constant 48 : index
      %parallel_loop3A_427 = tpu.vector_load %parallel_loop3A_424[%parallel_loop3A_425, %parallel_loop3A_426] {strides = array<i32>} : memref<64x128xf32, #tpu.memory_space<vmem>>, vector<16xf32>,
      %parallel_loop3A_428 = arith.constant 0 : i32
      %parallel_loop3A_429 = arith.constant 0 : i32
      %parallel_loop3A_430 = tpu.memref_slice %arg9[%parallel_loop3A_116, %parallel_loop3A_428, %parallel_loop3A_429] : memref<4x64x128xf32, #tpu.memory_space<vmem>> -> memref<1x64x128xf32, #tpu.memory_space<vmem>>
      %parallel_loop3A_431 = tpu.memref_squeeze %parallel_loop3A_430 : memref<1x64x128xf32, #tpu.memory_space<vmem>> -> memref<64x128xf32, #tpu.memory_space<vmem>>
      %parallel_loop3A_432 = arith.index_cast %parallel_loop3A_372 : i32 to index
      %parallel_loop3A_433 = arith.constant 48 : index
      %parallel_loop3A_434 = tpu.vector_load %parallel_loop3A_431[%parallel_loop3A_432, %parallel_loop3A_433] {strides = array<i32>} : memref<64x128xf32, #tpu.memory_space<vmem>>, vector<16xf32>,
      %parallel_loop3A_435 = arith.mulf %parallel_loop3A_427, %parallel_loop3A_434 : vector<16xf32>
      %parallel_loop3A_436 = arith.addf %parallel_loop3A_420, %parallel_loop3A_435 : vector<16xf32>
      %parallel_loop3A_437 = arith.constant 0 : i32
      %parallel_loop3A_438 = arith.constant 0 : i32
      %parallel_loop3A_439 = tpu.memref_slice %arg8[%parallel_loop3A_115, %parallel_loop3A_437, %parallel_loop3A_438] : memref<4x64x128xf32, #tpu.memory_space<vmem>> -> memref<1x64x128xf32, #tpu.memory_space<vmem>>
      %parallel_loop3A_440 = tpu.memref_squeeze %parallel_loop3A_439 : memref<1x64x128xf32, #tpu.memory_space<vmem>> -> memref<64x128xf32, #tpu.memory_space<vmem>>
      %parallel_loop3A_441 = arith.index_cast %parallel_loop3A_372 : i32 to index
      %parallel_loop3A_442 = arith.constant 64 : index
      %parallel_loop3A_443 = tpu.vector_load %parallel_loop3A_440[%parallel_loop3A_441, %parallel_loop3A_442] {strides = array<i32>} : memref<64x128xf32, #tpu.memory_space<vmem>>, vector<16xf32>,
      %parallel_loop3A_444 = arith.constant 0 : i32
      %parallel_loop3A_445 = arith.constant 0 : i32
      %parallel_loop3A_446 = tpu.memref_slice %arg9[%parallel_loop3A_116, %parallel_loop3A_444, %parallel_loop3A_445] : memref<4x64x128xf32, #tpu.memory_space<vmem>> -> memref<1x64x128xf32, #tpu.memory_space<vmem>>
      %parallel_loop3A_447 = tpu.memref_squeeze %parallel_loop3A_446 : memref<1x64x128xf32, #tpu.memory_space<vmem>> -> memref<64x128xf32, #tpu.memory_space<vmem>>
      %parallel_loop3A_448 = arith.index_cast %parallel_loop3A_372 : i32 to index
      %parallel_loop3A_449 = arith.constant 64 : index
      %parallel_loop3A_450 = tpu.vector_load %parallel_loop3A_447[%parallel_loop3A_448, %parallel_loop3A_449] {strides = array<i32>} : memref<64x128xf32, #tpu.memory_space<vmem>>, vector<16xf32>,
      %parallel_loop3A_451 = arith.mulf %parallel_loop3A_443, %parallel_loop3A_450 : vector<16xf32>
      %parallel_loop3A_452 = arith.addf %parallel_loop3A_436, %parallel_loop3A_451 : vector<16xf32>
      %parallel_loop3A_453 = arith.constant 0 : i32
      %parallel_loop3A_454 = arith.constant 0 : i32
      %parallel_loop3A_455 = tpu.memref_slice %arg8[%parallel_loop3A_115, %parallel_loop3A_453, %parallel_loop3A_454] : memref<4x64x128xf32, #tpu.memory_space<vmem>> -> memref<1x64x128xf32, #tpu.memory_space<vmem>>
      %parallel_loop3A_456 = tpu.memref_squeeze %parallel_loop3A_455 : memref<1x64x128xf32, #tpu.memory_space<vmem>> -> memref<64x128xf32, #tpu.memory_space<vmem>>
      %parallel_loop3A_457 = arith.index_cast %parallel_loop3A_372 : i32 to index
      %parallel_loop3A_458 = arith.constant 80 : index
      %parallel_loop3A_459 = tpu.vector_load %parallel_loop3A_456[%parallel_loop3A_457, %parallel_loop3A_458] {strides = array<i32>} : memref<64x128xf32, #tpu.memory_space<vmem>>, vector<16xf32>,
      %parallel_loop3A_460 = arith.constant 0 : i32
      %parallel_loop3A_461 = arith.constant 0 : i32
      %parallel_loop3A_462 = tpu.memref_slice %arg9[%parallel_loop3A_116, %parallel_loop3A_460, %parallel_loop3A_461] : memref<4x64x128xf32, #tpu.memory_space<vmem>> -> memref<1x64x128xf32, #tpu.memory_space<vmem>>
      %parallel_loop3A_463 = tpu.memref_squeeze %parallel_loop3A_462 : memref<1x64x128xf32, #tpu.memory_space<vmem>> -> memref<64x128xf32, #tpu.memory_space<vmem>>
      %parallel_loop3A_464 = arith.index_cast %parallel_loop3A_372 : i32 to index
      %parallel_loop3A_465 = arith.constant 80 : index
      %parallel_loop3A_466 = tpu.vector_load %parallel_loop3A_463[%parallel_loop3A_464, %parallel_loop3A_465] {strides = array<i32>} : memref<64x128xf32, #tpu.memory_space<vmem>>, vector<16xf32>,
      %parallel_loop3A_467 = arith.mulf %parallel_loop3A_459, %parallel_loop3A_466 : vector<16xf32>
      %parallel_loop3A_468 = arith.addf %parallel_loop3A_452, %parallel_loop3A_467 : vector<16xf32>
      %parallel_loop3A_469 = arith.constant 0 : i32
      %parallel_loop3A_470 = arith.constant 0 : i32
      %parallel_loop3A_471 = tpu.memref_slice %arg8[%parallel_loop3A_115, %parallel_loop3A_469, %parallel_loop3A_470] : memref<4x64x128xf32, #tpu.memory_space<vmem>> -> memref<1x64x128xf32, #tpu.memory_space<vmem>>
      %parallel_loop3A_472 = tpu.memref_squeeze %parallel_loop3A_471 : memref<1x64x128xf32, #tpu.memory_space<vmem>> -> memref<64x128xf32, #tpu.memory_space<vmem>>
      %parallel_loop3A_473 = arith.index_cast %parallel_loop3A_372 : i32 to index
      %parallel_loop3A_474 = arith.constant 96 : index
      %parallel_loop3A_475 = tpu.vector_load %parallel_loop3A_472[%parallel_loop3A_473, %parallel_loop3A_474] {strides = array<i32>} : memref<64x128xf32, #tpu.memory_space<vmem>>, vector<16xf32>,
      %parallel_loop3A_476 = arith.constant 0 : i32
      %parallel_loop3A_477 = arith.constant 0 : i32
      %parallel_loop3A_478 = tpu.memref_slice %arg9[%parallel_loop3A_116, %parallel_loop3A_476, %parallel_loop3A_477] : memref<4x64x128xf32, #tpu.memory_space<vmem>> -> memref<1x64x128xf32, #tpu.memory_space<vmem>>
      %parallel_loop3A_479 = tpu.memref_squeeze %parallel_loop3A_478 : memref<1x64x128xf32, #tpu.memory_space<vmem>> -> memref<64x128xf32, #tpu.memory_space<vmem>>
      %parallel_loop3A_480 = arith.index_cast %parallel_loop3A_372 : i32 to index
      %parallel_loop3A_481 = arith.constant 96 : index
      %parallel_loop3A_482 = tpu.vector_load %parallel_loop3A_479[%parallel_loop3A_480, %parallel_loop3A_481] {strides = array<i32>} : memref<64x128xf32, #tpu.memory_space<vmem>>, vector<16xf32>,
      %parallel_loop3A_483 = arith.mulf %parallel_loop3A_475, %parallel_loop3A_482 : vector<16xf32>
      %parallel_loop3A_484 = arith.addf %parallel_loop3A_468, %parallel_loop3A_483 : vector<16xf32>
      %parallel_loop3A_485 = arith.constant 0 : i32
      %parallel_loop3A_486 = arith.constant 0 : i32
      %parallel_loop3A_487 = tpu.memref_slice %arg8[%parallel_loop3A_115, %parallel_loop3A_485, %parallel_loop3A_486] : memref<4x64x128xf32, #tpu.memory_space<vmem>> -> memref<1x64x128xf32, #tpu.memory_space<vmem>>
      %parallel_loop3A_488 = tpu.memref_squeeze %parallel_loop3A_487 : memref<1x64x128xf32, #tpu.memory_space<vmem>> -> memref<64x128xf32, #tpu.memory_space<vmem>>
      %parallel_loop3A_489 = arith.index_cast %parallel_loop3A_372 : i32 to index
      %parallel_loop3A_490 = arith.constant 112 : index
      %parallel_loop3A_491 = tpu.vector_load %parallel_loop3A_488[%parallel_loop3A_489, %parallel_loop3A_490] {strides = array<i32>} : memref<64x128xf32, #tpu.memory_space<vmem>>, vector<16xf32>,
      %parallel_loop3A_492 = arith.constant 0 : i32
      %parallel_loop3A_493 = arith.constant 0 : i32
      %parallel_loop3A_494 = tpu.memref_slice %arg9[%parallel_loop3A_116, %parallel_loop3A_492, %parallel_loop3A_493] : memref<4x64x128xf32, #tpu.memory_space<vmem>> -> memref<1x64x128xf32, #tpu.memory_space<vmem>>
      %parallel_loop3A_495 = tpu.memref_squeeze %parallel_loop3A_494 : memref<1x64x128xf32, #tpu.memory_space<vmem>> -> memref<64x128xf32, #tpu.memory_space<vmem>>
      %parallel_loop3A_496 = arith.index_cast %parallel_loop3A_372 : i32 to index
      %parallel_loop3A_497 = arith.constant 112 : index
      %parallel_loop3A_498 = tpu.vector_load %parallel_loop3A_495[%parallel_loop3A_496, %parallel_loop3A_497] {strides = array<i32>} : memref<64x128xf32, #tpu.memory_space<vmem>>, vector<16xf32>,
      %parallel_loop3A_499 = arith.mulf %parallel_loop3A_491, %parallel_loop3A_498 : vector<16xf32>
      %parallel_loop3A_500 = arith.addf %parallel_loop3A_484, %parallel_loop3A_499 : vector<16xf32>
      %parallel_loop3A_501 = arith.constant 0 : i32
      %parallel_loop3A_502 = arith.addi %parallel_loop3A_501, %parallel_loop3A_372 : i32
      %parallel_loop3A_503 = vector.broadcast %parallel_loop3A_502 : i32 to vector<16xi32>
      tpu.vector_store_idx %arg10[%iota3A, %parallel_loop3A_503], %parallel_loop3A_500 : memref<16x513xf32, #tpu.memory_space<vmem>>[vector<16xi32>, vector<16xi32>], vector<16xf32>,
    } {sc.loop_unroll_factor = 1 : i64, sc.parallel_access}
    %dma_start3A_117 = arith.constant 0 : i32
    %dma_start3A_118 = arith.constant 0 : i32
    %dma_start3A_119 = arith.constant 0 : i32
    %dma_start3A_120 = tpu.memref_slice %arg8[%dma_start3A_117, %dma_start3A_118, %dma_start3A_119] : memref<4x64x128xf32, #tpu.memory_space<vmem>> -> memref<1x64x128xf32, #tpu.memory_space<vmem>>
    %dma_start3A_121 = tpu.memref_squeeze %dma_start3A_120 : memref<1x64x128xf32, #tpu.memory_space<vmem>> -> memref<64x128xf32, #tpu.memory_space<vmem>>
    %dma_start3A_122 = arith.constant 256 : i32
    %dma_start3A_123 = tpu.memref_slice %arg6[%dma_start3A_122] : memref<512xi32, #tpu.memory_space<vmem>> -> memref<64xi32, #tpu.memory_space<vmem>>
    %dma_start3A_124 = arith.constant 0 : i32
    %dma_start3A_125 = arith.constant 0 : i32
    %dma_start3A_126 = tpu.memref_slice %arg4[%dma_start3A_124, %dma_start3A_125] : memref<100000x128xf32, #tpu.memory_space<hbm>> -> memref<100000x128xf32, #tpu.memory_space<hbm>>
    tpu.enqueue_indirect_dma source(%dma_start3A_126 : memref<100000x128xf32, #tpu.memory_space<hbm>>) target(%dma_start3A_121 : memref<64x128xf32, #tpu.memory_space<vmem>>) offsets(%dma_start3A_123 : memref<64xi32, #tpu.memory_space<vmem>>) semaphore(%arg11 : memref<!tpu.dma_semaphore, #tpu.memory_space<semaphore_mem>>)
    %dma_start3A_127 = arith.constant 0 : i32
    %dma_start3A_128 = arith.constant 0 : i32
    %dma_start3A_129 = arith.constant 0 : i32
    %dma_start3A_130 = tpu.memref_slice %arg9[%dma_start3A_127, %dma_start3A_128, %dma_start3A_129] : memref<4x64x128xf32, #tpu.memory_space<vmem>> -> memref<1x64x128xf32, #tpu.memory_space<vmem>>
    %dma_start3A_131 = tpu.memref_squeeze %dma_start3A_130 : memref<1x64x128xf32, #tpu.memory_space<vmem>> -> memref<64x128xf32, #tpu.memory_space<vmem>>
    %dma_start3A_132 = arith.constant 256 : i32
    %dma_start3A_133 = tpu.memref_slice %arg7[%dma_start3A_132] : memref<512xi32, #tpu.memory_space<vmem>> -> memref<64xi32, #tpu.memory_space<vmem>>
    %dma_start3A_134 = arith.constant 0 : i32
    %dma_start3A_135 = arith.constant 0 : i32
    %dma_start3A_136 = tpu.memref_slice %arg4[%dma_start3A_134, %dma_start3A_135] : memref<100000x128xf32, #tpu.memory_space<hbm>> -> memref<100000x128xf32, #tpu.memory_space<hbm>>
    tpu.enqueue_indirect_dma source(%dma_start3A_136 : memref<100000x128xf32, #tpu.memory_space<hbm>>) target(%dma_start3A_131 : memref<64x128xf32, #tpu.memory_space<vmem>>) offsets(%dma_start3A_133 : memref<64xi32, #tpu.memory_space<vmem>>) semaphore(%arg15 : memref<!tpu.dma_semaphore, #tpu.memory_space<semaphore_mem>>)
    %dma_wait3A_137 = arith.constant 1 : i32
    %dma_wait3A_138 = arith.constant 0 : i32
    %dma_wait3A_139 = arith.constant 0 : i32
    %dma_wait3A_140 = tpu.memref_slice %arg8[%dma_wait3A_137, %dma_wait3A_138, %dma_wait3A_139] : memref<4x64x128xf32, #tpu.memory_space<vmem>> -> memref<1x64x128xf32, #tpu.memory_space<vmem>>
    %dma_wait3A_141 = tpu.memref_squeeze %dma_wait3A_140 : memref<1x64x128xf32, #tpu.memory_space<vmem>> -> memref<64x128xf32, #tpu.memory_space<vmem>>
    %dma_wait3A_142 = arith.constant 64 : i32
    %dma_wait3A_143 = tpu.memref_slice %arg6[%dma_wait3A_142] : memref<512xi32, #tpu.memory_space<vmem>> -> memref<64xi32, #tpu.memory_space<vmem>>
    %dma_wait3A_144 = arith.constant 0 : i32
    %dma_wait3A_145 = arith.constant 0 : i32
    %dma_wait3A_146 = tpu.memref_slice %arg4[%dma_wait3A_144, %dma_wait3A_145] : memref<100000x128xf32, #tpu.memory_space<hbm>> -> memref<100000x128xf32, #tpu.memory_space<hbm>>
    tpu.wait_indirect_dma semaphore(%arg12 : memref<!tpu.dma_semaphore, #tpu.memory_space<semaphore_mem>>) src(%dma_wait3A_146 : memref<100000x128xf32, #tpu.memory_space<hbm>>) dst(%dma_wait3A_141 : memref<64x128xf32, #tpu.memory_space<vmem>>)
    %dma_wait3A_147 = arith.constant 1 : i32
    %dma_wait3A_148 = arith.constant 0 : i32
    %dma_wait3A_149 = arith.constant 0 : i32
    %dma_wait3A_150 = tpu.memref_slice %arg9[%dma_wait3A_147, %dma_wait3A_148, %dma_wait3A_149] : memref<4x64x128xf32, #tpu.memory_space<vmem>> -> memref<1x64x128xf32, #tpu.memory_space<vmem>>
    %dma_wait3A_151 = tpu.memref_squeeze %dma_wait3A_150 : memref<1x64x128xf32, #tpu.memory_space<vmem>> -> memref<64x128xf32, #tpu.memory_space<vmem>>
    %dma_wait3A_152 = arith.constant 64 : i32
    %dma_wait3A_153 = tpu.memref_slice %arg7[%dma_wait3A_152] : memref<512xi32, #tpu.memory_space<vmem>> -> memref<64xi32, #tpu.memory_space<vmem>>
    %dma_wait3A_154 = arith.constant 0 : i32
    %dma_wait3A_155 = arith.constant 0 : i32
    %dma_wait3A_156 = tpu.memref_slice %arg4[%dma_wait3A_154, %dma_wait3A_155] : memref<100000x128xf32, #tpu.memory_space<hbm>> -> memref<100000x128xf32, #tpu.memory_space<hbm>>
    tpu.wait_indirect_dma semaphore(%arg16 : memref<!tpu.dma_semaphore, #tpu.memory_space<semaphore_mem>>) src(%dma_wait3A_156 : memref<100000x128xf32, #tpu.memory_space<hbm>>) dst(%dma_wait3A_151 : memref<64x128xf32, #tpu.memory_space<vmem>>)
    %parallel_loop3A_157 = arith.constant 0 : i32
    %parallel_loop3A_158 = arith.constant 64 : i32
    %parallel_loop3A_159 = arith.constant 1 : i32
    %parallel_loop3A_160 = arith.constant 1 : i32
    %parallel_loop3A_161 = arith.constant 1 : i32
    scf.for %parallel_loop3A_372 = %parallel_loop3A_157 to %parallel_loop3A_158 step %parallel_loop3A_159  : i32 {
      %parallel_loop3A_373 = arith.constant 0 : i32
      %parallel_loop3A_374 = arith.constant 0 : i32
      %parallel_loop3A_375 = tpu.memref_slice %arg8[%parallel_loop3A_160, %parallel_loop3A_373, %parallel_loop3A_374] : memref<4x64x128xf32, #tpu.memory_space<vmem>> -> memref<1x64x128xf32, #tpu.memory_space<vmem>>
      %parallel_loop3A_376 = tpu.memref_squeeze %parallel_loop3A_375 : memref<1x64x128xf32, #tpu.memory_space<vmem>> -> memref<64x128xf32, #tpu.memory_space<vmem>>
      %parallel_loop3A_377 = arith.index_cast %parallel_loop3A_372 : i32 to index
      %parallel_loop3A_378 = arith.constant 0 : index
      %parallel_loop3A_379 = tpu.vector_load %parallel_loop3A_376[%parallel_loop3A_377, %parallel_loop3A_378] {strides = array<i32>} : memref<64x128xf32, #tpu.memory_space<vmem>>, vector<16xf32>,
      %parallel_loop3A_380 = arith.mulf %parallel_loop3A_379, %select_n3A : vector<16xf32>
      %parallel_loop3A_381 = arith.constant 0 : i32
      %parallel_loop3A_382 = arith.constant 0 : i32
      %parallel_loop3A_383 = tpu.memref_slice %arg9[%parallel_loop3A_161, %parallel_loop3A_381, %parallel_loop3A_382] : memref<4x64x128xf32, #tpu.memory_space<vmem>> -> memref<1x64x128xf32, #tpu.memory_space<vmem>>
      %parallel_loop3A_384 = tpu.memref_squeeze %parallel_loop3A_383 : memref<1x64x128xf32, #tpu.memory_space<vmem>> -> memref<64x128xf32, #tpu.memory_space<vmem>>
      %parallel_loop3A_385 = arith.index_cast %parallel_loop3A_372 : i32 to index
      %parallel_loop3A_386 = arith.constant 0 : index
      %parallel_loop3A_387 = tpu.vector_load %parallel_loop3A_384[%parallel_loop3A_385, %parallel_loop3A_386] {strides = array<i32>} : memref<64x128xf32, #tpu.memory_space<vmem>>, vector<16xf32>,
      %parallel_loop3A_388 = arith.mulf %parallel_loop3A_380, %parallel_loop3A_387 : vector<16xf32>
      %parallel_loop3A_389 = arith.constant 0 : i32
      %parallel_loop3A_390 = arith.constant 0 : i32
      %parallel_loop3A_391 = tpu.memref_slice %arg8[%parallel_loop3A_160, %parallel_loop3A_389, %parallel_loop3A_390] : memref<4x64x128xf32, #tpu.memory_space<vmem>> -> memref<1x64x128xf32, #tpu.memory_space<vmem>>
      %parallel_loop3A_392 = tpu.memref_squeeze %parallel_loop3A_391 : memref<1x64x128xf32, #tpu.memory_space<vmem>> -> memref<64x128xf32, #tpu.memory_space<vmem>>
      %parallel_loop3A_393 = arith.index_cast %parallel_loop3A_372 : i32 to index
      %parallel_loop3A_394 = arith.constant 16 : index
      %parallel_loop3A_395 = tpu.vector_load %parallel_loop3A_392[%parallel_loop3A_393, %parallel_loop3A_394] {strides = array<i32>} : memref<64x128xf32, #tpu.memory_space<vmem>>, vector<16xf32>,
      %parallel_loop3A_396 = arith.constant 0 : i32
      %parallel_loop3A_397 = arith.constant 0 : i32
      %parallel_loop3A_398 = tpu.memref_slice %arg9[%parallel_loop3A_161, %parallel_loop3A_396, %parallel_loop3A_397] : memref<4x64x128xf32, #tpu.memory_space<vmem>> -> memref<1x64x128xf32, #tpu.memory_space<vmem>>
      %parallel_loop3A_399 = tpu.memref_squeeze %parallel_loop3A_398 : memref<1x64x128xf32, #tpu.memory_space<vmem>> -> memref<64x128xf32, #tpu.memory_space<vmem>>
      %parallel_loop3A_400 = arith.index_cast %parallel_loop3A_372 : i32 to index
      %parallel_loop3A_401 = arith.constant 16 : index
      %parallel_loop3A_402 = tpu.vector_load %parallel_loop3A_399[%parallel_loop3A_400, %parallel_loop3A_401] {strides = array<i32>} : memref<64x128xf32, #tpu.memory_space<vmem>>, vector<16xf32>,
      %parallel_loop3A_403 = arith.mulf %parallel_loop3A_395, %parallel_loop3A_402 : vector<16xf32>
      %parallel_loop3A_404 = arith.addf %parallel_loop3A_388, %parallel_loop3A_403 : vector<16xf32>
      %parallel_loop3A_405 = arith.constant 0 : i32
      %parallel_loop3A_406 = arith.constant 0 : i32
      %parallel_loop3A_407 = tpu.memref_slice %arg8[%parallel_loop3A_160, %parallel_loop3A_405, %parallel_loop3A_406] : memref<4x64x128xf32, #tpu.memory_space<vmem>> -> memref<1x64x128xf32, #tpu.memory_space<vmem>>
      %parallel_loop3A_408 = tpu.memref_squeeze %parallel_loop3A_407 : memref<1x64x128xf32, #tpu.memory_space<vmem>> -> memref<64x128xf32, #tpu.memory_space<vmem>>
      %parallel_loop3A_409 = arith.index_cast %parallel_loop3A_372 : i32 to index
      %parallel_loop3A_410 = arith.constant 32 : index
      %parallel_loop3A_411 = tpu.vector_load %parallel_loop3A_408[%parallel_loop3A_409, %parallel_loop3A_410] {strides = array<i32>} : memref<64x128xf32, #tpu.memory_space<vmem>>, vector<16xf32>,
      %parallel_loop3A_412 = arith.constant 0 : i32
      %parallel_loop3A_413 = arith.constant 0 : i32
      %parallel_loop3A_414 = tpu.memref_slice %arg9[%parallel_loop3A_161, %parallel_loop3A_412, %parallel_loop3A_413] : memref<4x64x128xf32, #tpu.memory_space<vmem>> -> memref<1x64x128xf32, #tpu.memory_space<vmem>>
      %parallel_loop3A_415 = tpu.memref_squeeze %parallel_loop3A_414 : memref<1x64x128xf32, #tpu.memory_space<vmem>> -> memref<64x128xf32, #tpu.memory_space<vmem>>
      %parallel_loop3A_416 = arith.index_cast %parallel_loop3A_372 : i32 to index
      %parallel_loop3A_417 = arith.constant 32 : index
      %parallel_loop3A_418 = tpu.vector_load %parallel_loop3A_415[%parallel_loop3A_416, %parallel_loop3A_417] {strides = array<i32>} : memref<64x128xf32, #tpu.memory_space<vmem>>, vector<16xf32>,
      %parallel_loop3A_419 = arith.mulf %parallel_loop3A_411, %parallel_loop3A_418 : vector<16xf32>
      %parallel_loop3A_420 = arith.addf %parallel_loop3A_404, %parallel_loop3A_419 : vector<16xf32>
      %parallel_loop3A_421 = arith.constant 0 : i32
      %parallel_loop3A_422 = arith.constant 0 : i32
      %parallel_loop3A_423 = tpu.memref_slice %arg8[%parallel_loop3A_160, %parallel_loop3A_421, %parallel_loop3A_422] : memref<4x64x128xf32, #tpu.memory_space<vmem>> -> memref<1x64x128xf32, #tpu.memory_space<vmem>>
      %parallel_loop3A_424 = tpu.memref_squeeze %parallel_loop3A_423 : memref<1x64x128xf32, #tpu.memory_space<vmem>> -> memref<64x128xf32, #tpu.memory_space<vmem>>
      %parallel_loop3A_425 = arith.index_cast %parallel_loop3A_372 : i32 to index
      %parallel_loop3A_426 = arith.constant 48 : index
      %parallel_loop3A_427 = tpu.vector_load %parallel_loop3A_424[%parallel_loop3A_425, %parallel_loop3A_426] {strides = array<i32>} : memref<64x128xf32, #tpu.memory_space<vmem>>, vector<16xf32>,
      %parallel_loop3A_428 = arith.constant 0 : i32
      %parallel_loop3A_429 = arith.constant 0 : i32
      %parallel_loop3A_430 = tpu.memref_slice %arg9[%parallel_loop3A_161, %parallel_loop3A_428, %parallel_loop3A_429] : memref<4x64x128xf32, #tpu.memory_space<vmem>> -> memref<1x64x128xf32, #tpu.memory_space<vmem>>
      %parallel_loop3A_431 = tpu.memref_squeeze %parallel_loop3A_430 : memref<1x64x128xf32, #tpu.memory_space<vmem>> -> memref<64x128xf32, #tpu.memory_space<vmem>>
      %parallel_loop3A_432 = arith.index_cast %parallel_loop3A_372 : i32 to index
      %parallel_loop3A_433 = arith.constant 48 : index
      %parallel_loop3A_434 = tpu.vector_load %parallel_loop3A_431[%parallel_loop3A_432, %parallel_loop3A_433] {strides = array<i32>} : memref<64x128xf32, #tpu.memory_space<vmem>>, vector<16xf32>,
      %parallel_loop3A_435 = arith.mulf %parallel_loop3A_427, %parallel_loop3A_434 : vector<16xf32>
      %parallel_loop3A_436 = arith.addf %parallel_loop3A_420, %parallel_loop3A_435 : vector<16xf32>
      %parallel_loop3A_437 = arith.constant 0 : i32
      %parallel_loop3A_438 = arith.constant 0 : i32
      %parallel_loop3A_439 = tpu.memref_slice %arg8[%parallel_loop3A_160, %parallel_loop3A_437, %parallel_loop3A_438] : memref<4x64x128xf32, #tpu.memory_space<vmem>> -> memref<1x64x128xf32, #tpu.memory_space<vmem>>
      %parallel_loop3A_440 = tpu.memref_squeeze %parallel_loop3A_439 : memref<1x64x128xf32, #tpu.memory_space<vmem>> -> memref<64x128xf32, #tpu.memory_space<vmem>>
      %parallel_loop3A_441 = arith.index_cast %parallel_loop3A_372 : i32 to index
      %parallel_loop3A_442 = arith.constant 64 : index
      %parallel_loop3A_443 = tpu.vector_load %parallel_loop3A_440[%parallel_loop3A_441, %parallel_loop3A_442] {strides = array<i32>} : memref<64x128xf32, #tpu.memory_space<vmem>>, vector<16xf32>,
      %parallel_loop3A_444 = arith.constant 0 : i32
      %parallel_loop3A_445 = arith.constant 0 : i32
      %parallel_loop3A_446 = tpu.memref_slice %arg9[%parallel_loop3A_161, %parallel_loop3A_444, %parallel_loop3A_445] : memref<4x64x128xf32, #tpu.memory_space<vmem>> -> memref<1x64x128xf32, #tpu.memory_space<vmem>>
      %parallel_loop3A_447 = tpu.memref_squeeze %parallel_loop3A_446 : memref<1x64x128xf32, #tpu.memory_space<vmem>> -> memref<64x128xf32, #tpu.memory_space<vmem>>
      %parallel_loop3A_448 = arith.index_cast %parallel_loop3A_372 : i32 to index
      %parallel_loop3A_449 = arith.constant 64 : index
      %parallel_loop3A_450 = tpu.vector_load %parallel_loop3A_447[%parallel_loop3A_448, %parallel_loop3A_449] {strides = array<i32>} : memref<64x128xf32, #tpu.memory_space<vmem>>, vector<16xf32>,
      %parallel_loop3A_451 = arith.mulf %parallel_loop3A_443, %parallel_loop3A_450 : vector<16xf32>
      %parallel_loop3A_452 = arith.addf %parallel_loop3A_436, %parallel_loop3A_451 : vector<16xf32>
      %parallel_loop3A_453 = arith.constant 0 : i32
      %parallel_loop3A_454 = arith.constant 0 : i32
      %parallel_loop3A_455 = tpu.memref_slice %arg8[%parallel_loop3A_160, %parallel_loop3A_453, %parallel_loop3A_454] : memref<4x64x128xf32, #tpu.memory_space<vmem>> -> memref<1x64x128xf32, #tpu.memory_space<vmem>>
      %parallel_loop3A_456 = tpu.memref_squeeze %parallel_loop3A_455 : memref<1x64x128xf32, #tpu.memory_space<vmem>> -> memref<64x128xf32, #tpu.memory_space<vmem>>
      %parallel_loop3A_457 = arith.index_cast %parallel_loop3A_372 : i32 to index
      %parallel_loop3A_458 = arith.constant 80 : index
      %parallel_loop3A_459 = tpu.vector_load %parallel_loop3A_456[%parallel_loop3A_457, %parallel_loop3A_458] {strides = array<i32>} : memref<64x128xf32, #tpu.memory_space<vmem>>, vector<16xf32>,
      %parallel_loop3A_460 = arith.constant 0 : i32
      %parallel_loop3A_461 = arith.constant 0 : i32
      %parallel_loop3A_462 = tpu.memref_slice %arg9[%parallel_loop3A_161, %parallel_loop3A_460, %parallel_loop3A_461] : memref<4x64x128xf32, #tpu.memory_space<vmem>> -> memref<1x64x128xf32, #tpu.memory_space<vmem>>
      %parallel_loop3A_463 = tpu.memref_squeeze %parallel_loop3A_462 : memref<1x64x128xf32, #tpu.memory_space<vmem>> -> memref<64x128xf32, #tpu.memory_space<vmem>>
      %parallel_loop3A_464 = arith.index_cast %parallel_loop3A_372 : i32 to index
      %parallel_loop3A_465 = arith.constant 80 : index
      %parallel_loop3A_466 = tpu.vector_load %parallel_loop3A_463[%parallel_loop3A_464, %parallel_loop3A_465] {strides = array<i32>} : memref<64x128xf32, #tpu.memory_space<vmem>>, vector<16xf32>,
      %parallel_loop3A_467 = arith.mulf %parallel_loop3A_459, %parallel_loop3A_466 : vector<16xf32>
      %parallel_loop3A_468 = arith.addf %parallel_loop3A_452, %parallel_loop3A_467 : vector<16xf32>
      %parallel_loop3A_469 = arith.constant 0 : i32
      %parallel_loop3A_470 = arith.constant 0 : i32
      %parallel_loop3A_471 = tpu.memref_slice %arg8[%parallel_loop3A_160, %parallel_loop3A_469, %parallel_loop3A_470] : memref<4x64x128xf32, #tpu.memory_space<vmem>> -> memref<1x64x128xf32, #tpu.memory_space<vmem>>
      %parallel_loop3A_472 = tpu.memref_squeeze %parallel_loop3A_471 : memref<1x64x128xf32, #tpu.memory_space<vmem>> -> memref<64x128xf32, #tpu.memory_space<vmem>>
      %parallel_loop3A_473 = arith.index_cast %parallel_loop3A_372 : i32 to index
      %parallel_loop3A_474 = arith.constant 96 : index
      %parallel_loop3A_475 = tpu.vector_load %parallel_loop3A_472[%parallel_loop3A_473, %parallel_loop3A_474] {strides = array<i32>} : memref<64x128xf32, #tpu.memory_space<vmem>>, vector<16xf32>,
      %parallel_loop3A_476 = arith.constant 0 : i32
      %parallel_loop3A_477 = arith.constant 0 : i32
      %parallel_loop3A_478 = tpu.memref_slice %arg9[%parallel_loop3A_161, %parallel_loop3A_476, %parallel_loop3A_477] : memref<4x64x128xf32, #tpu.memory_space<vmem>> -> memref<1x64x128xf32, #tpu.memory_space<vmem>>
      %parallel_loop3A_479 = tpu.memref_squeeze %parallel_loop3A_478 : memref<1x64x128xf32, #tpu.memory_space<vmem>> -> memref<64x128xf32, #tpu.memory_space<vmem>>
      %parallel_loop3A_480 = arith.index_cast %parallel_loop3A_372 : i32 to index
      %parallel_loop3A_481 = arith.constant 96 : index
      %parallel_loop3A_482 = tpu.vector_load %parallel_loop3A_479[%parallel_loop3A_480, %parallel_loop3A_481] {strides = array<i32>} : memref<64x128xf32, #tpu.memory_space<vmem>>, vector<16xf32>,
      %parallel_loop3A_483 = arith.mulf %parallel_loop3A_475, %parallel_loop3A_482 : vector<16xf32>
      %parallel_loop3A_484 = arith.addf %parallel_loop3A_468, %parallel_loop3A_483 : vector<16xf32>
      %parallel_loop3A_485 = arith.constant 0 : i32
      %parallel_loop3A_486 = arith.constant 0 : i32
      %parallel_loop3A_487 = tpu.memref_slice %arg8[%parallel_loop3A_160, %parallel_loop3A_485, %parallel_loop3A_486] : memref<4x64x128xf32, #tpu.memory_space<vmem>> -> memref<1x64x128xf32, #tpu.memory_space<vmem>>
      %parallel_loop3A_488 = tpu.memref_squeeze %parallel_loop3A_487 : memref<1x64x128xf32, #tpu.memory_space<vmem>> -> memref<64x128xf32, #tpu.memory_space<vmem>>
      %parallel_loop3A_489 = arith.index_cast %parallel_loop3A_372 : i32 to index
      %parallel_loop3A_490 = arith.constant 112 : index
      %parallel_loop3A_491 = tpu.vector_load %parallel_loop3A_488[%parallel_loop3A_489, %parallel_loop3A_490] {strides = array<i32>} : memref<64x128xf32, #tpu.memory_space<vmem>>, vector<16xf32>,
      %parallel_loop3A_492 = arith.constant 0 : i32
      %parallel_loop3A_493 = arith.constant 0 : i32
      %parallel_loop3A_494 = tpu.memref_slice %arg9[%parallel_loop3A_161, %parallel_loop3A_492, %parallel_loop3A_493] : memref<4x64x128xf32, #tpu.memory_space<vmem>> -> memref<1x64x128xf32, #tpu.memory_space<vmem>>
      %parallel_loop3A_495 = tpu.memref_squeeze %parallel_loop3A_494 : memref<1x64x128xf32, #tpu.memory_space<vmem>> -> memref<64x128xf32, #tpu.memory_space<vmem>>
      %parallel_loop3A_496 = arith.index_cast %parallel_loop3A_372 : i32 to index
      %parallel_loop3A_497 = arith.constant 112 : index
      %parallel_loop3A_498 = tpu.vector_load %parallel_loop3A_495[%parallel_loop3A_496, %parallel_loop3A_497] {strides = array<i32>} : memref<64x128xf32, #tpu.memory_space<vmem>>, vector<16xf32>,
      %parallel_loop3A_499 = arith.mulf %parallel_loop3A_491, %parallel_loop3A_498 : vector<16xf32>
      %parallel_loop3A_500 = arith.addf %parallel_loop3A_484, %parallel_loop3A_499 : vector<16xf32>
      %parallel_loop3A_501 = arith.constant 64 : i32
      %parallel_loop3A_502 = arith.addi %parallel_loop3A_501, %parallel_loop3A_372 : i32
      %parallel_loop3A_503 = vector.broadcast %parallel_loop3A_502 : i32 to vector<16xi32>
      tpu.vector_store_idx %arg10[%iota3A, %parallel_loop3A_503], %parallel_loop3A_500 : memref<16x513xf32, #tpu.memory_space<vmem>>[vector<16xi32>, vector<16xi32>], vector<16xf32>,
    } {sc.loop_unroll_factor = 1 : i64, sc.parallel_access}
    %dma_start3A_162 = arith.constant 1 : i32
    %dma_start3A_163 = arith.constant 0 : i32
    %dma_start3A_164 = arith.constant 0 : i32
    %dma_start3A_165 = tpu.memref_slice %arg8[%dma_start3A_162, %dma_start3A_163, %dma_start3A_164] : memref<4x64x128xf32, #tpu.memory_space<vmem>> -> memref<1x64x128xf32, #tpu.memory_space<vmem>>
    %dma_start3A_166 = tpu.memref_squeeze %dma_start3A_165 : memref<1x64x128xf32, #tpu.memory_space<vmem>> -> memref<64x128xf32, #tpu.memory_space<vmem>>
    %dma_start3A_167 = arith.constant 320 : i32
    %dma_start3A_168 = tpu.memref_slice %arg6[%dma_start3A_167] : memref<512xi32, #tpu.memory_space<vmem>> -> memref<64xi32, #tpu.memory_space<vmem>>
    %dma_start3A_169 = arith.constant 0 : i32
    %dma_start3A_170 = arith.constant 0 : i32
    %dma_start3A_171 = tpu.memref_slice %arg4[%dma_start3A_169, %dma_start3A_170] : memref<100000x128xf32, #tpu.memory_space<hbm>> -> memref<100000x128xf32, #tpu.memory_space<hbm>>
    tpu.enqueue_indirect_dma source(%dma_start3A_171 : memref<100000x128xf32, #tpu.memory_space<hbm>>) target(%dma_start3A_166 : memref<64x128xf32, #tpu.memory_space<vmem>>) offsets(%dma_start3A_168 : memref<64xi32, #tpu.memory_space<vmem>>) semaphore(%arg12 : memref<!tpu.dma_semaphore, #tpu.memory_space<semaphore_mem>>)
    %dma_start3A_172 = arith.constant 1 : i32
    %dma_start3A_173 = arith.constant 0 : i32
    %dma_start3A_174 = arith.constant 0 : i32
    %dma_start3A_175 = tpu.memref_slice %arg9[%dma_start3A_172, %dma_start3A_173, %dma_start3A_174] : memref<4x64x128xf32, #tpu.memory_space<vmem>> -> memref<1x64x128xf32, #tpu.memory_space<vmem>>
    %dma_start3A_176 = tpu.memref_squeeze %dma_start3A_175 : memref<1x64x128xf32, #tpu.memory_space<vmem>> -> memref<64x128xf32, #tpu.memory_space<vmem>>
    %dma_start3A_177 = arith.constant 320 : i32
    %dma_start3A_178 = tpu.memref_slice %arg7[%dma_start3A_177] : memref<512xi32, #tpu.memory_space<vmem>> -> memref<64xi32, #tpu.memory_space<vmem>>
    %dma_start3A_179 = arith.constant 0 : i32
    %dma_start3A_180 = arith.constant 0 : i32
    %dma_start3A_181 = tpu.memref_slice %arg4[%dma_start3A_179, %dma_start3A_180] : memref<100000x128xf32, #tpu.memory_space<hbm>> -> memref<100000x128xf32, #tpu.memory_space<hbm>>
    tpu.enqueue_indirect_dma source(%dma_start3A_181 : memref<100000x128xf32, #tpu.memory_space<hbm>>) target(%dma_start3A_176 : memref<64x128xf32, #tpu.memory_space<vmem>>) offsets(%dma_start3A_178 : memref<64xi32, #tpu.memory_space<vmem>>) semaphore(%arg16 : memref<!tpu.dma_semaphore, #tpu.memory_space<semaphore_mem>>)
    %dma_wait3A_182 = arith.constant 2 : i32
    %dma_wait3A_183 = arith.constant 0 : i32
    %dma_wait3A_184 = arith.constant 0 : i32
    %dma_wait3A_185 = tpu.memref_slice %arg8[%dma_wait3A_182, %dma_wait3A_183, %dma_wait3A_184] : memref<4x64x128xf32, #tpu.memory_space<vmem>> -> memref<1x64x128xf32, #tpu.memory_space<vmem>>
    %dma_wait3A_186 = tpu.memref_squeeze %dma_wait3A_185 : memref<1x64x128xf32, #tpu.memory_space<vmem>> -> memref<64x128xf32, #tpu.memory_space<vmem>>
    %dma_wait3A_187 = arith.constant 128 : i32
    %dma_wait3A_188 = tpu.memref_slice %arg6[%dma_wait3A_187] : memref<512xi32, #tpu.memory_space<vmem>> -> memref<64xi32, #tpu.memory_space<vmem>>
    %dma_wait3A_189 = arith.constant 0 : i32
    %dma_wait3A_190 = arith.constant 0 : i32
    %dma_wait3A_191 = tpu.memref_slice %arg4[%dma_wait3A_189, %dma_wait3A_190] : memref<100000x128xf32, #tpu.memory_space<hbm>> -> memref<100000x128xf32, #tpu.memory_space<hbm>>
    tpu.wait_indirect_dma semaphore(%arg13 : memref<!tpu.dma_semaphore, #tpu.memory_space<semaphore_mem>>) src(%dma_wait3A_191 : memref<100000x128xf32, #tpu.memory_space<hbm>>) dst(%dma_wait3A_186 : memref<64x128xf32, #tpu.memory_space<vmem>>)
    %dma_wait3A_192 = arith.constant 2 : i32
    %dma_wait3A_193 = arith.constant 0 : i32
    %dma_wait3A_194 = arith.constant 0 : i32
    %dma_wait3A_195 = tpu.memref_slice %arg9[%dma_wait3A_192, %dma_wait3A_193, %dma_wait3A_194] : memref<4x64x128xf32, #tpu.memory_space<vmem>> -> memref<1x64x128xf32, #tpu.memory_space<vmem>>
    %dma_wait3A_196 = tpu.memref_squeeze %dma_wait3A_195 : memref<1x64x128xf32, #tpu.memory_space<vmem>> -> memref<64x128xf32, #tpu.memory_space<vmem>>
    %dma_wait3A_197 = arith.constant 128 : i32
    %dma_wait3A_198 = tpu.memref_slice %arg7[%dma_wait3A_197] : memref<512xi32, #tpu.memory_space<vmem>> -> memref<64xi32, #tpu.memory_space<vmem>>
    %dma_wait3A_199 = arith.constant 0 : i32
    %dma_wait3A_200 = arith.constant 0 : i32
    %dma_wait3A_201 = tpu.memref_slice %arg4[%dma_wait3A_199, %dma_wait3A_200] : memref<100000x128xf32, #tpu.memory_space<hbm>> -> memref<100000x128xf32, #tpu.memory_space<hbm>>
    tpu.wait_indirect_dma semaphore(%arg17 : memref<!tpu.dma_semaphore, #tpu.memory_space<semaphore_mem>>) src(%dma_wait3A_201 : memref<100000x128xf32, #tpu.memory_space<hbm>>) dst(%dma_wait3A_196 : memref<64x128xf32, #tpu.memory_space<vmem>>)
    %parallel_loop3A_202 = arith.constant 0 : i32
    %parallel_loop3A_203 = arith.constant 64 : i32
    %parallel_loop3A_204 = arith.constant 1 : i32
    %parallel_loop3A_205 = arith.constant 2 : i32
    %parallel_loop3A_206 = arith.constant 2 : i32
    scf.for %parallel_loop3A_372 = %parallel_loop3A_202 to %parallel_loop3A_203 step %parallel_loop3A_204  : i32 {
      %parallel_loop3A_373 = arith.constant 0 : i32
      %parallel_loop3A_374 = arith.constant 0 : i32
      %parallel_loop3A_375 = tpu.memref_slice %arg8[%parallel_loop3A_205, %parallel_loop3A_373, %parallel_loop3A_374] : memref<4x64x128xf32, #tpu.memory_space<vmem>> -> memref<1x64x128xf32, #tpu.memory_space<vmem>>
      %parallel_loop3A_376 = tpu.memref_squeeze %parallel_loop3A_375 : memref<1x64x128xf32, #tpu.memory_space<vmem>> -> memref<64x128xf32, #tpu.memory_space<vmem>>
      %parallel_loop3A_377 = arith.index_cast %parallel_loop3A_372 : i32 to index
      %parallel_loop3A_378 = arith.constant 0 : index
      %parallel_loop3A_379 = tpu.vector_load %parallel_loop3A_376[%parallel_loop3A_377, %parallel_loop3A_378] {strides = array<i32>} : memref<64x128xf32, #tpu.memory_space<vmem>>, vector<16xf32>,
      %parallel_loop3A_380 = arith.mulf %parallel_loop3A_379, %select_n3A : vector<16xf32>
      %parallel_loop3A_381 = arith.constant 0 : i32
      %parallel_loop3A_382 = arith.constant 0 : i32
      %parallel_loop3A_383 = tpu.memref_slice %arg9[%parallel_loop3A_206, %parallel_loop3A_381, %parallel_loop3A_382] : memref<4x64x128xf32, #tpu.memory_space<vmem>> -> memref<1x64x128xf32, #tpu.memory_space<vmem>>
      %parallel_loop3A_384 = tpu.memref_squeeze %parallel_loop3A_383 : memref<1x64x128xf32, #tpu.memory_space<vmem>> -> memref<64x128xf32, #tpu.memory_space<vmem>>
      %parallel_loop3A_385 = arith.index_cast %parallel_loop3A_372 : i32 to index
      %parallel_loop3A_386 = arith.constant 0 : index
      %parallel_loop3A_387 = tpu.vector_load %parallel_loop3A_384[%parallel_loop3A_385, %parallel_loop3A_386] {strides = array<i32>} : memref<64x128xf32, #tpu.memory_space<vmem>>, vector<16xf32>,
      %parallel_loop3A_388 = arith.mulf %parallel_loop3A_380, %parallel_loop3A_387 : vector<16xf32>
      %parallel_loop3A_389 = arith.constant 0 : i32
      %parallel_loop3A_390 = arith.constant 0 : i32
      %parallel_loop3A_391 = tpu.memref_slice %arg8[%parallel_loop3A_205, %parallel_loop3A_389, %parallel_loop3A_390] : memref<4x64x128xf32, #tpu.memory_space<vmem>> -> memref<1x64x128xf32, #tpu.memory_space<vmem>>
      %parallel_loop3A_392 = tpu.memref_squeeze %parallel_loop3A_391 : memref<1x64x128xf32, #tpu.memory_space<vmem>> -> memref<64x128xf32, #tpu.memory_space<vmem>>
      %parallel_loop3A_393 = arith.index_cast %parallel_loop3A_372 : i32 to index
      %parallel_loop3A_394 = arith.constant 16 : index
      %parallel_loop3A_395 = tpu.vector_load %parallel_loop3A_392[%parallel_loop3A_393, %parallel_loop3A_394] {strides = array<i32>} : memref<64x128xf32, #tpu.memory_space<vmem>>, vector<16xf32>,
      %parallel_loop3A_396 = arith.constant 0 : i32
      %parallel_loop3A_397 = arith.constant 0 : i32
      %parallel_loop3A_398 = tpu.memref_slice %arg9[%parallel_loop3A_206, %parallel_loop3A_396, %parallel_loop3A_397] : memref<4x64x128xf32, #tpu.memory_space<vmem>> -> memref<1x64x128xf32, #tpu.memory_space<vmem>>
      %parallel_loop3A_399 = tpu.memref_squeeze %parallel_loop3A_398 : memref<1x64x128xf32, #tpu.memory_space<vmem>> -> memref<64x128xf32, #tpu.memory_space<vmem>>
      %parallel_loop3A_400 = arith.index_cast %parallel_loop3A_372 : i32 to index
      %parallel_loop3A_401 = arith.constant 16 : index
      %parallel_loop3A_402 = tpu.vector_load %parallel_loop3A_399[%parallel_loop3A_400, %parallel_loop3A_401] {strides = array<i32>} : memref<64x128xf32, #tpu.memory_space<vmem>>, vector<16xf32>,
      %parallel_loop3A_403 = arith.mulf %parallel_loop3A_395, %parallel_loop3A_402 : vector<16xf32>
      %parallel_loop3A_404 = arith.addf %parallel_loop3A_388, %parallel_loop3A_403 : vector<16xf32>
      %parallel_loop3A_405 = arith.constant 0 : i32
      %parallel_loop3A_406 = arith.constant 0 : i32
      %parallel_loop3A_407 = tpu.memref_slice %arg8[%parallel_loop3A_205, %parallel_loop3A_405, %parallel_loop3A_406] : memref<4x64x128xf32, #tpu.memory_space<vmem>> -> memref<1x64x128xf32, #tpu.memory_space<vmem>>
      %parallel_loop3A_408 = tpu.memref_squeeze %parallel_loop3A_407 : memref<1x64x128xf32, #tpu.memory_space<vmem>> -> memref<64x128xf32, #tpu.memory_space<vmem>>
      %parallel_loop3A_409 = arith.index_cast %parallel_loop3A_372 : i32 to index
      %parallel_loop3A_410 = arith.constant 32 : index
      %parallel_loop3A_411 = tpu.vector_load %parallel_loop3A_408[%parallel_loop3A_409, %parallel_loop3A_410] {strides = array<i32>} : memref<64x128xf32, #tpu.memory_space<vmem>>, vector<16xf32>,
      %parallel_loop3A_412 = arith.constant 0 : i32
      %parallel_loop3A_413 = arith.constant 0 : i32
      %parallel_loop3A_414 = tpu.memref_slice %arg9[%parallel_loop3A_206, %parallel_loop3A_412, %parallel_loop3A_413] : memref<4x64x128xf32, #tpu.memory_space<vmem>> -> memref<1x64x128xf32, #tpu.memory_space<vmem>>
      %parallel_loop3A_415 = tpu.memref_squeeze %parallel_loop3A_414 : memref<1x64x128xf32, #tpu.memory_space<vmem>> -> memref<64x128xf32, #tpu.memory_space<vmem>>
      %parallel_loop3A_416 = arith.index_cast %parallel_loop3A_372 : i32 to index
      %parallel_loop3A_417 = arith.constant 32 : index
      %parallel_loop3A_418 = tpu.vector_load %parallel_loop3A_415[%parallel_loop3A_416, %parallel_loop3A_417] {strides = array<i32>} : memref<64x128xf32, #tpu.memory_space<vmem>>, vector<16xf32>,
      %parallel_loop3A_419 = arith.mulf %parallel_loop3A_411, %parallel_loop3A_418 : vector<16xf32>
      %parallel_loop3A_420 = arith.addf %parallel_loop3A_404, %parallel_loop3A_419 : vector<16xf32>
      %parallel_loop3A_421 = arith.constant 0 : i32
      %parallel_loop3A_422 = arith.constant 0 : i32
      %parallel_loop3A_423 = tpu.memref_slice %arg8[%parallel_loop3A_205, %parallel_loop3A_421, %parallel_loop3A_422] : memref<4x64x128xf32, #tpu.memory_space<vmem>> -> memref<1x64x128xf32, #tpu.memory_space<vmem>>
      %parallel_loop3A_424 = tpu.memref_squeeze %parallel_loop3A_423 : memref<1x64x128xf32, #tpu.memory_space<vmem>> -> memref<64x128xf32, #tpu.memory_space<vmem>>
      %parallel_loop3A_425 = arith.index_cast %parallel_loop3A_372 : i32 to index
      %parallel_loop3A_426 = arith.constant 48 : index
      %parallel_loop3A_427 = tpu.vector_load %parallel_loop3A_424[%parallel_loop3A_425, %parallel_loop3A_426] {strides = array<i32>} : memref<64x128xf32, #tpu.memory_space<vmem>>, vector<16xf32>,
      %parallel_loop3A_428 = arith.constant 0 : i32
      %parallel_loop3A_429 = arith.constant 0 : i32
      %parallel_loop3A_430 = tpu.memref_slice %arg9[%parallel_loop3A_206, %parallel_loop3A_428, %parallel_loop3A_429] : memref<4x64x128xf32, #tpu.memory_space<vmem>> -> memref<1x64x128xf32, #tpu.memory_space<vmem>>
      %parallel_loop3A_431 = tpu.memref_squeeze %parallel_loop3A_430 : memref<1x64x128xf32, #tpu.memory_space<vmem>> -> memref<64x128xf32, #tpu.memory_space<vmem>>
      %parallel_loop3A_432 = arith.index_cast %parallel_loop3A_372 : i32 to index
      %parallel_loop3A_433 = arith.constant 48 : index
      %parallel_loop3A_434 = tpu.vector_load %parallel_loop3A_431[%parallel_loop3A_432, %parallel_loop3A_433] {strides = array<i32>} : memref<64x128xf32, #tpu.memory_space<vmem>>, vector<16xf32>,
      %parallel_loop3A_435 = arith.mulf %parallel_loop3A_427, %parallel_loop3A_434 : vector<16xf32>
      %parallel_loop3A_436 = arith.addf %parallel_loop3A_420, %parallel_loop3A_435 : vector<16xf32>
      %parallel_loop3A_437 = arith.constant 0 : i32
      %parallel_loop3A_438 = arith.constant 0 : i32
      %parallel_loop3A_439 = tpu.memref_slice %arg8[%parallel_loop3A_205, %parallel_loop3A_437, %parallel_loop3A_438] : memref<4x64x128xf32, #tpu.memory_space<vmem>> -> memref<1x64x128xf32, #tpu.memory_space<vmem>>
      %parallel_loop3A_440 = tpu.memref_squeeze %parallel_loop3A_439 : memref<1x64x128xf32, #tpu.memory_space<vmem>> -> memref<64x128xf32, #tpu.memory_space<vmem>>
      %parallel_loop3A_441 = arith.index_cast %parallel_loop3A_372 : i32 to index
      %parallel_loop3A_442 = arith.constant 64 : index
      %parallel_loop3A_443 = tpu.vector_load %parallel_loop3A_440[%parallel_loop3A_441, %parallel_loop3A_442] {strides = array<i32>} : memref<64x128xf32, #tpu.memory_space<vmem>>, vector<16xf32>,
      %parallel_loop3A_444 = arith.constant 0 : i32
      %parallel_loop3A_445 = arith.constant 0 : i32
      %parallel_loop3A_446 = tpu.memref_slice %arg9[%parallel_loop3A_206, %parallel_loop3A_444, %parallel_loop3A_445] : memref<4x64x128xf32, #tpu.memory_space<vmem>> -> memref<1x64x128xf32, #tpu.memory_space<vmem>>
      %parallel_loop3A_447 = tpu.memref_squeeze %parallel_loop3A_446 : memref<1x64x128xf32, #tpu.memory_space<vmem>> -> memref<64x128xf32, #tpu.memory_space<vmem>>
      %parallel_loop3A_448 = arith.index_cast %parallel_loop3A_372 : i32 to index
      %parallel_loop3A_449 = arith.constant 64 : index
      %parallel_loop3A_450 = tpu.vector_load %parallel_loop3A_447[%parallel_loop3A_448, %parallel_loop3A_449] {strides = array<i32>} : memref<64x128xf32, #tpu.memory_space<vmem>>, vector<16xf32>,
      %parallel_loop3A_451 = arith.mulf %parallel_loop3A_443, %parallel_loop3A_450 : vector<16xf32>
      %parallel_loop3A_452 = arith.addf %parallel_loop3A_436, %parallel_loop3A_451 : vector<16xf32>
      %parallel_loop3A_453 = arith.constant 0 : i32
      %parallel_loop3A_454 = arith.constant 0 : i32
      %parallel_loop3A_455 = tpu.memref_slice %arg8[%parallel_loop3A_205, %parallel_loop3A_453, %parallel_loop3A_454] : memref<4x64x128xf32, #tpu.memory_space<vmem>> -> memref<1x64x128xf32, #tpu.memory_space<vmem>>
      %parallel_loop3A_456 = tpu.memref_squeeze %parallel_loop3A_455 : memref<1x64x128xf32, #tpu.memory_space<vmem>> -> memref<64x128xf32, #tpu.memory_space<vmem>>
      %parallel_loop3A_457 = arith.index_cast %parallel_loop3A_372 : i32 to index
      %parallel_loop3A_458 = arith.constant 80 : index
      %parallel_loop3A_459 = tpu.vector_load %parallel_loop3A_456[%parallel_loop3A_457, %parallel_loop3A_458] {strides = array<i32>} : memref<64x128xf32, #tpu.memory_space<vmem>>, vector<16xf32>,
      %parallel_loop3A_460 = arith.constant 0 : i32
      %parallel_loop3A_461 = arith.constant 0 : i32
      %parallel_loop3A_462 = tpu.memref_slice %arg9[%parallel_loop3A_206, %parallel_loop3A_460, %parallel_loop3A_461] : memref<4x64x128xf32, #tpu.memory_space<vmem>> -> memref<1x64x128xf32, #tpu.memory_space<vmem>>
      %parallel_loop3A_463 = tpu.memref_squeeze %parallel_loop3A_462 : memref<1x64x128xf32, #tpu.memory_space<vmem>> -> memref<64x128xf32, #tpu.memory_space<vmem>>
      %parallel_loop3A_464 = arith.index_cast %parallel_loop3A_372 : i32 to index
      %parallel_loop3A_465 = arith.constant 80 : index
      %parallel_loop3A_466 = tpu.vector_load %parallel_loop3A_463[%parallel_loop3A_464, %parallel_loop3A_465] {strides = array<i32>} : memref<64x128xf32, #tpu.memory_space<vmem>>, vector<16xf32>,
      %parallel_loop3A_467 = arith.mulf %parallel_loop3A_459, %parallel_loop3A_466 : vector<16xf32>
      %parallel_loop3A_468 = arith.addf %parallel_loop3A_452, %parallel_loop3A_467 : vector<16xf32>
      %parallel_loop3A_469 = arith.constant 0 : i32
      %parallel_loop3A_470 = arith.constant 0 : i32
      %parallel_loop3A_471 = tpu.memref_slice %arg8[%parallel_loop3A_205, %parallel_loop3A_469, %parallel_loop3A_470] : memref<4x64x128xf32, #tpu.memory_space<vmem>> -> memref<1x64x128xf32, #tpu.memory_space<vmem>>
      %parallel_loop3A_472 = tpu.memref_squeeze %parallel_loop3A_471 : memref<1x64x128xf32, #tpu.memory_space<vmem>> -> memref<64x128xf32, #tpu.memory_space<vmem>>
      %parallel_loop3A_473 = arith.index_cast %parallel_loop3A_372 : i32 to index
      %parallel_loop3A_474 = arith.constant 96 : index
      %parallel_loop3A_475 = tpu.vector_load %parallel_loop3A_472[%parallel_loop3A_473, %parallel_loop3A_474] {strides = array<i32>} : memref<64x128xf32, #tpu.memory_space<vmem>>, vector<16xf32>,
      %parallel_loop3A_476 = arith.constant 0 : i32
      %parallel_loop3A_477 = arith.constant 0 : i32
      %parallel_loop3A_478 = tpu.memref_slice %arg9[%parallel_loop3A_206, %parallel_loop3A_476, %parallel_loop3A_477] : memref<4x64x128xf32, #tpu.memory_space<vmem>> -> memref<1x64x128xf32, #tpu.memory_space<vmem>>
      %parallel_loop3A_479 = tpu.memref_squeeze %parallel_loop3A_478 : memref<1x64x128xf32, #tpu.memory_space<vmem>> -> memref<64x128xf32, #tpu.memory_space<vmem>>
      %parallel_loop3A_480 = arith.index_cast %parallel_loop3A_372 : i32 to index
      %parallel_loop3A_481 = arith.constant 96 : index
      %parallel_loop3A_482 = tpu.vector_load %parallel_loop3A_479[%parallel_loop3A_480, %parallel_loop3A_481] {strides = array<i32>} : memref<64x128xf32, #tpu.memory_space<vmem>>, vector<16xf32>,
      %parallel_loop3A_483 = arith.mulf %parallel_loop3A_475, %parallel_loop3A_482 : vector<16xf32>
      %parallel_loop3A_484 = arith.addf %parallel_loop3A_468, %parallel_loop3A_483 : vector<16xf32>
      %parallel_loop3A_485 = arith.constant 0 : i32
      %parallel_loop3A_486 = arith.constant 0 : i32
      %parallel_loop3A_487 = tpu.memref_slice %arg8[%parallel_loop3A_205, %parallel_loop3A_485, %parallel_loop3A_486] : memref<4x64x128xf32, #tpu.memory_space<vmem>> -> memref<1x64x128xf32, #tpu.memory_space<vmem>>
      %parallel_loop3A_488 = tpu.memref_squeeze %parallel_loop3A_487 : memref<1x64x128xf32, #tpu.memory_space<vmem>> -> memref<64x128xf32, #tpu.memory_space<vmem>>
      %parallel_loop3A_489 = arith.index_cast %parallel_loop3A_372 : i32 to index
      %parallel_loop3A_490 = arith.constant 112 : index
      %parallel_loop3A_491 = tpu.vector_load %parallel_loop3A_488[%parallel_loop3A_489, %parallel_loop3A_490] {strides = array<i32>} : memref<64x128xf32, #tpu.memory_space<vmem>>, vector<16xf32>,
      %parallel_loop3A_492 = arith.constant 0 : i32
      %parallel_loop3A_493 = arith.constant 0 : i32
      %parallel_loop3A_494 = tpu.memref_slice %arg9[%parallel_loop3A_206, %parallel_loop3A_492, %parallel_loop3A_493] : memref<4x64x128xf32, #tpu.memory_space<vmem>> -> memref<1x64x128xf32, #tpu.memory_space<vmem>>
      %parallel_loop3A_495 = tpu.memref_squeeze %parallel_loop3A_494 : memref<1x64x128xf32, #tpu.memory_space<vmem>> -> memref<64x128xf32, #tpu.memory_space<vmem>>
      %parallel_loop3A_496 = arith.index_cast %parallel_loop3A_372 : i32 to index
      %parallel_loop3A_497 = arith.constant 112 : index
      %parallel_loop3A_498 = tpu.vector_load %parallel_loop3A_495[%parallel_loop3A_496, %parallel_loop3A_497] {strides = array<i32>} : memref<64x128xf32, #tpu.memory_space<vmem>>, vector<16xf32>,
      %parallel_loop3A_499 = arith.mulf %parallel_loop3A_491, %parallel_loop3A_498 : vector<16xf32>
      %parallel_loop3A_500 = arith.addf %parallel_loop3A_484, %parallel_loop3A_499 : vector<16xf32>
      %parallel_loop3A_501 = arith.constant 128 : i32
      %parallel_loop3A_502 = arith.addi %parallel_loop3A_501, %parallel_loop3A_372 : i32
      %parallel_loop3A_503 = vector.broadcast %parallel_loop3A_502 : i32 to vector<16xi32>
      tpu.vector_store_idx %arg10[%iota3A, %parallel_loop3A_503], %parallel_loop3A_500 : memref<16x513xf32, #tpu.memory_space<vmem>>[vector<16xi32>, vector<16xi32>], vector<16xf32>,
    } {sc.loop_unroll_factor = 1 : i64, sc.parallel_access}
    %dma_start3A_207 = arith.constant 2 : i32
    %dma_start3A_208 = arith.constant 0 : i32
    %dma_start3A_209 = arith.constant 0 : i32
    %dma_start3A_210 = tpu.memref_slice %arg8[%dma_start3A_207, %dma_start3A_208, %dma_start3A_209] : memref<4x64x128xf32, #tpu.memory_space<vmem>> -> memref<1x64x128xf32, #tpu.memory_space<vmem>>
    %dma_start3A_211 = tpu.memref_squeeze %dma_start3A_210 : memref<1x64x128xf32, #tpu.memory_space<vmem>> -> memref<64x128xf32, #tpu.memory_space<vmem>>
    %dma_start3A_212 = arith.constant 384 : i32
    %dma_start3A_213 = tpu.memref_slice %arg6[%dma_start3A_212] : memref<512xi32, #tpu.memory_space<vmem>> -> memref<64xi32, #tpu.memory_space<vmem>>
    %dma_start3A_214 = arith.constant 0 : i32
    %dma_start3A_215 = arith.constant 0 : i32
    %dma_start3A_216 = tpu.memref_slice %arg4[%dma_start3A_214, %dma_start3A_215] : memref<100000x128xf32, #tpu.memory_space<hbm>> -> memref<100000x128xf32, #tpu.memory_space<hbm>>
    tpu.enqueue_indirect_dma source(%dma_start3A_216 : memref<100000x128xf32, #tpu.memory_space<hbm>>) target(%dma_start3A_211 : memref<64x128xf32, #tpu.memory_space<vmem>>) offsets(%dma_start3A_213 : memref<64xi32, #tpu.memory_space<vmem>>) semaphore(%arg13 : memref<!tpu.dma_semaphore, #tpu.memory_space<semaphore_mem>>)
    %dma_start3A_217 = arith.constant 2 : i32
    %dma_start3A_218 = arith.constant 0 : i32
    %dma_start3A_219 = arith.constant 0 : i32
    %dma_start3A_220 = tpu.memref_slice %arg9[%dma_start3A_217, %dma_start3A_218, %dma_start3A_219] : memref<4x64x128xf32, #tpu.memory_space<vmem>> -> memref<1x64x128xf32, #tpu.memory_space<vmem>>
    %dma_start3A_221 = tpu.memref_squeeze %dma_start3A_220 : memref<1x64x128xf32, #tpu.memory_space<vmem>> -> memref<64x128xf32, #tpu.memory_space<vmem>>
    %dma_start3A_222 = arith.constant 384 : i32
    %dma_start3A_223 = tpu.memref_slice %arg7[%dma_start3A_222] : memref<512xi32, #tpu.memory_space<vmem>> -> memref<64xi32, #tpu.memory_space<vmem>>
    %dma_start3A_224 = arith.constant 0 : i32
    %dma_start3A_225 = arith.constant 0 : i32
    %dma_start3A_226 = tpu.memref_slice %arg4[%dma_start3A_224, %dma_start3A_225] : memref<100000x128xf32, #tpu.memory_space<hbm>> -> memref<100000x128xf32, #tpu.memory_space<hbm>>
    tpu.enqueue_indirect_dma source(%dma_start3A_226 : memref<100000x128xf32, #tpu.memory_space<hbm>>) target(%dma_start3A_221 : memref<64x128xf32, #tpu.memory_space<vmem>>) offsets(%dma_start3A_223 : memref<64xi32, #tpu.memory_space<vmem>>) semaphore(%arg17 : memref<!tpu.dma_semaphore, #tpu.memory_space<semaphore_mem>>)
    %dma_wait3A_227 = arith.constant 3 : i32
    %dma_wait3A_228 = arith.constant 0 : i32
    %dma_wait3A_229 = arith.constant 0 : i32
    %dma_wait3A_230 = tpu.memref_slice %arg8[%dma_wait3A_227, %dma_wait3A_228, %dma_wait3A_229] : memref<4x64x128xf32, #tpu.memory_space<vmem>> -> memref<1x64x128xf32, #tpu.memory_space<vmem>>
    %dma_wait3A_231 = tpu.memref_squeeze %dma_wait3A_230 : memref<1x64x128xf32, #tpu.memory_space<vmem>> -> memref<64x128xf32, #tpu.memory_space<vmem>>
    %dma_wait3A_232 = arith.constant 192 : i32
    %dma_wait3A_233 = tpu.memref_slice %arg6[%dma_wait3A_232] : memref<512xi32, #tpu.memory_space<vmem>> -> memref<64xi32, #tpu.memory_space<vmem>>
    %dma_wait3A_234 = arith.constant 0 : i32
    %dma_wait3A_235 = arith.constant 0 : i32
    %dma_wait3A_236 = tpu.memref_slice %arg4[%dma_wait3A_234, %dma_wait3A_235] : memref<100000x128xf32, #tpu.memory_space<hbm>> -> memref<100000x128xf32, #tpu.memory_space<hbm>>
    tpu.wait_indirect_dma semaphore(%arg14 : memref<!tpu.dma_semaphore, #tpu.memory_space<semaphore_mem>>) src(%dma_wait3A_236 : memref<100000x128xf32, #tpu.memory_space<hbm>>) dst(%dma_wait3A_231 : memref<64x128xf32, #tpu.memory_space<vmem>>)
    %dma_wait3A_237 = arith.constant 3 : i32
    %dma_wait3A_238 = arith.constant 0 : i32
    %dma_wait3A_239 = arith.constant 0 : i32
    %dma_wait3A_240 = tpu.memref_slice %arg9[%dma_wait3A_237, %dma_wait3A_238, %dma_wait3A_239] : memref<4x64x128xf32, #tpu.memory_space<vmem>> -> memref<1x64x128xf32, #tpu.memory_space<vmem>>
    %dma_wait3A_241 = tpu.memref_squeeze %dma_wait3A_240 : memref<1x64x128xf32, #tpu.memory_space<vmem>> -> memref<64x128xf32, #tpu.memory_space<vmem>>
    %dma_wait3A_242 = arith.constant 192 : i32
    %dma_wait3A_243 = tpu.memref_slice %arg7[%dma_wait3A_242] : memref<512xi32, #tpu.memory_space<vmem>> -> memref<64xi32, #tpu.memory_space<vmem>>
    %dma_wait3A_244 = arith.constant 0 : i32
    %dma_wait3A_245 = arith.constant 0 : i32
    %dma_wait3A_246 = tpu.memref_slice %arg4[%dma_wait3A_244, %dma_wait3A_245] : memref<100000x128xf32, #tpu.memory_space<hbm>> -> memref<100000x128xf32, #tpu.memory_space<hbm>>
    tpu.wait_indirect_dma semaphore(%arg18 : memref<!tpu.dma_semaphore, #tpu.memory_space<semaphore_mem>>) src(%dma_wait3A_246 : memref<100000x128xf32, #tpu.memory_space<hbm>>) dst(%dma_wait3A_241 : memref<64x128xf32, #tpu.memory_space<vmem>>)
    %parallel_loop3A_247 = arith.constant 0 : i32
    %parallel_loop3A_248 = arith.constant 64 : i32
    %parallel_loop3A_249 = arith.constant 1 : i32
    %parallel_loop3A_250 = arith.constant 3 : i32
    %parallel_loop3A_251 = arith.constant 3 : i32
    scf.for %parallel_loop3A_372 = %parallel_loop3A_247 to %parallel_loop3A_248 step %parallel_loop3A_249  : i32 {
      %parallel_loop3A_373 = arith.constant 0 : i32
      %parallel_loop3A_374 = arith.constant 0 : i32
      %parallel_loop3A_375 = tpu.memref_slice %arg8[%parallel_loop3A_250, %parallel_loop3A_373, %parallel_loop3A_374] : memref<4x64x128xf32, #tpu.memory_space<vmem>> -> memref<1x64x128xf32, #tpu.memory_space<vmem>>
      %parallel_loop3A_376 = tpu.memref_squeeze %parallel_loop3A_375 : memref<1x64x128xf32, #tpu.memory_space<vmem>> -> memref<64x128xf32, #tpu.memory_space<vmem>>
      %parallel_loop3A_377 = arith.index_cast %parallel_loop3A_372 : i32 to index
      %parallel_loop3A_378 = arith.constant 0 : index
      %parallel_loop3A_379 = tpu.vector_load %parallel_loop3A_376[%parallel_loop3A_377, %parallel_loop3A_378] {strides = array<i32>} : memref<64x128xf32, #tpu.memory_space<vmem>>, vector<16xf32>,
      %parallel_loop3A_380 = arith.mulf %parallel_loop3A_379, %select_n3A : vector<16xf32>
      %parallel_loop3A_381 = arith.constant 0 : i32
      %parallel_loop3A_382 = arith.constant 0 : i32
      %parallel_loop3A_383 = tpu.memref_slice %arg9[%parallel_loop3A_251, %parallel_loop3A_381, %parallel_loop3A_382] : memref<4x64x128xf32, #tpu.memory_space<vmem>> -> memref<1x64x128xf32, #tpu.memory_space<vmem>>
      %parallel_loop3A_384 = tpu.memref_squeeze %parallel_loop3A_383 : memref<1x64x128xf32, #tpu.memory_space<vmem>> -> memref<64x128xf32, #tpu.memory_space<vmem>>
      %parallel_loop3A_385 = arith.index_cast %parallel_loop3A_372 : i32 to index
      %parallel_loop3A_386 = arith.constant 0 : index
      %parallel_loop3A_387 = tpu.vector_load %parallel_loop3A_384[%parallel_loop3A_385, %parallel_loop3A_386] {strides = array<i32>} : memref<64x128xf32, #tpu.memory_space<vmem>>, vector<16xf32>,
      %parallel_loop3A_388 = arith.mulf %parallel_loop3A_380, %parallel_loop3A_387 : vector<16xf32>
      %parallel_loop3A_389 = arith.constant 0 : i32
      %parallel_loop3A_390 = arith.constant 0 : i32
      %parallel_loop3A_391 = tpu.memref_slice %arg8[%parallel_loop3A_250, %parallel_loop3A_389, %parallel_loop3A_390] : memref<4x64x128xf32, #tpu.memory_space<vmem>> -> memref<1x64x128xf32, #tpu.memory_space<vmem>>
      %parallel_loop3A_392 = tpu.memref_squeeze %parallel_loop3A_391 : memref<1x64x128xf32, #tpu.memory_space<vmem>> -> memref<64x128xf32, #tpu.memory_space<vmem>>
      %parallel_loop3A_393 = arith.index_cast %parallel_loop3A_372 : i32 to index
      %parallel_loop3A_394 = arith.constant 16 : index
      %parallel_loop3A_395 = tpu.vector_load %parallel_loop3A_392[%parallel_loop3A_393, %parallel_loop3A_394] {strides = array<i32>} : memref<64x128xf32, #tpu.memory_space<vmem>>, vector<16xf32>,
      %parallel_loop3A_396 = arith.constant 0 : i32
      %parallel_loop3A_397 = arith.constant 0 : i32
      %parallel_loop3A_398 = tpu.memref_slice %arg9[%parallel_loop3A_251, %parallel_loop3A_396, %parallel_loop3A_397] : memref<4x64x128xf32, #tpu.memory_space<vmem>> -> memref<1x64x128xf32, #tpu.memory_space<vmem>>
      %parallel_loop3A_399 = tpu.memref_squeeze %parallel_loop3A_398 : memref<1x64x128xf32, #tpu.memory_space<vmem>> -> memref<64x128xf32, #tpu.memory_space<vmem>>
      %parallel_loop3A_400 = arith.index_cast %parallel_loop3A_372 : i32 to index
      %parallel_loop3A_401 = arith.constant 16 : index
      %parallel_loop3A_402 = tpu.vector_load %parallel_loop3A_399[%parallel_loop3A_400, %parallel_loop3A_401] {strides = array<i32>} : memref<64x128xf32, #tpu.memory_space<vmem>>, vector<16xf32>,
      %parallel_loop3A_403 = arith.mulf %parallel_loop3A_395, %parallel_loop3A_402 : vector<16xf32>
      %parallel_loop3A_404 = arith.addf %parallel_loop3A_388, %parallel_loop3A_403 : vector<16xf32>
      %parallel_loop3A_405 = arith.constant 0 : i32
      %parallel_loop3A_406 = arith.constant 0 : i32
      %parallel_loop3A_407 = tpu.memref_slice %arg8[%parallel_loop3A_250, %parallel_loop3A_405, %parallel_loop3A_406] : memref<4x64x128xf32, #tpu.memory_space<vmem>> -> memref<1x64x128xf32, #tpu.memory_space<vmem>>
      %parallel_loop3A_408 = tpu.memref_squeeze %parallel_loop3A_407 : memref<1x64x128xf32, #tpu.memory_space<vmem>> -> memref<64x128xf32, #tpu.memory_space<vmem>>
      %parallel_loop3A_409 = arith.index_cast %parallel_loop3A_372 : i32 to index
      %parallel_loop3A_410 = arith.constant 32 : index
      %parallel_loop3A_411 = tpu.vector_load %parallel_loop3A_408[%parallel_loop3A_409, %parallel_loop3A_410] {strides = array<i32>} : memref<64x128xf32, #tpu.memory_space<vmem>>, vector<16xf32>,
      %parallel_loop3A_412 = arith.constant 0 : i32
      %parallel_loop3A_413 = arith.constant 0 : i32
      %parallel_loop3A_414 = tpu.memref_slice %arg9[%parallel_loop3A_251, %parallel_loop3A_412, %parallel_loop3A_413] : memref<4x64x128xf32, #tpu.memory_space<vmem>> -> memref<1x64x128xf32, #tpu.memory_space<vmem>>
      %parallel_loop3A_415 = tpu.memref_squeeze %parallel_loop3A_414 : memref<1x64x128xf32, #tpu.memory_space<vmem>> -> memref<64x128xf32, #tpu.memory_space<vmem>>
      %parallel_loop3A_416 = arith.index_cast %parallel_loop3A_372 : i32 to index
      %parallel_loop3A_417 = arith.constant 32 : index
      %parallel_loop3A_418 = tpu.vector_load %parallel_loop3A_415[%parallel_loop3A_416, %parallel_loop3A_417] {strides = array<i32>} : memref<64x128xf32, #tpu.memory_space<vmem>>, vector<16xf32>,
      %parallel_loop3A_419 = arith.mulf %parallel_loop3A_411, %parallel_loop3A_418 : vector<16xf32>
      %parallel_loop3A_420 = arith.addf %parallel_loop3A_404, %parallel_loop3A_419 : vector<16xf32>
      %parallel_loop3A_421 = arith.constant 0 : i32
      %parallel_loop3A_422 = arith.constant 0 : i32
      %parallel_loop3A_423 = tpu.memref_slice %arg8[%parallel_loop3A_250, %parallel_loop3A_421, %parallel_loop3A_422] : memref<4x64x128xf32, #tpu.memory_space<vmem>> -> memref<1x64x128xf32, #tpu.memory_space<vmem>>
      %parallel_loop3A_424 = tpu.memref_squeeze %parallel_loop3A_423 : memref<1x64x128xf32, #tpu.memory_space<vmem>> -> memref<64x128xf32, #tpu.memory_space<vmem>>
      %parallel_loop3A_425 = arith.index_cast %parallel_loop3A_372 : i32 to index
      %parallel_loop3A_426 = arith.constant 48 : index
      %parallel_loop3A_427 = tpu.vector_load %parallel_loop3A_424[%parallel_loop3A_425, %parallel_loop3A_426] {strides = array<i32>} : memref<64x128xf32, #tpu.memory_space<vmem>>, vector<16xf32>,
      %parallel_loop3A_428 = arith.constant 0 : i32
      %parallel_loop3A_429 = arith.constant 0 : i32
      %parallel_loop3A_430 = tpu.memref_slice %arg9[%parallel_loop3A_251, %parallel_loop3A_428, %parallel_loop3A_429] : memref<4x64x128xf32, #tpu.memory_space<vmem>> -> memref<1x64x128xf32, #tpu.memory_space<vmem>>
      %parallel_loop3A_431 = tpu.memref_squeeze %parallel_loop3A_430 : memref<1x64x128xf32, #tpu.memory_space<vmem>> -> memref<64x128xf32, #tpu.memory_space<vmem>>
      %parallel_loop3A_432 = arith.index_cast %parallel_loop3A_372 : i32 to index
      %parallel_loop3A_433 = arith.constant 48 : index
      %parallel_loop3A_434 = tpu.vector_load %parallel_loop3A_431[%parallel_loop3A_432, %parallel_loop3A_433] {strides = array<i32>} : memref<64x128xf32, #tpu.memory_space<vmem>>, vector<16xf32>,
      %parallel_loop3A_435 = arith.mulf %parallel_loop3A_427, %parallel_loop3A_434 : vector<16xf32>
      %parallel_loop3A_436 = arith.addf %parallel_loop3A_420, %parallel_loop3A_435 : vector<16xf32>
      %parallel_loop3A_437 = arith.constant 0 : i32
      %parallel_loop3A_438 = arith.constant 0 : i32
      %parallel_loop3A_439 = tpu.memref_slice %arg8[%parallel_loop3A_250, %parallel_loop3A_437, %parallel_loop3A_438] : memref<4x64x128xf32, #tpu.memory_space<vmem>> -> memref<1x64x128xf32, #tpu.memory_space<vmem>>
      %parallel_loop3A_440 = tpu.memref_squeeze %parallel_loop3A_439 : memref<1x64x128xf32, #tpu.memory_space<vmem>> -> memref<64x128xf32, #tpu.memory_space<vmem>>
      %parallel_loop3A_441 = arith.index_cast %parallel_loop3A_372 : i32 to index
      %parallel_loop3A_442 = arith.constant 64 : index
      %parallel_loop3A_443 = tpu.vector_load %parallel_loop3A_440[%parallel_loop3A_441, %parallel_loop3A_442] {strides = array<i32>} : memref<64x128xf32, #tpu.memory_space<vmem>>, vector<16xf32>,
      %parallel_loop3A_444 = arith.constant 0 : i32
      %parallel_loop3A_445 = arith.constant 0 : i32
      %parallel_loop3A_446 = tpu.memref_slice %arg9[%parallel_loop3A_251, %parallel_loop3A_444, %parallel_loop3A_445] : memref<4x64x128xf32, #tpu.memory_space<vmem>> -> memref<1x64x128xf32, #tpu.memory_space<vmem>>
      %parallel_loop3A_447 = tpu.memref_squeeze %parallel_loop3A_446 : memref<1x64x128xf32, #tpu.memory_space<vmem>> -> memref<64x128xf32, #tpu.memory_space<vmem>>
      %parallel_loop3A_448 = arith.index_cast %parallel_loop3A_372 : i32 to index
      %parallel_loop3A_449 = arith.constant 64 : index
      %parallel_loop3A_450 = tpu.vector_load %parallel_loop3A_447[%parallel_loop3A_448, %parallel_loop3A_449] {strides = array<i32>} : memref<64x128xf32, #tpu.memory_space<vmem>>, vector<16xf32>,
      %parallel_loop3A_451 = arith.mulf %parallel_loop3A_443, %parallel_loop3A_450 : vector<16xf32>
      %parallel_loop3A_452 = arith.addf %parallel_loop3A_436, %parallel_loop3A_451 : vector<16xf32>
      %parallel_loop3A_453 = arith.constant 0 : i32
      %parallel_loop3A_454 = arith.constant 0 : i32
      %parallel_loop3A_455 = tpu.memref_slice %arg8[%parallel_loop3A_250, %parallel_loop3A_453, %parallel_loop3A_454] : memref<4x64x128xf32, #tpu.memory_space<vmem>> -> memref<1x64x128xf32, #tpu.memory_space<vmem>>
      %parallel_loop3A_456 = tpu.memref_squeeze %parallel_loop3A_455 : memref<1x64x128xf32, #tpu.memory_space<vmem>> -> memref<64x128xf32, #tpu.memory_space<vmem>>
      %parallel_loop3A_457 = arith.index_cast %parallel_loop3A_372 : i32 to index
      %parallel_loop3A_458 = arith.constant 80 : index
      %parallel_loop3A_459 = tpu.vector_load %parallel_loop3A_456[%parallel_loop3A_457, %parallel_loop3A_458] {strides = array<i32>} : memref<64x128xf32, #tpu.memory_space<vmem>>, vector<16xf32>,
      %parallel_loop3A_460 = arith.constant 0 : i32
      %parallel_loop3A_461 = arith.constant 0 : i32
      %parallel_loop3A_462 = tpu.memref_slice %arg9[%parallel_loop3A_251, %parallel_loop3A_460, %parallel_loop3A_461] : memref<4x64x128xf32, #tpu.memory_space<vmem>> -> memref<1x64x128xf32, #tpu.memory_space<vmem>>
      %parallel_loop3A_463 = tpu.memref_squeeze %parallel_loop3A_462 : memref<1x64x128xf32, #tpu.memory_space<vmem>> -> memref<64x128xf32, #tpu.memory_space<vmem>>
      %parallel_loop3A_464 = arith.index_cast %parallel_loop3A_372 : i32 to index
      %parallel_loop3A_465 = arith.constant 80 : index
      %parallel_loop3A_466 = tpu.vector_load %parallel_loop3A_463[%parallel_loop3A_464, %parallel_loop3A_465] {strides = array<i32>} : memref<64x128xf32, #tpu.memory_space<vmem>>, vector<16xf32>,
      %parallel_loop3A_467 = arith.mulf %parallel_loop3A_459, %parallel_loop3A_466 : vector<16xf32>
      %parallel_loop3A_468 = arith.addf %parallel_loop3A_452, %parallel_loop3A_467 : vector<16xf32>
      %parallel_loop3A_469 = arith.constant 0 : i32
      %parallel_loop3A_470 = arith.constant 0 : i32
      %parallel_loop3A_471 = tpu.memref_slice %arg8[%parallel_loop3A_250, %parallel_loop3A_469, %parallel_loop3A_470] : memref<4x64x128xf32, #tpu.memory_space<vmem>> -> memref<1x64x128xf32, #tpu.memory_space<vmem>>
      %parallel_loop3A_472 = tpu.memref_squeeze %parallel_loop3A_471 : memref<1x64x128xf32, #tpu.memory_space<vmem>> -> memref<64x128xf32, #tpu.memory_space<vmem>>
      %parallel_loop3A_473 = arith.index_cast %parallel_loop3A_372 : i32 to index
      %parallel_loop3A_474 = arith.constant 96 : index
      %parallel_loop3A_475 = tpu.vector_load %parallel_loop3A_472[%parallel_loop3A_473, %parallel_loop3A_474] {strides = array<i32>} : memref<64x128xf32, #tpu.memory_space<vmem>>, vector<16xf32>,
      %parallel_loop3A_476 = arith.constant 0 : i32
      %parallel_loop3A_477 = arith.constant 0 : i32
      %parallel_loop3A_478 = tpu.memref_slice %arg9[%parallel_loop3A_251, %parallel_loop3A_476, %parallel_loop3A_477] : memref<4x64x128xf32, #tpu.memory_space<vmem>> -> memref<1x64x128xf32, #tpu.memory_space<vmem>>
      %parallel_loop3A_479 = tpu.memref_squeeze %parallel_loop3A_478 : memref<1x64x128xf32, #tpu.memory_space<vmem>> -> memref<64x128xf32, #tpu.memory_space<vmem>>
      %parallel_loop3A_480 = arith.index_cast %parallel_loop3A_372 : i32 to index
      %parallel_loop3A_481 = arith.constant 96 : index
      %parallel_loop3A_482 = tpu.vector_load %parallel_loop3A_479[%parallel_loop3A_480, %parallel_loop3A_481] {strides = array<i32>} : memref<64x128xf32, #tpu.memory_space<vmem>>, vector<16xf32>,
      %parallel_loop3A_483 = arith.mulf %parallel_loop3A_475, %parallel_loop3A_482 : vector<16xf32>
      %parallel_loop3A_484 = arith.addf %parallel_loop3A_468, %parallel_loop3A_483 : vector<16xf32>
      %parallel_loop3A_485 = arith.constant 0 : i32
      %parallel_loop3A_486 = arith.constant 0 : i32
      %parallel_loop3A_487 = tpu.memref_slice %arg8[%parallel_loop3A_250, %parallel_loop3A_485, %parallel_loop3A_486] : memref<4x64x128xf32, #tpu.memory_space<vmem>> -> memref<1x64x128xf32, #tpu.memory_space<vmem>>
      %parallel_loop3A_488 = tpu.memref_squeeze %parallel_loop3A_487 : memref<1x64x128xf32, #tpu.memory_space<vmem>> -> memref<64x128xf32, #tpu.memory_space<vmem>>
      %parallel_loop3A_489 = arith.index_cast %parallel_loop3A_372 : i32 to index
      %parallel_loop3A_490 = arith.constant 112 : index
      %parallel_loop3A_491 = tpu.vector_load %parallel_loop3A_488[%parallel_loop3A_489, %parallel_loop3A_490] {strides = array<i32>} : memref<64x128xf32, #tpu.memory_space<vmem>>, vector<16xf32>,
      %parallel_loop3A_492 = arith.constant 0 : i32
      %parallel_loop3A_493 = arith.constant 0 : i32
      %parallel_loop3A_494 = tpu.memref_slice %arg9[%parallel_loop3A_251, %parallel_loop3A_492, %parallel_loop3A_493] : memref<4x64x128xf32, #tpu.memory_space<vmem>> -> memref<1x64x128xf32, #tpu.memory_space<vmem>>
      %parallel_loop3A_495 = tpu.memref_squeeze %parallel_loop3A_494 : memref<1x64x128xf32, #tpu.memory_space<vmem>> -> memref<64x128xf32, #tpu.memory_space<vmem>>
      %parallel_loop3A_496 = arith.index_cast %parallel_loop3A_372 : i32 to index
      %parallel_loop3A_497 = arith.constant 112 : index
      %parallel_loop3A_498 = tpu.vector_load %parallel_loop3A_495[%parallel_loop3A_496, %parallel_loop3A_497] {strides = array<i32>} : memref<64x128xf32, #tpu.memory_space<vmem>>, vector<16xf32>,
      %parallel_loop3A_499 = arith.mulf %parallel_loop3A_491, %parallel_loop3A_498 : vector<16xf32>
      %parallel_loop3A_500 = arith.addf %parallel_loop3A_484, %parallel_loop3A_499 : vector<16xf32>
      %parallel_loop3A_501 = arith.constant 192 : i32
      %parallel_loop3A_502 = arith.addi %parallel_loop3A_501, %parallel_loop3A_372 : i32
      %parallel_loop3A_503 = vector.broadcast %parallel_loop3A_502 : i32 to vector<16xi32>
      tpu.vector_store_idx %arg10[%iota3A, %parallel_loop3A_503], %parallel_loop3A_500 : memref<16x513xf32, #tpu.memory_space<vmem>>[vector<16xi32>, vector<16xi32>], vector<16xf32>,
    } {sc.loop_unroll_factor = 1 : i64, sc.parallel_access}
    %dma_start3A_252 = arith.constant 3 : i32
    %dma_start3A_253 = arith.constant 0 : i32
    %dma_start3A_254 = arith.constant 0 : i32
    %dma_start3A_255 = tpu.memref_slice %arg8[%dma_start3A_252, %dma_start3A_253, %dma_start3A_254] : memref<4x64x128xf32, #tpu.memory_space<vmem>> -> memref<1x64x128xf32, #tpu.memory_space<vmem>>
    %dma_start3A_256 = tpu.memref_squeeze %dma_start3A_255 : memref<1x64x128xf32, #tpu.memory_space<vmem>> -> memref<64x128xf32, #tpu.memory_space<vmem>>
    %dma_start3A_257 = arith.constant 448 : i32
    %dma_start3A_258 = tpu.memref_slice %arg6[%dma_start3A_257] : memref<512xi32, #tpu.memory_space<vmem>> -> memref<64xi32, #tpu.memory_space<vmem>>
    %dma_start3A_259 = arith.constant 0 : i32
    %dma_start3A_260 = arith.constant 0 : i32
    %dma_start3A_261 = tpu.memref_slice %arg4[%dma_start3A_259, %dma_start3A_260] : memref<100000x128xf32, #tpu.memory_space<hbm>> -> memref<100000x128xf32, #tpu.memory_space<hbm>>
    tpu.enqueue_indirect_dma source(%dma_start3A_261 : memref<100000x128xf32, #tpu.memory_space<hbm>>) target(%dma_start3A_256 : memref<64x128xf32, #tpu.memory_space<vmem>>) offsets(%dma_start3A_258 : memref<64xi32, #tpu.memory_space<vmem>>) semaphore(%arg14 : memref<!tpu.dma_semaphore, #tpu.memory_space<semaphore_mem>>)
    %dma_start3A_262 = arith.constant 3 : i32
    %dma_start3A_263 = arith.constant 0 : i32
    %dma_start3A_264 = arith.constant 0 : i32
    %dma_start3A_265 = tpu.memref_slice %arg9[%dma_start3A_262, %dma_start3A_263, %dma_start3A_264] : memref<4x64x128xf32, #tpu.memory_space<vmem>> -> memref<1x64x128xf32, #tpu.memory_space<vmem>>
    %dma_start3A_266 = tpu.memref_squeeze %dma_start3A_265 : memref<1x64x128xf32, #tpu.memory_space<vmem>> -> memref<64x128xf32, #tpu.memory_space<vmem>>
    %dma_start3A_267 = arith.constant 448 : i32
    %dma_start3A_268 = tpu.memref_slice %arg7[%dma_start3A_267] : memref<512xi32, #tpu.memory_space<vmem>> -> memref<64xi32, #tpu.memory_space<vmem>>
    %dma_start3A_269 = arith.constant 0 : i32
    %dma_start3A_270 = arith.constant 0 : i32
    %dma_start3A_271 = tpu.memref_slice %arg4[%dma_start3A_269, %dma_start3A_270] : memref<100000x128xf32, #tpu.memory_space<hbm>> -> memref<100000x128xf32, #tpu.memory_space<hbm>>
    tpu.enqueue_indirect_dma source(%dma_start3A_271 : memref<100000x128xf32, #tpu.memory_space<hbm>>) target(%dma_start3A_266 : memref<64x128xf32, #tpu.memory_space<vmem>>) offsets(%dma_start3A_268 : memref<64xi32, #tpu.memory_space<vmem>>) semaphore(%arg18 : memref<!tpu.dma_semaphore, #tpu.memory_space<semaphore_mem>>)
    %dma_wait3A_272 = arith.constant 0 : i32
    %dma_wait3A_273 = arith.constant 0 : i32
    %dma_wait3A_274 = arith.constant 0 : i32
    %dma_wait3A_275 = tpu.memref_slice %arg8[%dma_wait3A_272, %dma_wait3A_273, %dma_wait3A_274] : memref<4x64x128xf32, #tpu.memory_space<vmem>> -> memref<1x64x128xf32, #tpu.memory_space<vmem>>
    %dma_wait3A_276 = tpu.memref_squeeze %dma_wait3A_275 : memref<1x64x128xf32, #tpu.memory_space<vmem>> -> memref<64x128xf32, #tpu.memory_space<vmem>>
    %dma_wait3A_277 = arith.constant 256 : i32
    %dma_wait3A_278 = tpu.memref_slice %arg6[%dma_wait3A_277] : memref<512xi32, #tpu.memory_space<vmem>> -> memref<64xi32, #tpu.memory_space<vmem>>
    %dma_wait3A_279 = arith.constant 0 : i32
    %dma_wait3A_280 = arith.constant 0 : i32
    %dma_wait3A_281 = tpu.memref_slice %arg4[%dma_wait3A_279, %dma_wait3A_280] : memref<100000x128xf32, #tpu.memory_space<hbm>> -> memref<100000x128xf32, #tpu.memory_space<hbm>>
    tpu.wait_indirect_dma semaphore(%arg11 : memref<!tpu.dma_semaphore, #tpu.memory_space<semaphore_mem>>) src(%dma_wait3A_281 : memref<100000x128xf32, #tpu.memory_space<hbm>>) dst(%dma_wait3A_276 : memref<64x128xf32, #tpu.memory_space<vmem>>)
    %dma_wait3A_282 = arith.constant 0 : i32
    %dma_wait3A_283 = arith.constant 0 : i32
    %dma_wait3A_284 = arith.constant 0 : i32
    %dma_wait3A_285 = tpu.memref_slice %arg9[%dma_wait3A_282, %dma_wait3A_283, %dma_wait3A_284] : memref<4x64x128xf32, #tpu.memory_space<vmem>> -> memref<1x64x128xf32, #tpu.memory_space<vmem>>
    %dma_wait3A_286 = tpu.memref_squeeze %dma_wait3A_285 : memref<1x64x128xf32, #tpu.memory_space<vmem>> -> memref<64x128xf32, #tpu.memory_space<vmem>>
    %dma_wait3A_287 = arith.constant 256 : i32
    %dma_wait3A_288 = tpu.memref_slice %arg7[%dma_wait3A_287] : memref<512xi32, #tpu.memory_space<vmem>> -> memref<64xi32, #tpu.memory_space<vmem>>
    %dma_wait3A_289 = arith.constant 0 : i32
    %dma_wait3A_290 = arith.constant 0 : i32
    %dma_wait3A_291 = tpu.memref_slice %arg4[%dma_wait3A_289, %dma_wait3A_290] : memref<100000x128xf32, #tpu.memory_space<hbm>> -> memref<100000x128xf32, #tpu.memory_space<hbm>>
    tpu.wait_indirect_dma semaphore(%arg15 : memref<!tpu.dma_semaphore, #tpu.memory_space<semaphore_mem>>) src(%dma_wait3A_291 : memref<100000x128xf32, #tpu.memory_space<hbm>>) dst(%dma_wait3A_286 : memref<64x128xf32, #tpu.memory_space<vmem>>)
    %parallel_loop3A_292 = arith.constant 0 : i32
    %parallel_loop3A_293 = arith.constant 64 : i32
    %parallel_loop3A_294 = arith.constant 1 : i32
    %parallel_loop3A_295 = arith.constant 0 : i32
    %parallel_loop3A_296 = arith.constant 0 : i32
    scf.for %parallel_loop3A_372 = %parallel_loop3A_292 to %parallel_loop3A_293 step %parallel_loop3A_294  : i32 {
      %parallel_loop3A_373 = arith.constant 0 : i32
      %parallel_loop3A_374 = arith.constant 0 : i32
      %parallel_loop3A_375 = tpu.memref_slice %arg8[%parallel_loop3A_295, %parallel_loop3A_373, %parallel_loop3A_374] : memref<4x64x128xf32, #tpu.memory_space<vmem>> -> memref<1x64x128xf32, #tpu.memory_space<vmem>>
      %parallel_loop3A_376 = tpu.memref_squeeze %parallel_loop3A_375 : memref<1x64x128xf32, #tpu.memory_space<vmem>> -> memref<64x128xf32, #tpu.memory_space<vmem>>
      %parallel_loop3A_377 = arith.index_cast %parallel_loop3A_372 : i32 to index
      %parallel_loop3A_378 = arith.constant 0 : index
      %parallel_loop3A_379 = tpu.vector_load %parallel_loop3A_376[%parallel_loop3A_377, %parallel_loop3A_378] {strides = array<i32>} : memref<64x128xf32, #tpu.memory_space<vmem>>, vector<16xf32>,
      %parallel_loop3A_380 = arith.mulf %parallel_loop3A_379, %select_n3A : vector<16xf32>
      %parallel_loop3A_381 = arith.constant 0 : i32
      %parallel_loop3A_382 = arith.constant 0 : i32
      %parallel_loop3A_383 = tpu.memref_slice %arg9[%parallel_loop3A_296, %parallel_loop3A_381, %parallel_loop3A_382] : memref<4x64x128xf32, #tpu.memory_space<vmem>> -> memref<1x64x128xf32, #tpu.memory_space<vmem>>
      %parallel_loop3A_384 = tpu.memref_squeeze %parallel_loop3A_383 : memref<1x64x128xf32, #tpu.memory_space<vmem>> -> memref<64x128xf32, #tpu.memory_space<vmem>>
      %parallel_loop3A_385 = arith.index_cast %parallel_loop3A_372 : i32 to index
      %parallel_loop3A_386 = arith.constant 0 : index
      %parallel_loop3A_387 = tpu.vector_load %parallel_loop3A_384[%parallel_loop3A_385, %parallel_loop3A_386] {strides = array<i32>} : memref<64x128xf32, #tpu.memory_space<vmem>>, vector<16xf32>,
      %parallel_loop3A_388 = arith.mulf %parallel_loop3A_380, %parallel_loop3A_387 : vector<16xf32>
      %parallel_loop3A_389 = arith.constant 0 : i32
      %parallel_loop3A_390 = arith.constant 0 : i32
      %parallel_loop3A_391 = tpu.memref_slice %arg8[%parallel_loop3A_295, %parallel_loop3A_389, %parallel_loop3A_390] : memref<4x64x128xf32, #tpu.memory_space<vmem>> -> memref<1x64x128xf32, #tpu.memory_space<vmem>>
      %parallel_loop3A_392 = tpu.memref_squeeze %parallel_loop3A_391 : memref<1x64x128xf32, #tpu.memory_space<vmem>> -> memref<64x128xf32, #tpu.memory_space<vmem>>
      %parallel_loop3A_393 = arith.index_cast %parallel_loop3A_372 : i32 to index
      %parallel_loop3A_394 = arith.constant 16 : index
      %parallel_loop3A_395 = tpu.vector_load %parallel_loop3A_392[%parallel_loop3A_393, %parallel_loop3A_394] {strides = array<i32>} : memref<64x128xf32, #tpu.memory_space<vmem>>, vector<16xf32>,
      %parallel_loop3A_396 = arith.constant 0 : i32
      %parallel_loop3A_397 = arith.constant 0 : i32
      %parallel_loop3A_398 = tpu.memref_slice %arg9[%parallel_loop3A_296, %parallel_loop3A_396, %parallel_loop3A_397] : memref<4x64x128xf32, #tpu.memory_space<vmem>> -> memref<1x64x128xf32, #tpu.memory_space<vmem>>
      %parallel_loop3A_399 = tpu.memref_squeeze %parallel_loop3A_398 : memref<1x64x128xf32, #tpu.memory_space<vmem>> -> memref<64x128xf32, #tpu.memory_space<vmem>>
      %parallel_loop3A_400 = arith.index_cast %parallel_loop3A_372 : i32 to index
      %parallel_loop3A_401 = arith.constant 16 : index
      %parallel_loop3A_402 = tpu.vector_load %parallel_loop3A_399[%parallel_loop3A_400, %parallel_loop3A_401] {strides = array<i32>} : memref<64x128xf32, #tpu.memory_space<vmem>>, vector<16xf32>,
      %parallel_loop3A_403 = arith.mulf %parallel_loop3A_395, %parallel_loop3A_402 : vector<16xf32>
      %parallel_loop3A_404 = arith.addf %parallel_loop3A_388, %parallel_loop3A_403 : vector<16xf32>
      %parallel_loop3A_405 = arith.constant 0 : i32
      %parallel_loop3A_406 = arith.constant 0 : i32
      %parallel_loop3A_407 = tpu.memref_slice %arg8[%parallel_loop3A_295, %parallel_loop3A_405, %parallel_loop3A_406] : memref<4x64x128xf32, #tpu.memory_space<vmem>> -> memref<1x64x128xf32, #tpu.memory_space<vmem>>
      %parallel_loop3A_408 = tpu.memref_squeeze %parallel_loop3A_407 : memref<1x64x128xf32, #tpu.memory_space<vmem>> -> memref<64x128xf32, #tpu.memory_space<vmem>>
      %parallel_loop3A_409 = arith.index_cast %parallel_loop3A_372 : i32 to index
      %parallel_loop3A_410 = arith.constant 32 : index
      %parallel_loop3A_411 = tpu.vector_load %parallel_loop3A_408[%parallel_loop3A_409, %parallel_loop3A_410] {strides = array<i32>} : memref<64x128xf32, #tpu.memory_space<vmem>>, vector<16xf32>,
      %parallel_loop3A_412 = arith.constant 0 : i32
      %parallel_loop3A_413 = arith.constant 0 : i32
      %parallel_loop3A_414 = tpu.memref_slice %arg9[%parallel_loop3A_296, %parallel_loop3A_412, %parallel_loop3A_413] : memref<4x64x128xf32, #tpu.memory_space<vmem>> -> memref<1x64x128xf32, #tpu.memory_space<vmem>>
      %parallel_loop3A_415 = tpu.memref_squeeze %parallel_loop3A_414 : memref<1x64x128xf32, #tpu.memory_space<vmem>> -> memref<64x128xf32, #tpu.memory_space<vmem>>
      %parallel_loop3A_416 = arith.index_cast %parallel_loop3A_372 : i32 to index
      %parallel_loop3A_417 = arith.constant 32 : index
      %parallel_loop3A_418 = tpu.vector_load %parallel_loop3A_415[%parallel_loop3A_416, %parallel_loop3A_417] {strides = array<i32>} : memref<64x128xf32, #tpu.memory_space<vmem>>, vector<16xf32>,
      %parallel_loop3A_419 = arith.mulf %parallel_loop3A_411, %parallel_loop3A_418 : vector<16xf32>
      %parallel_loop3A_420 = arith.addf %parallel_loop3A_404, %parallel_loop3A_419 : vector<16xf32>
      %parallel_loop3A_421 = arith.constant 0 : i32
      %parallel_loop3A_422 = arith.constant 0 : i32
      %parallel_loop3A_423 = tpu.memref_slice %arg8[%parallel_loop3A_295, %parallel_loop3A_421, %parallel_loop3A_422] : memref<4x64x128xf32, #tpu.memory_space<vmem>> -> memref<1x64x128xf32, #tpu.memory_space<vmem>>
      %parallel_loop3A_424 = tpu.memref_squeeze %parallel_loop3A_423 : memref<1x64x128xf32, #tpu.memory_space<vmem>> -> memref<64x128xf32, #tpu.memory_space<vmem>>
      %parallel_loop3A_425 = arith.index_cast %parallel_loop3A_372 : i32 to index
      %parallel_loop3A_426 = arith.constant 48 : index
      %parallel_loop3A_427 = tpu.vector_load %parallel_loop3A_424[%parallel_loop3A_425, %parallel_loop3A_426] {strides = array<i32>} : memref<64x128xf32, #tpu.memory_space<vmem>>, vector<16xf32>,
      %parallel_loop3A_428 = arith.constant 0 : i32
      %parallel_loop3A_429 = arith.constant 0 : i32
      %parallel_loop3A_430 = tpu.memref_slice %arg9[%parallel_loop3A_296, %parallel_loop3A_428, %parallel_loop3A_429] : memref<4x64x128xf32, #tpu.memory_space<vmem>> -> memref<1x64x128xf32, #tpu.memory_space<vmem>>
      %parallel_loop3A_431 = tpu.memref_squeeze %parallel_loop3A_430 : memref<1x64x128xf32, #tpu.memory_space<vmem>> -> memref<64x128xf32, #tpu.memory_space<vmem>>
      %parallel_loop3A_432 = arith.index_cast %parallel_loop3A_372 : i32 to index
      %parallel_loop3A_433 = arith.constant 48 : index
      %parallel_loop3A_434 = tpu.vector_load %parallel_loop3A_431[%parallel_loop3A_432, %parallel_loop3A_433] {strides = array<i32>} : memref<64x128xf32, #tpu.memory_space<vmem>>, vector<16xf32>,
      %parallel_loop3A_435 = arith.mulf %parallel_loop3A_427, %parallel_loop3A_434 : vector<16xf32>
      %parallel_loop3A_436 = arith.addf %parallel_loop3A_420, %parallel_loop3A_435 : vector<16xf32>
      %parallel_loop3A_437 = arith.constant 0 : i32
      %parallel_loop3A_438 = arith.constant 0 : i32
      %parallel_loop3A_439 = tpu.memref_slice %arg8[%parallel_loop3A_295, %parallel_loop3A_437, %parallel_loop3A_438] : memref<4x64x128xf32, #tpu.memory_space<vmem>> -> memref<1x64x128xf32, #tpu.memory_space<vmem>>
      %parallel_loop3A_440 = tpu.memref_squeeze %parallel_loop3A_439 : memref<1x64x128xf32, #tpu.memory_space<vmem>> -> memref<64x128xf32, #tpu.memory_space<vmem>>
      %parallel_loop3A_441 = arith.index_cast %parallel_loop3A_372 : i32 to index
      %parallel_loop3A_442 = arith.constant 64 : index
      %parallel_loop3A_443 = tpu.vector_load %parallel_loop3A_440[%parallel_loop3A_441, %parallel_loop3A_442] {strides = array<i32>} : memref<64x128xf32, #tpu.memory_space<vmem>>, vector<16xf32>,
      %parallel_loop3A_444 = arith.constant 0 : i32
      %parallel_loop3A_445 = arith.constant 0 : i32
      %parallel_loop3A_446 = tpu.memref_slice %arg9[%parallel_loop3A_296, %parallel_loop3A_444, %parallel_loop3A_445] : memref<4x64x128xf32, #tpu.memory_space<vmem>> -> memref<1x64x128xf32, #tpu.memory_space<vmem>>
      %parallel_loop3A_447 = tpu.memref_squeeze %parallel_loop3A_446 : memref<1x64x128xf32, #tpu.memory_space<vmem>> -> memref<64x128xf32, #tpu.memory_space<vmem>>
      %parallel_loop3A_448 = arith.index_cast %parallel_loop3A_372 : i32 to index
      %parallel_loop3A_449 = arith.constant 64 : index
      %parallel_loop3A_450 = tpu.vector_load %parallel_loop3A_447[%parallel_loop3A_448, %parallel_loop3A_449] {strides = array<i32>} : memref<64x128xf32, #tpu.memory_space<vmem>>, vector<16xf32>,
      %parallel_loop3A_451 = arith.mulf %parallel_loop3A_443, %parallel_loop3A_450 : vector<16xf32>
      %parallel_loop3A_452 = arith.addf %parallel_loop3A_436, %parallel_loop3A_451 : vector<16xf32>
      %parallel_loop3A_453 = arith.constant 0 : i32
      %parallel_loop3A_454 = arith.constant 0 : i32
      %parallel_loop3A_455 = tpu.memref_slice %arg8[%parallel_loop3A_295, %parallel_loop3A_453, %parallel_loop3A_454] : memref<4x64x128xf32, #tpu.memory_space<vmem>> -> memref<1x64x128xf32, #tpu.memory_space<vmem>>
      %parallel_loop3A_456 = tpu.memref_squeeze %parallel_loop3A_455 : memref<1x64x128xf32, #tpu.memory_space<vmem>> -> memref<64x128xf32, #tpu.memory_space<vmem>>
      %parallel_loop3A_457 = arith.index_cast %parallel_loop3A_372 : i32 to index
      %parallel_loop3A_458 = arith.constant 80 : index
      %parallel_loop3A_459 = tpu.vector_load %parallel_loop3A_456[%parallel_loop3A_457, %parallel_loop3A_458] {strides = array<i32>} : memref<64x128xf32, #tpu.memory_space<vmem>>, vector<16xf32>,
      %parallel_loop3A_460 = arith.constant 0 : i32
      %parallel_loop3A_461 = arith.constant 0 : i32
      %parallel_loop3A_462 = tpu.memref_slice %arg9[%parallel_loop3A_296, %parallel_loop3A_460, %parallel_loop3A_461] : memref<4x64x128xf32, #tpu.memory_space<vmem>> -> memref<1x64x128xf32, #tpu.memory_space<vmem>>
      %parallel_loop3A_463 = tpu.memref_squeeze %parallel_loop3A_462 : memref<1x64x128xf32, #tpu.memory_space<vmem>> -> memref<64x128xf32, #tpu.memory_space<vmem>>
      %parallel_loop3A_464 = arith.index_cast %parallel_loop3A_372 : i32 to index
      %parallel_loop3A_465 = arith.constant 80 : index
      %parallel_loop3A_466 = tpu.vector_load %parallel_loop3A_463[%parallel_loop3A_464, %parallel_loop3A_465] {strides = array<i32>} : memref<64x128xf32, #tpu.memory_space<vmem>>, vector<16xf32>,
      %parallel_loop3A_467 = arith.mulf %parallel_loop3A_459, %parallel_loop3A_466 : vector<16xf32>
      %parallel_loop3A_468 = arith.addf %parallel_loop3A_452, %parallel_loop3A_467 : vector<16xf32>
      %parallel_loop3A_469 = arith.constant 0 : i32
      %parallel_loop3A_470 = arith.constant 0 : i32
      %parallel_loop3A_471 = tpu.memref_slice %arg8[%parallel_loop3A_295, %parallel_loop3A_469, %parallel_loop3A_470] : memref<4x64x128xf32, #tpu.memory_space<vmem>> -> memref<1x64x128xf32, #tpu.memory_space<vmem>>
      %parallel_loop3A_472 = tpu.memref_squeeze %parallel_loop3A_471 : memref<1x64x128xf32, #tpu.memory_space<vmem>> -> memref<64x128xf32, #tpu.memory_space<vmem>>
      %parallel_loop3A_473 = arith.index_cast %parallel_loop3A_372 : i32 to index
      %parallel_loop3A_474 = arith.constant 96 : index
      %parallel_loop3A_475 = tpu.vector_load %parallel_loop3A_472[%parallel_loop3A_473, %parallel_loop3A_474] {strides = array<i32>} : memref<64x128xf32, #tpu.memory_space<vmem>>, vector<16xf32>,
      %parallel_loop3A_476 = arith.constant 0 : i32
      %parallel_loop3A_477 = arith.constant 0 : i32
      %parallel_loop3A_478 = tpu.memref_slice %arg9[%parallel_loop3A_296, %parallel_loop3A_476, %parallel_loop3A_477] : memref<4x64x128xf32, #tpu.memory_space<vmem>> -> memref<1x64x128xf32, #tpu.memory_space<vmem>>
      %parallel_loop3A_479 = tpu.memref_squeeze %parallel_loop3A_478 : memref<1x64x128xf32, #tpu.memory_space<vmem>> -> memref<64x128xf32, #tpu.memory_space<vmem>>
      %parallel_loop3A_480 = arith.index_cast %parallel_loop3A_372 : i32 to index
      %parallel_loop3A_481 = arith.constant 96 : index
      %parallel_loop3A_482 = tpu.vector_load %parallel_loop3A_479[%parallel_loop3A_480, %parallel_loop3A_481] {strides = array<i32>} : memref<64x128xf32, #tpu.memory_space<vmem>>, vector<16xf32>,
      %parallel_loop3A_483 = arith.mulf %parallel_loop3A_475, %parallel_loop3A_482 : vector<16xf32>
      %parallel_loop3A_484 = arith.addf %parallel_loop3A_468, %parallel_loop3A_483 : vector<16xf32>
      %parallel_loop3A_485 = arith.constant 0 : i32
      %parallel_loop3A_486 = arith.constant 0 : i32
      %parallel_loop3A_487 = tpu.memref_slice %arg8[%parallel_loop3A_295, %parallel_loop3A_485, %parallel_loop3A_486] : memref<4x64x128xf32, #tpu.memory_space<vmem>> -> memref<1x64x128xf32, #tpu.memory_space<vmem>>
      %parallel_loop3A_488 = tpu.memref_squeeze %parallel_loop3A_487 : memref<1x64x128xf32, #tpu.memory_space<vmem>> -> memref<64x128xf32, #tpu.memory_space<vmem>>
      %parallel_loop3A_489 = arith.index_cast %parallel_loop3A_372 : i32 to index
      %parallel_loop3A_490 = arith.constant 112 : index
      %parallel_loop3A_491 = tpu.vector_load %parallel_loop3A_488[%parallel_loop3A_489, %parallel_loop3A_490] {strides = array<i32>} : memref<64x128xf32, #tpu.memory_space<vmem>>, vector<16xf32>,
      %parallel_loop3A_492 = arith.constant 0 : i32
      %parallel_loop3A_493 = arith.constant 0 : i32
      %parallel_loop3A_494 = tpu.memref_slice %arg9[%parallel_loop3A_296, %parallel_loop3A_492, %parallel_loop3A_493] : memref<4x64x128xf32, #tpu.memory_space<vmem>> -> memref<1x64x128xf32, #tpu.memory_space<vmem>>
      %parallel_loop3A_495 = tpu.memref_squeeze %parallel_loop3A_494 : memref<1x64x128xf32, #tpu.memory_space<vmem>> -> memref<64x128xf32, #tpu.memory_space<vmem>>
      %parallel_loop3A_496 = arith.index_cast %parallel_loop3A_372 : i32 to index
      %parallel_loop3A_497 = arith.constant 112 : index
      %parallel_loop3A_498 = tpu.vector_load %parallel_loop3A_495[%parallel_loop3A_496, %parallel_loop3A_497] {strides = array<i32>} : memref<64x128xf32, #tpu.memory_space<vmem>>, vector<16xf32>,
      %parallel_loop3A_499 = arith.mulf %parallel_loop3A_491, %parallel_loop3A_498 : vector<16xf32>
      %parallel_loop3A_500 = arith.addf %parallel_loop3A_484, %parallel_loop3A_499 : vector<16xf32>
      %parallel_loop3A_501 = arith.constant 256 : i32
      %parallel_loop3A_502 = arith.addi %parallel_loop3A_501, %parallel_loop3A_372 : i32
      %parallel_loop3A_503 = vector.broadcast %parallel_loop3A_502 : i32 to vector<16xi32>
      tpu.vector_store_idx %arg10[%iota3A, %parallel_loop3A_503], %parallel_loop3A_500 : memref<16x513xf32, #tpu.memory_space<vmem>>[vector<16xi32>, vector<16xi32>], vector<16xf32>,
    } {sc.loop_unroll_factor = 1 : i64, sc.parallel_access}
    %dma_wait3A_297 = arith.constant 1 : i32
    %dma_wait3A_298 = arith.constant 0 : i32
    %dma_wait3A_299 = arith.constant 0 : i32
    %dma_wait3A_300 = tpu.memref_slice %arg8[%dma_wait3A_297, %dma_wait3A_298, %dma_wait3A_299] : memref<4x64x128xf32, #tpu.memory_space<vmem>> -> memref<1x64x128xf32, #tpu.memory_space<vmem>>
    %dma_wait3A_301 = tpu.memref_squeeze %dma_wait3A_300 : memref<1x64x128xf32, #tpu.memory_space<vmem>> -> memref<64x128xf32, #tpu.memory_space<vmem>>
    %dma_wait3A_302 = arith.constant 320 : i32
    %dma_wait3A_303 = tpu.memref_slice %arg6[%dma_wait3A_302] : memref<512xi32, #tpu.memory_space<vmem>> -> memref<64xi32, #tpu.memory_space<vmem>>
    %dma_wait3A_304 = arith.constant 0 : i32
    %dma_wait3A_305 = arith.constant 0 : i32
    %dma_wait3A_306 = tpu.memref_slice %arg4[%dma_wait3A_304, %dma_wait3A_305] : memref<100000x128xf32, #tpu.memory_space<hbm>> -> memref<100000x128xf32, #tpu.memory_space<hbm>>
    tpu.wait_indirect_dma semaphore(%arg12 : memref<!tpu.dma_semaphore, #tpu.memory_space<semaphore_mem>>) src(%dma_wait3A_306 : memref<100000x128xf32, #tpu.memory_space<hbm>>) dst(%dma_wait3A_301 : memref<64x128xf32, #tpu.memory_space<vmem>>)
    %dma_wait3A_307 = arith.constant 1 : i32
    %dma_wait3A_308 = arith.constant 0 : i32
    %dma_wait3A_309 = arith.constant 0 : i32
    %dma_wait3A_310 = tpu.memref_slice %arg9[%dma_wait3A_307, %dma_wait3A_308, %dma_wait3A_309] : memref<4x64x128xf32, #tpu.memory_space<vmem>> -> memref<1x64x128xf32, #tpu.memory_space<vmem>>
    %dma_wait3A_311 = tpu.memref_squeeze %dma_wait3A_310 : memref<1x64x128xf32, #tpu.memory_space<vmem>> -> memref<64x128xf32, #tpu.memory_space<vmem>>
    %dma_wait3A_312 = arith.constant 320 : i32
    %dma_wait3A_313 = tpu.memref_slice %arg7[%dma_wait3A_312] : memref<512xi32, #tpu.memory_space<vmem>> -> memref<64xi32, #tpu.memory_space<vmem>>
    %dma_wait3A_314 = arith.constant 0 : i32
    %dma_wait3A_315 = arith.constant 0 : i32
    %dma_wait3A_316 = tpu.memref_slice %arg4[%dma_wait3A_314, %dma_wait3A_315] : memref<100000x128xf32, #tpu.memory_space<hbm>> -> memref<100000x128xf32, #tpu.memory_space<hbm>>
    tpu.wait_indirect_dma semaphore(%arg16 : memref<!tpu.dma_semaphore, #tpu.memory_space<semaphore_mem>>) src(%dma_wait3A_316 : memref<100000x128xf32, #tpu.memory_space<hbm>>) dst(%dma_wait3A_311 : memref<64x128xf32, #tpu.memory_space<vmem>>)
    %parallel_loop3A_317 = arith.constant 0 : i32
    %parallel_loop3A_318 = arith.constant 64 : i32
    %parallel_loop3A_319 = arith.constant 1 : i32
    %parallel_loop3A_320 = arith.constant 1 : i32
    %parallel_loop3A_321 = arith.constant 1 : i32
    scf.for %parallel_loop3A_372 = %parallel_loop3A_317 to %parallel_loop3A_318 step %parallel_loop3A_319  : i32 {
      %parallel_loop3A_373 = arith.constant 0 : i32
      %parallel_loop3A_374 = arith.constant 0 : i32
      %parallel_loop3A_375 = tpu.memref_slice %arg8[%parallel_loop3A_320, %parallel_loop3A_373, %parallel_loop3A_374] : memref<4x64x128xf32, #tpu.memory_space<vmem>> -> memref<1x64x128xf32, #tpu.memory_space<vmem>>
      %parallel_loop3A_376 = tpu.memref_squeeze %parallel_loop3A_375 : memref<1x64x128xf32, #tpu.memory_space<vmem>> -> memref<64x128xf32, #tpu.memory_space<vmem>>
      %parallel_loop3A_377 = arith.index_cast %parallel_loop3A_372 : i32 to index
      %parallel_loop3A_378 = arith.constant 0 : index
      %parallel_loop3A_379 = tpu.vector_load %parallel_loop3A_376[%parallel_loop3A_377, %parallel_loop3A_378] {strides = array<i32>} : memref<64x128xf32, #tpu.memory_space<vmem>>, vector<16xf32>,
      %parallel_loop3A_380 = arith.mulf %parallel_loop3A_379, %select_n3A : vector<16xf32>
      %parallel_loop3A_381 = arith.constant 0 : i32
      %parallel_loop3A_382 = arith.constant 0 : i32
      %parallel_loop3A_383 = tpu.memref_slice %arg9[%parallel_loop3A_321, %parallel_loop3A_381, %parallel_loop3A_382] : memref<4x64x128xf32, #tpu.memory_space<vmem>> -> memref<1x64x128xf32, #tpu.memory_space<vmem>>
      %parallel_loop3A_384 = tpu.memref_squeeze %parallel_loop3A_383 : memref<1x64x128xf32, #tpu.memory_space<vmem>> -> memref<64x128xf32, #tpu.memory_space<vmem>>
      %parallel_loop3A_385 = arith.index_cast %parallel_loop3A_372 : i32 to index
      %parallel_loop3A_386 = arith.constant 0 : index
      %parallel_loop3A_387 = tpu.vector_load %parallel_loop3A_384[%parallel_loop3A_385, %parallel_loop3A_386] {strides = array<i32>} : memref<64x128xf32, #tpu.memory_space<vmem>>, vector<16xf32>,
      %parallel_loop3A_388 = arith.mulf %parallel_loop3A_380, %parallel_loop3A_387 : vector<16xf32>
      %parallel_loop3A_389 = arith.constant 0 : i32
      %parallel_loop3A_390 = arith.constant 0 : i32
      %parallel_loop3A_391 = tpu.memref_slice %arg8[%parallel_loop3A_320, %parallel_loop3A_389, %parallel_loop3A_390] : memref<4x64x128xf32, #tpu.memory_space<vmem>> -> memref<1x64x128xf32, #tpu.memory_space<vmem>>
      %parallel_loop3A_392 = tpu.memref_squeeze %parallel_loop3A_391 : memref<1x64x128xf32, #tpu.memory_space<vmem>> -> memref<64x128xf32, #tpu.memory_space<vmem>>
      %parallel_loop3A_393 = arith.index_cast %parallel_loop3A_372 : i32 to index
      %parallel_loop3A_394 = arith.constant 16 : index
      %parallel_loop3A_395 = tpu.vector_load %parallel_loop3A_392[%parallel_loop3A_393, %parallel_loop3A_394] {strides = array<i32>} : memref<64x128xf32, #tpu.memory_space<vmem>>, vector<16xf32>,
      %parallel_loop3A_396 = arith.constant 0 : i32
      %parallel_loop3A_397 = arith.constant 0 : i32
      %parallel_loop3A_398 = tpu.memref_slice %arg9[%parallel_loop3A_321, %parallel_loop3A_396, %parallel_loop3A_397] : memref<4x64x128xf32, #tpu.memory_space<vmem>> -> memref<1x64x128xf32, #tpu.memory_space<vmem>>
      %parallel_loop3A_399 = tpu.memref_squeeze %parallel_loop3A_398 : memref<1x64x128xf32, #tpu.memory_space<vmem>> -> memref<64x128xf32, #tpu.memory_space<vmem>>
      %parallel_loop3A_400 = arith.index_cast %parallel_loop3A_372 : i32 to index
      %parallel_loop3A_401 = arith.constant 16 : index
      %parallel_loop3A_402 = tpu.vector_load %parallel_loop3A_399[%parallel_loop3A_400, %parallel_loop3A_401] {strides = array<i32>} : memref<64x128xf32, #tpu.memory_space<vmem>>, vector<16xf32>,
      %parallel_loop3A_403 = arith.mulf %parallel_loop3A_395, %parallel_loop3A_402 : vector<16xf32>
      %parallel_loop3A_404 = arith.addf %parallel_loop3A_388, %parallel_loop3A_403 : vector<16xf32>
      %parallel_loop3A_405 = arith.constant 0 : i32
      %parallel_loop3A_406 = arith.constant 0 : i32
      %parallel_loop3A_407 = tpu.memref_slice %arg8[%parallel_loop3A_320, %parallel_loop3A_405, %parallel_loop3A_406] : memref<4x64x128xf32, #tpu.memory_space<vmem>> -> memref<1x64x128xf32, #tpu.memory_space<vmem>>
      %parallel_loop3A_408 = tpu.memref_squeeze %parallel_loop3A_407 : memref<1x64x128xf32, #tpu.memory_space<vmem>> -> memref<64x128xf32, #tpu.memory_space<vmem>>
      %parallel_loop3A_409 = arith.index_cast %parallel_loop3A_372 : i32 to index
      %parallel_loop3A_410 = arith.constant 32 : index
      %parallel_loop3A_411 = tpu.vector_load %parallel_loop3A_408[%parallel_loop3A_409, %parallel_loop3A_410] {strides = array<i32>} : memref<64x128xf32, #tpu.memory_space<vmem>>, vector<16xf32>,
      %parallel_loop3A_412 = arith.constant 0 : i32
      %parallel_loop3A_413 = arith.constant 0 : i32
      %parallel_loop3A_414 = tpu.memref_slice %arg9[%parallel_loop3A_321, %parallel_loop3A_412, %parallel_loop3A_413] : memref<4x64x128xf32, #tpu.memory_space<vmem>> -> memref<1x64x128xf32, #tpu.memory_space<vmem>>
      %parallel_loop3A_415 = tpu.memref_squeeze %parallel_loop3A_414 : memref<1x64x128xf32, #tpu.memory_space<vmem>> -> memref<64x128xf32, #tpu.memory_space<vmem>>
      %parallel_loop3A_416 = arith.index_cast %parallel_loop3A_372 : i32 to index
      %parallel_loop3A_417 = arith.constant 32 : index
      %parallel_loop3A_418 = tpu.vector_load %parallel_loop3A_415[%parallel_loop3A_416, %parallel_loop3A_417] {strides = array<i32>} : memref<64x128xf32, #tpu.memory_space<vmem>>, vector<16xf32>,
      %parallel_loop3A_419 = arith.mulf %parallel_loop3A_411, %parallel_loop3A_418 : vector<16xf32>
      %parallel_loop3A_420 = arith.addf %parallel_loop3A_404, %parallel_loop3A_419 : vector<16xf32>
      %parallel_loop3A_421 = arith.constant 0 : i32
      %parallel_loop3A_422 = arith.constant 0 : i32
      %parallel_loop3A_423 = tpu.memref_slice %arg8[%parallel_loop3A_320, %parallel_loop3A_421, %parallel_loop3A_422] : memref<4x64x128xf32, #tpu.memory_space<vmem>> -> memref<1x64x128xf32, #tpu.memory_space<vmem>>
      %parallel_loop3A_424 = tpu.memref_squeeze %parallel_loop3A_423 : memref<1x64x128xf32, #tpu.memory_space<vmem>> -> memref<64x128xf32, #tpu.memory_space<vmem>>
      %parallel_loop3A_425 = arith.index_cast %parallel_loop3A_372 : i32 to index
      %parallel_loop3A_426 = arith.constant 48 : index
      %parallel_loop3A_427 = tpu.vector_load %parallel_loop3A_424[%parallel_loop3A_425, %parallel_loop3A_426] {strides = array<i32>} : memref<64x128xf32, #tpu.memory_space<vmem>>, vector<16xf32>,
      %parallel_loop3A_428 = arith.constant 0 : i32
      %parallel_loop3A_429 = arith.constant 0 : i32
      %parallel_loop3A_430 = tpu.memref_slice %arg9[%parallel_loop3A_321, %parallel_loop3A_428, %parallel_loop3A_429] : memref<4x64x128xf32, #tpu.memory_space<vmem>> -> memref<1x64x128xf32, #tpu.memory_space<vmem>>
      %parallel_loop3A_431 = tpu.memref_squeeze %parallel_loop3A_430 : memref<1x64x128xf32, #tpu.memory_space<vmem>> -> memref<64x128xf32, #tpu.memory_space<vmem>>
      %parallel_loop3A_432 = arith.index_cast %parallel_loop3A_372 : i32 to index
      %parallel_loop3A_433 = arith.constant 48 : index
      %parallel_loop3A_434 = tpu.vector_load %parallel_loop3A_431[%parallel_loop3A_432, %parallel_loop3A_433] {strides = array<i32>} : memref<64x128xf32, #tpu.memory_space<vmem>>, vector<16xf32>,
      %parallel_loop3A_435 = arith.mulf %parallel_loop3A_427, %parallel_loop3A_434 : vector<16xf32>
      %parallel_loop3A_436 = arith.addf %parallel_loop3A_420, %parallel_loop3A_435 : vector<16xf32>
      %parallel_loop3A_437 = arith.constant 0 : i32
      %parallel_loop3A_438 = arith.constant 0 : i32
      %parallel_loop3A_439 = tpu.memref_slice %arg8[%parallel_loop3A_320, %parallel_loop3A_437, %parallel_loop3A_438] : memref<4x64x128xf32, #tpu.memory_space<vmem>> -> memref<1x64x128xf32, #tpu.memory_space<vmem>>
      %parallel_loop3A_440 = tpu.memref_squeeze %parallel_loop3A_439 : memref<1x64x128xf32, #tpu.memory_space<vmem>> -> memref<64x128xf32, #tpu.memory_space<vmem>>
      %parallel_loop3A_441 = arith.index_cast %parallel_loop3A_372 : i32 to index
      %parallel_loop3A_442 = arith.constant 64 : index
      %parallel_loop3A_443 = tpu.vector_load %parallel_loop3A_440[%parallel_loop3A_441, %parallel_loop3A_442] {strides = array<i32>} : memref<64x128xf32, #tpu.memory_space<vmem>>, vector<16xf32>,
      %parallel_loop3A_444 = arith.constant 0 : i32
      %parallel_loop3A_445 = arith.constant 0 : i32
      %parallel_loop3A_446 = tpu.memref_slice %arg9[%parallel_loop3A_321, %parallel_loop3A_444, %parallel_loop3A_445] : memref<4x64x128xf32, #tpu.memory_space<vmem>> -> memref<1x64x128xf32, #tpu.memory_space<vmem>>
      %parallel_loop3A_447 = tpu.memref_squeeze %parallel_loop3A_446 : memref<1x64x128xf32, #tpu.memory_space<vmem>> -> memref<64x128xf32, #tpu.memory_space<vmem>>
      %parallel_loop3A_448 = arith.index_cast %parallel_loop3A_372 : i32 to index
      %parallel_loop3A_449 = arith.constant 64 : index
      %parallel_loop3A_450 = tpu.vector_load %parallel_loop3A_447[%parallel_loop3A_448, %parallel_loop3A_449] {strides = array<i32>} : memref<64x128xf32, #tpu.memory_space<vmem>>, vector<16xf32>,
      %parallel_loop3A_451 = arith.mulf %parallel_loop3A_443, %parallel_loop3A_450 : vector<16xf32>
      %parallel_loop3A_452 = arith.addf %parallel_loop3A_436, %parallel_loop3A_451 : vector<16xf32>
      %parallel_loop3A_453 = arith.constant 0 : i32
      %parallel_loop3A_454 = arith.constant 0 : i32
      %parallel_loop3A_455 = tpu.memref_slice %arg8[%parallel_loop3A_320, %parallel_loop3A_453, %parallel_loop3A_454] : memref<4x64x128xf32, #tpu.memory_space<vmem>> -> memref<1x64x128xf32, #tpu.memory_space<vmem>>
      %parallel_loop3A_456 = tpu.memref_squeeze %parallel_loop3A_455 : memref<1x64x128xf32, #tpu.memory_space<vmem>> -> memref<64x128xf32, #tpu.memory_space<vmem>>
      %parallel_loop3A_457 = arith.index_cast %parallel_loop3A_372 : i32 to index
      %parallel_loop3A_458 = arith.constant 80 : index
      %parallel_loop3A_459 = tpu.vector_load %parallel_loop3A_456[%parallel_loop3A_457, %parallel_loop3A_458] {strides = array<i32>} : memref<64x128xf32, #tpu.memory_space<vmem>>, vector<16xf32>,
      %parallel_loop3A_460 = arith.constant 0 : i32
      %parallel_loop3A_461 = arith.constant 0 : i32
      %parallel_loop3A_462 = tpu.memref_slice %arg9[%parallel_loop3A_321, %parallel_loop3A_460, %parallel_loop3A_461] : memref<4x64x128xf32, #tpu.memory_space<vmem>> -> memref<1x64x128xf32, #tpu.memory_space<vmem>>
      %parallel_loop3A_463 = tpu.memref_squeeze %parallel_loop3A_462 : memref<1x64x128xf32, #tpu.memory_space<vmem>> -> memref<64x128xf32, #tpu.memory_space<vmem>>
      %parallel_loop3A_464 = arith.index_cast %parallel_loop3A_372 : i32 to index
      %parallel_loop3A_465 = arith.constant 80 : index
      %parallel_loop3A_466 = tpu.vector_load %parallel_loop3A_463[%parallel_loop3A_464, %parallel_loop3A_465] {strides = array<i32>} : memref<64x128xf32, #tpu.memory_space<vmem>>, vector<16xf32>,
      %parallel_loop3A_467 = arith.mulf %parallel_loop3A_459, %parallel_loop3A_466 : vector<16xf32>
      %parallel_loop3A_468 = arith.addf %parallel_loop3A_452, %parallel_loop3A_467 : vector<16xf32>
      %parallel_loop3A_469 = arith.constant 0 : i32
      %parallel_loop3A_470 = arith.constant 0 : i32
      %parallel_loop3A_471 = tpu.memref_slice %arg8[%parallel_loop3A_320, %parallel_loop3A_469, %parallel_loop3A_470] : memref<4x64x128xf32, #tpu.memory_space<vmem>> -> memref<1x64x128xf32, #tpu.memory_space<vmem>>
      %parallel_loop3A_472 = tpu.memref_squeeze %parallel_loop3A_471 : memref<1x64x128xf32, #tpu.memory_space<vmem>> -> memref<64x128xf32, #tpu.memory_space<vmem>>
      %parallel_loop3A_473 = arith.index_cast %parallel_loop3A_372 : i32 to index
      %parallel_loop3A_474 = arith.constant 96 : index
      %parallel_loop3A_475 = tpu.vector_load %parallel_loop3A_472[%parallel_loop3A_473, %parallel_loop3A_474] {strides = array<i32>} : memref<64x128xf32, #tpu.memory_space<vmem>>, vector<16xf32>,
      %parallel_loop3A_476 = arith.constant 0 : i32
      %parallel_loop3A_477 = arith.constant 0 : i32
      %parallel_loop3A_478 = tpu.memref_slice %arg9[%parallel_loop3A_321, %parallel_loop3A_476, %parallel_loop3A_477] : memref<4x64x128xf32, #tpu.memory_space<vmem>> -> memref<1x64x128xf32, #tpu.memory_space<vmem>>
      %parallel_loop3A_479 = tpu.memref_squeeze %parallel_loop3A_478 : memref<1x64x128xf32, #tpu.memory_space<vmem>> -> memref<64x128xf32, #tpu.memory_space<vmem>>
      %parallel_loop3A_480 = arith.index_cast %parallel_loop3A_372 : i32 to index
      %parallel_loop3A_481 = arith.constant 96 : index
      %parallel_loop3A_482 = tpu.vector_load %parallel_loop3A_479[%parallel_loop3A_480, %parallel_loop3A_481] {strides = array<i32>} : memref<64x128xf32, #tpu.memory_space<vmem>>, vector<16xf32>,
      %parallel_loop3A_483 = arith.mulf %parallel_loop3A_475, %parallel_loop3A_482 : vector<16xf32>
      %parallel_loop3A_484 = arith.addf %parallel_loop3A_468, %parallel_loop3A_483 : vector<16xf32>
      %parallel_loop3A_485 = arith.constant 0 : i32
      %parallel_loop3A_486 = arith.constant 0 : i32
      %parallel_loop3A_487 = tpu.memref_slice %arg8[%parallel_loop3A_320, %parallel_loop3A_485, %parallel_loop3A_486] : memref<4x64x128xf32, #tpu.memory_space<vmem>> -> memref<1x64x128xf32, #tpu.memory_space<vmem>>
      %parallel_loop3A_488 = tpu.memref_squeeze %parallel_loop3A_487 : memref<1x64x128xf32, #tpu.memory_space<vmem>> -> memref<64x128xf32, #tpu.memory_space<vmem>>
      %parallel_loop3A_489 = arith.index_cast %parallel_loop3A_372 : i32 to index
      %parallel_loop3A_490 = arith.constant 112 : index
      %parallel_loop3A_491 = tpu.vector_load %parallel_loop3A_488[%parallel_loop3A_489, %parallel_loop3A_490] {strides = array<i32>} : memref<64x128xf32, #tpu.memory_space<vmem>>, vector<16xf32>,
      %parallel_loop3A_492 = arith.constant 0 : i32
      %parallel_loop3A_493 = arith.constant 0 : i32
      %parallel_loop3A_494 = tpu.memref_slice %arg9[%parallel_loop3A_321, %parallel_loop3A_492, %parallel_loop3A_493] : memref<4x64x128xf32, #tpu.memory_space<vmem>> -> memref<1x64x128xf32, #tpu.memory_space<vmem>>
      %parallel_loop3A_495 = tpu.memref_squeeze %parallel_loop3A_494 : memref<1x64x128xf32, #tpu.memory_space<vmem>> -> memref<64x128xf32, #tpu.memory_space<vmem>>
      %parallel_loop3A_496 = arith.index_cast %parallel_loop3A_372 : i32 to index
      %parallel_loop3A_497 = arith.constant 112 : index
      %parallel_loop3A_498 = tpu.vector_load %parallel_loop3A_495[%parallel_loop3A_496, %parallel_loop3A_497] {strides = array<i32>} : memref<64x128xf32, #tpu.memory_space<vmem>>, vector<16xf32>,
      %parallel_loop3A_499 = arith.mulf %parallel_loop3A_491, %parallel_loop3A_498 : vector<16xf32>
      %parallel_loop3A_500 = arith.addf %parallel_loop3A_484, %parallel_loop3A_499 : vector<16xf32>
      %parallel_loop3A_501 = arith.constant 320 : i32
      %parallel_loop3A_502 = arith.addi %parallel_loop3A_501, %parallel_loop3A_372 : i32
      %parallel_loop3A_503 = vector.broadcast %parallel_loop3A_502 : i32 to vector<16xi32>
      tpu.vector_store_idx %arg10[%iota3A, %parallel_loop3A_503], %parallel_loop3A_500 : memref<16x513xf32, #tpu.memory_space<vmem>>[vector<16xi32>, vector<16xi32>], vector<16xf32>,
    } {sc.loop_unroll_factor = 1 : i64, sc.parallel_access}
    %dma_wait3A_322 = arith.constant 2 : i32
    %dma_wait3A_323 = arith.constant 0 : i32
    %dma_wait3A_324 = arith.constant 0 : i32
    %dma_wait3A_325 = tpu.memref_slice %arg8[%dma_wait3A_322, %dma_wait3A_323, %dma_wait3A_324] : memref<4x64x128xf32, #tpu.memory_space<vmem>> -> memref<1x64x128xf32, #tpu.memory_space<vmem>>
    %dma_wait3A_326 = tpu.memref_squeeze %dma_wait3A_325 : memref<1x64x128xf32, #tpu.memory_space<vmem>> -> memref<64x128xf32, #tpu.memory_space<vmem>>
    %dma_wait3A_327 = arith.constant 384 : i32
    %dma_wait3A_328 = tpu.memref_slice %arg6[%dma_wait3A_327] : memref<512xi32, #tpu.memory_space<vmem>> -> memref<64xi32, #tpu.memory_space<vmem>>
    %dma_wait3A_329 = arith.constant 0 : i32
    %dma_wait3A_330 = arith.constant 0 : i32
    %dma_wait3A_331 = tpu.memref_slice %arg4[%dma_wait3A_329, %dma_wait3A_330] : memref<100000x128xf32, #tpu.memory_space<hbm>> -> memref<100000x128xf32, #tpu.memory_space<hbm>>
    tpu.wait_indirect_dma semaphore(%arg13 : memref<!tpu.dma_semaphore, #tpu.memory_space<semaphore_mem>>) src(%dma_wait3A_331 : memref<100000x128xf32, #tpu.memory_space<hbm>>) dst(%dma_wait3A_326 : memref<64x128xf32, #tpu.memory_space<vmem>>)
    %dma_wait3A_332 = arith.constant 2 : i32
    %dma_wait3A_333 = arith.constant 0 : i32
    %dma_wait3A_334 = arith.constant 0 : i32
    %dma_wait3A_335 = tpu.memref_slice %arg9[%dma_wait3A_332, %dma_wait3A_333, %dma_wait3A_334] : memref<4x64x128xf32, #tpu.memory_space<vmem>> -> memref<1x64x128xf32, #tpu.memory_space<vmem>>
    %dma_wait3A_336 = tpu.memref_squeeze %dma_wait3A_335 : memref<1x64x128xf32, #tpu.memory_space<vmem>> -> memref<64x128xf32, #tpu.memory_space<vmem>>
    %dma_wait3A_337 = arith.constant 384 : i32
    %dma_wait3A_338 = tpu.memref_slice %arg7[%dma_wait3A_337] : memref<512xi32, #tpu.memory_space<vmem>> -> memref<64xi32, #tpu.memory_space<vmem>>
    %dma_wait3A_339 = arith.constant 0 : i32
    %dma_wait3A_340 = arith.constant 0 : i32
    %dma_wait3A_341 = tpu.memref_slice %arg4[%dma_wait3A_339, %dma_wait3A_340] : memref<100000x128xf32, #tpu.memory_space<hbm>> -> memref<100000x128xf32, #tpu.memory_space<hbm>>
    tpu.wait_indirect_dma semaphore(%arg17 : memref<!tpu.dma_semaphore, #tpu.memory_space<semaphore_mem>>) src(%dma_wait3A_341 : memref<100000x128xf32, #tpu.memory_space<hbm>>) dst(%dma_wait3A_336 : memref<64x128xf32, #tpu.memory_space<vmem>>)
    %parallel_loop3A_342 = arith.constant 0 : i32
    %parallel_loop3A_343 = arith.constant 64 : i32
    %parallel_loop3A_344 = arith.constant 1 : i32
    %parallel_loop3A_345 = arith.constant 2 : i32
    %parallel_loop3A_346 = arith.constant 2 : i32
    scf.for %parallel_loop3A_372 = %parallel_loop3A_342 to %parallel_loop3A_343 step %parallel_loop3A_344  : i32 {
      %parallel_loop3A_373 = arith.constant 0 : i32
      %parallel_loop3A_374 = arith.constant 0 : i32
      %parallel_loop3A_375 = tpu.memref_slice %arg8[%parallel_loop3A_345, %parallel_loop3A_373, %parallel_loop3A_374] : memref<4x64x128xf32, #tpu.memory_space<vmem>> -> memref<1x64x128xf32, #tpu.memory_space<vmem>>
      %parallel_loop3A_376 = tpu.memref_squeeze %parallel_loop3A_375 : memref<1x64x128xf32, #tpu.memory_space<vmem>> -> memref<64x128xf32, #tpu.memory_space<vmem>>
      %parallel_loop3A_377 = arith.index_cast %parallel_loop3A_372 : i32 to index
      %parallel_loop3A_378 = arith.constant 0 : index
      %parallel_loop3A_379 = tpu.vector_load %parallel_loop3A_376[%parallel_loop3A_377, %parallel_loop3A_378] {strides = array<i32>} : memref<64x128xf32, #tpu.memory_space<vmem>>, vector<16xf32>,
      %parallel_loop3A_380 = arith.mulf %parallel_loop3A_379, %select_n3A : vector<16xf32>
      %parallel_loop3A_381 = arith.constant 0 : i32
      %parallel_loop3A_382 = arith.constant 0 : i32
      %parallel_loop3A_383 = tpu.memref_slice %arg9[%parallel_loop3A_346, %parallel_loop3A_381, %parallel_loop3A_382] : memref<4x64x128xf32, #tpu.memory_space<vmem>> -> memref<1x64x128xf32, #tpu.memory_space<vmem>>
      %parallel_loop3A_384 = tpu.memref_squeeze %parallel_loop3A_383 : memref<1x64x128xf32, #tpu.memory_space<vmem>> -> memref<64x128xf32, #tpu.memory_space<vmem>>
      %parallel_loop3A_385 = arith.index_cast %parallel_loop3A_372 : i32 to index
      %parallel_loop3A_386 = arith.constant 0 : index
      %parallel_loop3A_387 = tpu.vector_load %parallel_loop3A_384[%parallel_loop3A_385, %parallel_loop3A_386] {strides = array<i32>} : memref<64x128xf32, #tpu.memory_space<vmem>>, vector<16xf32>,
      %parallel_loop3A_388 = arith.mulf %parallel_loop3A_380, %parallel_loop3A_387 : vector<16xf32>
      %parallel_loop3A_389 = arith.constant 0 : i32
      %parallel_loop3A_390 = arith.constant 0 : i32
      %parallel_loop3A_391 = tpu.memref_slice %arg8[%parallel_loop3A_345, %parallel_loop3A_389, %parallel_loop3A_390] : memref<4x64x128xf32, #tpu.memory_space<vmem>> -> memref<1x64x128xf32, #tpu.memory_space<vmem>>
      %parallel_loop3A_392 = tpu.memref_squeeze %parallel_loop3A_391 : memref<1x64x128xf32, #tpu.memory_space<vmem>> -> memref<64x128xf32, #tpu.memory_space<vmem>>
      %parallel_loop3A_393 = arith.index_cast %parallel_loop3A_372 : i32 to index
      %parallel_loop3A_394 = arith.constant 16 : index
      %parallel_loop3A_395 = tpu.vector_load %parallel_loop3A_392[%parallel_loop3A_393, %parallel_loop3A_394] {strides = array<i32>} : memref<64x128xf32, #tpu.memory_space<vmem>>, vector<16xf32>,
      %parallel_loop3A_396 = arith.constant 0 : i32
      %parallel_loop3A_397 = arith.constant 0 : i32
      %parallel_loop3A_398 = tpu.memref_slice %arg9[%parallel_loop3A_346, %parallel_loop3A_396, %parallel_loop3A_397] : memref<4x64x128xf32, #tpu.memory_space<vmem>> -> memref<1x64x128xf32, #tpu.memory_space<vmem>>
      %parallel_loop3A_399 = tpu.memref_squeeze %parallel_loop3A_398 : memref<1x64x128xf32, #tpu.memory_space<vmem>> -> memref<64x128xf32, #tpu.memory_space<vmem>>
      %parallel_loop3A_400 = arith.index_cast %parallel_loop3A_372 : i32 to index
      %parallel_loop3A_401 = arith.constant 16 : index
      %parallel_loop3A_402 = tpu.vector_load %parallel_loop3A_399[%parallel_loop3A_400, %parallel_loop3A_401] {strides = array<i32>} : memref<64x128xf32, #tpu.memory_space<vmem>>, vector<16xf32>,
      %parallel_loop3A_403 = arith.mulf %parallel_loop3A_395, %parallel_loop3A_402 : vector<16xf32>
      %parallel_loop3A_404 = arith.addf %parallel_loop3A_388, %parallel_loop3A_403 : vector<16xf32>
      %parallel_loop3A_405 = arith.constant 0 : i32
      %parallel_loop3A_406 = arith.constant 0 : i32
      %parallel_loop3A_407 = tpu.memref_slice %arg8[%parallel_loop3A_345, %parallel_loop3A_405, %parallel_loop3A_406] : memref<4x64x128xf32, #tpu.memory_space<vmem>> -> memref<1x64x128xf32, #tpu.memory_space<vmem>>
      %parallel_loop3A_408 = tpu.memref_squeeze %parallel_loop3A_407 : memref<1x64x128xf32, #tpu.memory_space<vmem>> -> memref<64x128xf32, #tpu.memory_space<vmem>>
      %parallel_loop3A_409 = arith.index_cast %parallel_loop3A_372 : i32 to index
      %parallel_loop3A_410 = arith.constant 32 : index
      %parallel_loop3A_411 = tpu.vector_load %parallel_loop3A_408[%parallel_loop3A_409, %parallel_loop3A_410] {strides = array<i32>} : memref<64x128xf32, #tpu.memory_space<vmem>>, vector<16xf32>,
      %parallel_loop3A_412 = arith.constant 0 : i32
      %parallel_loop3A_413 = arith.constant 0 : i32
      %parallel_loop3A_414 = tpu.memref_slice %arg9[%parallel_loop3A_346, %parallel_loop3A_412, %parallel_loop3A_413] : memref<4x64x128xf32, #tpu.memory_space<vmem>> -> memref<1x64x128xf32, #tpu.memory_space<vmem>>
      %parallel_loop3A_415 = tpu.memref_squeeze %parallel_loop3A_414 : memref<1x64x128xf32, #tpu.memory_space<vmem>> -> memref<64x128xf32, #tpu.memory_space<vmem>>
      %parallel_loop3A_416 = arith.index_cast %parallel_loop3A_372 : i32 to index
      %parallel_loop3A_417 = arith.constant 32 : index
      %parallel_loop3A_418 = tpu.vector_load %parallel_loop3A_415[%parallel_loop3A_416, %parallel_loop3A_417] {strides = array<i32>} : memref<64x128xf32, #tpu.memory_space<vmem>>, vector<16xf32>,
      %parallel_loop3A_419 = arith.mulf %parallel_loop3A_411, %parallel_loop3A_418 : vector<16xf32>
      %parallel_loop3A_420 = arith.addf %parallel_loop3A_404, %parallel_loop3A_419 : vector<16xf32>
      %parallel_loop3A_421 = arith.constant 0 : i32
      %parallel_loop3A_422 = arith.constant 0 : i32
      %parallel_loop3A_423 = tpu.memref_slice %arg8[%parallel_loop3A_345, %parallel_loop3A_421, %parallel_loop3A_422] : memref<4x64x128xf32, #tpu.memory_space<vmem>> -> memref<1x64x128xf32, #tpu.memory_space<vmem>>
      %parallel_loop3A_424 = tpu.memref_squeeze %parallel_loop3A_423 : memref<1x64x128xf32, #tpu.memory_space<vmem>> -> memref<64x128xf32, #tpu.memory_space<vmem>>
      %parallel_loop3A_425 = arith.index_cast %parallel_loop3A_372 : i32 to index
      %parallel_loop3A_426 = arith.constant 48 : index
      %parallel_loop3A_427 = tpu.vector_load %parallel_loop3A_424[%parallel_loop3A_425, %parallel_loop3A_426] {strides = array<i32>} : memref<64x128xf32, #tpu.memory_space<vmem>>, vector<16xf32>,
      %parallel_loop3A_428 = arith.constant 0 : i32
      %parallel_loop3A_429 = arith.constant 0 : i32
      %parallel_loop3A_430 = tpu.memref_slice %arg9[%parallel_loop3A_346, %parallel_loop3A_428, %parallel_loop3A_429] : memref<4x64x128xf32, #tpu.memory_space<vmem>> -> memref<1x64x128xf32, #tpu.memory_space<vmem>>
      %parallel_loop3A_431 = tpu.memref_squeeze %parallel_loop3A_430 : memref<1x64x128xf32, #tpu.memory_space<vmem>> -> memref<64x128xf32, #tpu.memory_space<vmem>>
      %parallel_loop3A_432 = arith.index_cast %parallel_loop3A_372 : i32 to index
      %parallel_loop3A_433 = arith.constant 48 : index
      %parallel_loop3A_434 = tpu.vector_load %parallel_loop3A_431[%parallel_loop3A_432, %parallel_loop3A_433] {strides = array<i32>} : memref<64x128xf32, #tpu.memory_space<vmem>>, vector<16xf32>,
      %parallel_loop3A_435 = arith.mulf %parallel_loop3A_427, %parallel_loop3A_434 : vector<16xf32>
      %parallel_loop3A_436 = arith.addf %parallel_loop3A_420, %parallel_loop3A_435 : vector<16xf32>
      %parallel_loop3A_437 = arith.constant 0 : i32
      %parallel_loop3A_438 = arith.constant 0 : i32
      %parallel_loop3A_439 = tpu.memref_slice %arg8[%parallel_loop3A_345, %parallel_loop3A_437, %parallel_loop3A_438] : memref<4x64x128xf32, #tpu.memory_space<vmem>> -> memref<1x64x128xf32, #tpu.memory_space<vmem>>
      %parallel_loop3A_440 = tpu.memref_squeeze %parallel_loop3A_439 : memref<1x64x128xf32, #tpu.memory_space<vmem>> -> memref<64x128xf32, #tpu.memory_space<vmem>>
      %parallel_loop3A_441 = arith.index_cast %parallel_loop3A_372 : i32 to index
      %parallel_loop3A_442 = arith.constant 64 : index
      %parallel_loop3A_443 = tpu.vector_load %parallel_loop3A_440[%parallel_loop3A_441, %parallel_loop3A_442] {strides = array<i32>} : memref<64x128xf32, #tpu.memory_space<vmem>>, vector<16xf32>,
      %parallel_loop3A_444 = arith.constant 0 : i32
      %parallel_loop3A_445 = arith.constant 0 : i32
      %parallel_loop3A_446 = tpu.memref_slice %arg9[%parallel_loop3A_346, %parallel_loop3A_444, %parallel_loop3A_445] : memref<4x64x128xf32, #tpu.memory_space<vmem>> -> memref<1x64x128xf32, #tpu.memory_space<vmem>>
      %parallel_loop3A_447 = tpu.memref_squeeze %parallel_loop3A_446 : memref<1x64x128xf32, #tpu.memory_space<vmem>> -> memref<64x128xf32, #tpu.memory_space<vmem>>
      %parallel_loop3A_448 = arith.index_cast %parallel_loop3A_372 : i32 to index
      %parallel_loop3A_449 = arith.constant 64 : index
      %parallel_loop3A_450 = tpu.vector_load %parallel_loop3A_447[%parallel_loop3A_448, %parallel_loop3A_449] {strides = array<i32>} : memref<64x128xf32, #tpu.memory_space<vmem>>, vector<16xf32>,
      %parallel_loop3A_451 = arith.mulf %parallel_loop3A_443, %parallel_loop3A_450 : vector<16xf32>
      %parallel_loop3A_452 = arith.addf %parallel_loop3A_436, %parallel_loop3A_451 : vector<16xf32>
      %parallel_loop3A_453 = arith.constant 0 : i32
      %parallel_loop3A_454 = arith.constant 0 : i32
      %parallel_loop3A_455 = tpu.memref_slice %arg8[%parallel_loop3A_345, %parallel_loop3A_453, %parallel_loop3A_454] : memref<4x64x128xf32, #tpu.memory_space<vmem>> -> memref<1x64x128xf32, #tpu.memory_space<vmem>>
      %parallel_loop3A_456 = tpu.memref_squeeze %parallel_loop3A_455 : memref<1x64x128xf32, #tpu.memory_space<vmem>> -> memref<64x128xf32, #tpu.memory_space<vmem>>
      %parallel_loop3A_457 = arith.index_cast %parallel_loop3A_372 : i32 to index
      %parallel_loop3A_458 = arith.constant 80 : index
      %parallel_loop3A_459 = tpu.vector_load %parallel_loop3A_456[%parallel_loop3A_457, %parallel_loop3A_458] {strides = array<i32>} : memref<64x128xf32, #tpu.memory_space<vmem>>, vector<16xf32>,
      %parallel_loop3A_460 = arith.constant 0 : i32
      %parallel_loop3A_461 = arith.constant 0 : i32
      %parallel_loop3A_462 = tpu.memref_slice %arg9[%parallel_loop3A_346, %parallel_loop3A_460, %parallel_loop3A_461] : memref<4x64x128xf32, #tpu.memory_space<vmem>> -> memref<1x64x128xf32, #tpu.memory_space<vmem>>
      %parallel_loop3A_463 = tpu.memref_squeeze %parallel_loop3A_462 : memref<1x64x128xf32, #tpu.memory_space<vmem>> -> memref<64x128xf32, #tpu.memory_space<vmem>>
      %parallel_loop3A_464 = arith.index_cast %parallel_loop3A_372 : i32 to index
      %parallel_loop3A_465 = arith.constant 80 : index
      %parallel_loop3A_466 = tpu.vector_load %parallel_loop3A_463[%parallel_loop3A_464, %parallel_loop3A_465] {strides = array<i32>} : memref<64x128xf32, #tpu.memory_space<vmem>>, vector<16xf32>,
      %parallel_loop3A_467 = arith.mulf %parallel_loop3A_459, %parallel_loop3A_466 : vector<16xf32>
      %parallel_loop3A_468 = arith.addf %parallel_loop3A_452, %parallel_loop3A_467 : vector<16xf32>
      %parallel_loop3A_469 = arith.constant 0 : i32
      %parallel_loop3A_470 = arith.constant 0 : i32
      %parallel_loop3A_471 = tpu.memref_slice %arg8[%parallel_loop3A_345, %parallel_loop3A_469, %parallel_loop3A_470] : memref<4x64x128xf32, #tpu.memory_space<vmem>> -> memref<1x64x128xf32, #tpu.memory_space<vmem>>
      %parallel_loop3A_472 = tpu.memref_squeeze %parallel_loop3A_471 : memref<1x64x128xf32, #tpu.memory_space<vmem>> -> memref<64x128xf32, #tpu.memory_space<vmem>>
      %parallel_loop3A_473 = arith.index_cast %parallel_loop3A_372 : i32 to index
      %parallel_loop3A_474 = arith.constant 96 : index
      %parallel_loop3A_475 = tpu.vector_load %parallel_loop3A_472[%parallel_loop3A_473, %parallel_loop3A_474] {strides = array<i32>} : memref<64x128xf32, #tpu.memory_space<vmem>>, vector<16xf32>,
      %parallel_loop3A_476 = arith.constant 0 : i32
      %parallel_loop3A_477 = arith.constant 0 : i32
      %parallel_loop3A_478 = tpu.memref_slice %arg9[%parallel_loop3A_346, %parallel_loop3A_476, %parallel_loop3A_477] : memref<4x64x128xf32, #tpu.memory_space<vmem>> -> memref<1x64x128xf32, #tpu.memory_space<vmem>>
      %parallel_loop3A_479 = tpu.memref_squeeze %parallel_loop3A_478 : memref<1x64x128xf32, #tpu.memory_space<vmem>> -> memref<64x128xf32, #tpu.memory_space<vmem>>
      %parallel_loop3A_480 = arith.index_cast %parallel_loop3A_372 : i32 to index
      %parallel_loop3A_481 = arith.constant 96 : index
      %parallel_loop3A_482 = tpu.vector_load %parallel_loop3A_479[%parallel_loop3A_480, %parallel_loop3A_481] {strides = array<i32>} : memref<64x128xf32, #tpu.memory_space<vmem>>, vector<16xf32>,
      %parallel_loop3A_483 = arith.mulf %parallel_loop3A_475, %parallel_loop3A_482 : vector<16xf32>
      %parallel_loop3A_484 = arith.addf %parallel_loop3A_468, %parallel_loop3A_483 : vector<16xf32>
      %parallel_loop3A_485 = arith.constant 0 : i32
      %parallel_loop3A_486 = arith.constant 0 : i32
      %parallel_loop3A_487 = tpu.memref_slice %arg8[%parallel_loop3A_345, %parallel_loop3A_485, %parallel_loop3A_486] : memref<4x64x128xf32, #tpu.memory_space<vmem>> -> memref<1x64x128xf32, #tpu.memory_space<vmem>>
      %parallel_loop3A_488 = tpu.memref_squeeze %parallel_loop3A_487 : memref<1x64x128xf32, #tpu.memory_space<vmem>> -> memref<64x128xf32, #tpu.memory_space<vmem>>
      %parallel_loop3A_489 = arith.index_cast %parallel_loop3A_372 : i32 to index
      %parallel_loop3A_490 = arith.constant 112 : index
      %parallel_loop3A_491 = tpu.vector_load %parallel_loop3A_488[%parallel_loop3A_489, %parallel_loop3A_490] {strides = array<i32>} : memref<64x128xf32, #tpu.memory_space<vmem>>, vector<16xf32>,
      %parallel_loop3A_492 = arith.constant 0 : i32
      %parallel_loop3A_493 = arith.constant 0 : i32
      %parallel_loop3A_494 = tpu.memref_slice %arg9[%parallel_loop3A_346, %parallel_loop3A_492, %parallel_loop3A_493] : memref<4x64x128xf32, #tpu.memory_space<vmem>> -> memref<1x64x128xf32, #tpu.memory_space<vmem>>
      %parallel_loop3A_495 = tpu.memref_squeeze %parallel_loop3A_494 : memref<1x64x128xf32, #tpu.memory_space<vmem>> -> memref<64x128xf32, #tpu.memory_space<vmem>>
      %parallel_loop3A_496 = arith.index_cast %parallel_loop3A_372 : i32 to index
      %parallel_loop3A_497 = arith.constant 112 : index
      %parallel_loop3A_498 = tpu.vector_load %parallel_loop3A_495[%parallel_loop3A_496, %parallel_loop3A_497] {strides = array<i32>} : memref<64x128xf32, #tpu.memory_space<vmem>>, vector<16xf32>,
      %parallel_loop3A_499 = arith.mulf %parallel_loop3A_491, %parallel_loop3A_498 : vector<16xf32>
      %parallel_loop3A_500 = arith.addf %parallel_loop3A_484, %parallel_loop3A_499 : vector<16xf32>
      %parallel_loop3A_501 = arith.constant 384 : i32
      %parallel_loop3A_502 = arith.addi %parallel_loop3A_501, %parallel_loop3A_372 : i32
      %parallel_loop3A_503 = vector.broadcast %parallel_loop3A_502 : i32 to vector<16xi32>
      tpu.vector_store_idx %arg10[%iota3A, %parallel_loop3A_503], %parallel_loop3A_500 : memref<16x513xf32, #tpu.memory_space<vmem>>[vector<16xi32>, vector<16xi32>], vector<16xf32>,
    } {sc.loop_unroll_factor = 1 : i64, sc.parallel_access}
    %dma_wait3A_347 = arith.constant 3 : i32
    %dma_wait3A_348 = arith.constant 0 : i32
    %dma_wait3A_349 = arith.constant 0 : i32
    %dma_wait3A_350 = tpu.memref_slice %arg8[%dma_wait3A_347, %dma_wait3A_348, %dma_wait3A_349] : memref<4x64x128xf32, #tpu.memory_space<vmem>> -> memref<1x64x128xf32, #tpu.memory_space<vmem>>
    %dma_wait3A_351 = tpu.memref_squeeze %dma_wait3A_350 : memref<1x64x128xf32, #tpu.memory_space<vmem>> -> memref<64x128xf32, #tpu.memory_space<vmem>>
    %dma_wait3A_352 = arith.constant 448 : i32
    %dma_wait3A_353 = tpu.memref_slice %arg6[%dma_wait3A_352] : memref<512xi32, #tpu.memory_space<vmem>> -> memref<64xi32, #tpu.memory_space<vmem>>
    %dma_wait3A_354 = arith.constant 0 : i32
    %dma_wait3A_355 = arith.constant 0 : i32
    %dma_wait3A_356 = tpu.memref_slice %arg4[%dma_wait3A_354, %dma_wait3A_355] : memref<100000x128xf32, #tpu.memory_space<hbm>> -> memref<100000x128xf32, #tpu.memory_space<hbm>>
    tpu.wait_indirect_dma semaphore(%arg14 : memref<!tpu.dma_semaphore, #tpu.memory_space<semaphore_mem>>) src(%dma_wait3A_356 : memref<100000x128xf32, #tpu.memory_space<hbm>>) dst(%dma_wait3A_351 : memref<64x128xf32, #tpu.memory_space<vmem>>)
    %dma_wait3A_357 = arith.constant 3 : i32
    %dma_wait3A_358 = arith.constant 0 : i32
    %dma_wait3A_359 = arith.constant 0 : i32
    %dma_wait3A_360 = tpu.memref_slice %arg9[%dma_wait3A_357, %dma_wait3A_358, %dma_wait3A_359] : memref<4x64x128xf32, #tpu.memory_space<vmem>> -> memref<1x64x128xf32, #tpu.memory_space<vmem>>
    %dma_wait3A_361 = tpu.memref_squeeze %dma_wait3A_360 : memref<1x64x128xf32, #tpu.memory_space<vmem>> -> memref<64x128xf32, #tpu.memory_space<vmem>>
    %dma_wait3A_362 = arith.constant 448 : i32
    %dma_wait3A_363 = tpu.memref_slice %arg7[%dma_wait3A_362] : memref<512xi32, #tpu.memory_space<vmem>> -> memref<64xi32, #tpu.memory_space<vmem>>
    %dma_wait3A_364 = arith.constant 0 : i32
    %dma_wait3A_365 = arith.constant 0 : i32
    %dma_wait3A_366 = tpu.memref_slice %arg4[%dma_wait3A_364, %dma_wait3A_365] : memref<100000x128xf32, #tpu.memory_space<hbm>> -> memref<100000x128xf32, #tpu.memory_space<hbm>>
    tpu.wait_indirect_dma semaphore(%arg18 : memref<!tpu.dma_semaphore, #tpu.memory_space<semaphore_mem>>) src(%dma_wait3A_366 : memref<100000x128xf32, #tpu.memory_space<hbm>>) dst(%dma_wait3A_361 : memref<64x128xf32, #tpu.memory_space<vmem>>)
    %parallel_loop3A_367 = arith.constant 0 : i32
    %parallel_loop3A_368 = arith.constant 64 : i32
    %parallel_loop3A_369 = arith.constant 1 : i32
    %parallel_loop3A_370 = arith.constant 3 : i32
    %parallel_loop3A_371 = arith.constant 3 : i32
    scf.for %parallel_loop3A_372 = %parallel_loop3A_367 to %parallel_loop3A_368 step %parallel_loop3A_369  : i32 {
      %parallel_loop3A_373 = arith.constant 0 : i32
      %parallel_loop3A_374 = arith.constant 0 : i32
      %parallel_loop3A_375 = tpu.memref_slice %arg8[%parallel_loop3A_370, %parallel_loop3A_373, %parallel_loop3A_374] : memref<4x64x128xf32, #tpu.memory_space<vmem>> -> memref<1x64x128xf32, #tpu.memory_space<vmem>>
      %parallel_loop3A_376 = tpu.memref_squeeze %parallel_loop3A_375 : memref<1x64x128xf32, #tpu.memory_space<vmem>> -> memref<64x128xf32, #tpu.memory_space<vmem>>
      %parallel_loop3A_377 = arith.index_cast %parallel_loop3A_372 : i32 to index
      %parallel_loop3A_378 = arith.constant 0 : index
      %parallel_loop3A_379 = tpu.vector_load %parallel_loop3A_376[%parallel_loop3A_377, %parallel_loop3A_378] {strides = array<i32>} : memref<64x128xf32, #tpu.memory_space<vmem>>, vector<16xf32>,
      %parallel_loop3A_380 = arith.mulf %parallel_loop3A_379, %select_n3A : vector<16xf32>
      %parallel_loop3A_381 = arith.constant 0 : i32
      %parallel_loop3A_382 = arith.constant 0 : i32
      %parallel_loop3A_383 = tpu.memref_slice %arg9[%parallel_loop3A_371, %parallel_loop3A_381, %parallel_loop3A_382] : memref<4x64x128xf32, #tpu.memory_space<vmem>> -> memref<1x64x128xf32, #tpu.memory_space<vmem>>
      %parallel_loop3A_384 = tpu.memref_squeeze %parallel_loop3A_383 : memref<1x64x128xf32, #tpu.memory_space<vmem>> -> memref<64x128xf32, #tpu.memory_space<vmem>>
      %parallel_loop3A_385 = arith.index_cast %parallel_loop3A_372 : i32 to index
      %parallel_loop3A_386 = arith.constant 0 : index
      %parallel_loop3A_387 = tpu.vector_load %parallel_loop3A_384[%parallel_loop3A_385, %parallel_loop3A_386] {strides = array<i32>} : memref<64x128xf32, #tpu.memory_space<vmem>>, vector<16xf32>,
      %parallel_loop3A_388 = arith.mulf %parallel_loop3A_380, %parallel_loop3A_387 : vector<16xf32>
      %parallel_loop3A_389 = arith.constant 0 : i32
      %parallel_loop3A_390 = arith.constant 0 : i32
      %parallel_loop3A_391 = tpu.memref_slice %arg8[%parallel_loop3A_370, %parallel_loop3A_389, %parallel_loop3A_390] : memref<4x64x128xf32, #tpu.memory_space<vmem>> -> memref<1x64x128xf32, #tpu.memory_space<vmem>>
      %parallel_loop3A_392 = tpu.memref_squeeze %parallel_loop3A_391 : memref<1x64x128xf32, #tpu.memory_space<vmem>> -> memref<64x128xf32, #tpu.memory_space<vmem>>
      %parallel_loop3A_393 = arith.index_cast %parallel_loop3A_372 : i32 to index
      %parallel_loop3A_394 = arith.constant 16 : index
      %parallel_loop3A_395 = tpu.vector_load %parallel_loop3A_392[%parallel_loop3A_393, %parallel_loop3A_394] {strides = array<i32>} : memref<64x128xf32, #tpu.memory_space<vmem>>, vector<16xf32>,
      %parallel_loop3A_396 = arith.constant 0 : i32
      %parallel_loop3A_397 = arith.constant 0 : i32
      %parallel_loop3A_398 = tpu.memref_slice %arg9[%parallel_loop3A_371, %parallel_loop3A_396, %parallel_loop3A_397] : memref<4x64x128xf32, #tpu.memory_space<vmem>> -> memref<1x64x128xf32, #tpu.memory_space<vmem>>
      %parallel_loop3A_399 = tpu.memref_squeeze %parallel_loop3A_398 : memref<1x64x128xf32, #tpu.memory_space<vmem>> -> memref<64x128xf32, #tpu.memory_space<vmem>>
      %parallel_loop3A_400 = arith.index_cast %parallel_loop3A_372 : i32 to index
      %parallel_loop3A_401 = arith.constant 16 : index
      %parallel_loop3A_402 = tpu.vector_load %parallel_loop3A_399[%parallel_loop3A_400, %parallel_loop3A_401] {strides = array<i32>} : memref<64x128xf32, #tpu.memory_space<vmem>>, vector<16xf32>,
      %parallel_loop3A_403 = arith.mulf %parallel_loop3A_395, %parallel_loop3A_402 : vector<16xf32>
      %parallel_loop3A_404 = arith.addf %parallel_loop3A_388, %parallel_loop3A_403 : vector<16xf32>
      %parallel_loop3A_405 = arith.constant 0 : i32
      %parallel_loop3A_406 = arith.constant 0 : i32
      %parallel_loop3A_407 = tpu.memref_slice %arg8[%parallel_loop3A_370, %parallel_loop3A_405, %parallel_loop3A_406] : memref<4x64x128xf32, #tpu.memory_space<vmem>> -> memref<1x64x128xf32, #tpu.memory_space<vmem>>
      %parallel_loop3A_408 = tpu.memref_squeeze %parallel_loop3A_407 : memref<1x64x128xf32, #tpu.memory_space<vmem>> -> memref<64x128xf32, #tpu.memory_space<vmem>>
      %parallel_loop3A_409 = arith.index_cast %parallel_loop3A_372 : i32 to index
      %parallel_loop3A_410 = arith.constant 32 : index
      %parallel_loop3A_411 = tpu.vector_load %parallel_loop3A_408[%parallel_loop3A_409, %parallel_loop3A_410] {strides = array<i32>} : memref<64x128xf32, #tpu.memory_space<vmem>>, vector<16xf32>,
      %parallel_loop3A_412 = arith.constant 0 : i32
      %parallel_loop3A_413 = arith.constant 0 : i32
      %parallel_loop3A_414 = tpu.memref_slice %arg9[%parallel_loop3A_371, %parallel_loop3A_412, %parallel_loop3A_413] : memref<4x64x128xf32, #tpu.memory_space<vmem>> -> memref<1x64x128xf32, #tpu.memory_space<vmem>>
      %parallel_loop3A_415 = tpu.memref_squeeze %parallel_loop3A_414 : memref<1x64x128xf32, #tpu.memory_space<vmem>> -> memref<64x128xf32, #tpu.memory_space<vmem>>
      %parallel_loop3A_416 = arith.index_cast %parallel_loop3A_372 : i32 to index
      %parallel_loop3A_417 = arith.constant 32 : index
      %parallel_loop3A_418 = tpu.vector_load %parallel_loop3A_415[%parallel_loop3A_416, %parallel_loop3A_417] {strides = array<i32>} : memref<64x128xf32, #tpu.memory_space<vmem>>, vector<16xf32>,
      %parallel_loop3A_419 = arith.mulf %parallel_loop3A_411, %parallel_loop3A_418 : vector<16xf32>
      %parallel_loop3A_420 = arith.addf %parallel_loop3A_404, %parallel_loop3A_419 : vector<16xf32>
      %parallel_loop3A_421 = arith.constant 0 : i32
      %parallel_loop3A_422 = arith.constant 0 : i32
      %parallel_loop3A_423 = tpu.memref_slice %arg8[%parallel_loop3A_370, %parallel_loop3A_421, %parallel_loop3A_422] : memref<4x64x128xf32, #tpu.memory_space<vmem>> -> memref<1x64x128xf32, #tpu.memory_space<vmem>>
      %parallel_loop3A_424 = tpu.memref_squeeze %parallel_loop3A_423 : memref<1x64x128xf32, #tpu.memory_space<vmem>> -> memref<64x128xf32, #tpu.memory_space<vmem>>
      %parallel_loop3A_425 = arith.index_cast %parallel_loop3A_372 : i32 to index
      %parallel_loop3A_426 = arith.constant 48 : index
      %parallel_loop3A_427 = tpu.vector_load %parallel_loop3A_424[%parallel_loop3A_425, %parallel_loop3A_426] {strides = array<i32>} : memref<64x128xf32, #tpu.memory_space<vmem>>, vector<16xf32>,
      %parallel_loop3A_428 = arith.constant 0 : i32
      %parallel_loop3A_429 = arith.constant 0 : i32
      %parallel_loop3A_430 = tpu.memref_slice %arg9[%parallel_loop3A_371, %parallel_loop3A_428, %parallel_loop3A_429] : memref<4x64x128xf32, #tpu.memory_space<vmem>> -> memref<1x64x128xf32, #tpu.memory_space<vmem>>
      %parallel_loop3A_431 = tpu.memref_squeeze %parallel_loop3A_430 : memref<1x64x128xf32, #tpu.memory_space<vmem>> -> memref<64x128xf32, #tpu.memory_space<vmem>>
      %parallel_loop3A_432 = arith.index_cast %parallel_loop3A_372 : i32 to index
      %parallel_loop3A_433 = arith.constant 48 : index
      %parallel_loop3A_434 = tpu.vector_load %parallel_loop3A_431[%parallel_loop3A_432, %parallel_loop3A_433] {strides = array<i32>} : memref<64x128xf32, #tpu.memory_space<vmem>>, vector<16xf32>,
      %parallel_loop3A_435 = arith.mulf %parallel_loop3A_427, %parallel_loop3A_434 : vector<16xf32>
      %parallel_loop3A_436 = arith.addf %parallel_loop3A_420, %parallel_loop3A_435 : vector<16xf32>
      %parallel_loop3A_437 = arith.constant 0 : i32
      %parallel_loop3A_438 = arith.constant 0 : i32
      %parallel_loop3A_439 = tpu.memref_slice %arg8[%parallel_loop3A_370, %parallel_loop3A_437, %parallel_loop3A_438] : memref<4x64x128xf32, #tpu.memory_space<vmem>> -> memref<1x64x128xf32, #tpu.memory_space<vmem>>
      %parallel_loop3A_440 = tpu.memref_squeeze %parallel_loop3A_439 : memref<1x64x128xf32, #tpu.memory_space<vmem>> -> memref<64x128xf32, #tpu.memory_space<vmem>>
      %parallel_loop3A_441 = arith.index_cast %parallel_loop3A_372 : i32 to index
      %parallel_loop3A_442 = arith.constant 64 : index
      %parallel_loop3A_443 = tpu.vector_load %parallel_loop3A_440[%parallel_loop3A_441, %parallel_loop3A_442] {strides = array<i32>} : memref<64x128xf32, #tpu.memory_space<vmem>>, vector<16xf32>,
      %parallel_loop3A_444 = arith.constant 0 : i32
      %parallel_loop3A_445 = arith.constant 0 : i32
      %parallel_loop3A_446 = tpu.memref_slice %arg9[%parallel_loop3A_371, %parallel_loop3A_444, %parallel_loop3A_445] : memref<4x64x128xf32, #tpu.memory_space<vmem>> -> memref<1x64x128xf32, #tpu.memory_space<vmem>>
      %parallel_loop3A_447 = tpu.memref_squeeze %parallel_loop3A_446 : memref<1x64x128xf32, #tpu.memory_space<vmem>> -> memref<64x128xf32, #tpu.memory_space<vmem>>
      %parallel_loop3A_448 = arith.index_cast %parallel_loop3A_372 : i32 to index
      %parallel_loop3A_449 = arith.constant 64 : index
      %parallel_loop3A_450 = tpu.vector_load %parallel_loop3A_447[%parallel_loop3A_448, %parallel_loop3A_449] {strides = array<i32>} : memref<64x128xf32, #tpu.memory_space<vmem>>, vector<16xf32>,
      %parallel_loop3A_451 = arith.mulf %parallel_loop3A_443, %parallel_loop3A_450 : vector<16xf32>
      %parallel_loop3A_452 = arith.addf %parallel_loop3A_436, %parallel_loop3A_451 : vector<16xf32>
      %parallel_loop3A_453 = arith.constant 0 : i32
      %parallel_loop3A_454 = arith.constant 0 : i32
      %parallel_loop3A_455 = tpu.memref_slice %arg8[%parallel_loop3A_370, %parallel_loop3A_453, %parallel_loop3A_454] : memref<4x64x128xf32, #tpu.memory_space<vmem>> -> memref<1x64x128xf32, #tpu.memory_space<vmem>>
      %parallel_loop3A_456 = tpu.memref_squeeze %parallel_loop3A_455 : memref<1x64x128xf32, #tpu.memory_space<vmem>> -> memref<64x128xf32, #tpu.memory_space<vmem>>
      %parallel_loop3A_457 = arith.index_cast %parallel_loop3A_372 : i32 to index
      %parallel_loop3A_458 = arith.constant 80 : index
      %parallel_loop3A_459 = tpu.vector_load %parallel_loop3A_456[%parallel_loop3A_457, %parallel_loop3A_458] {strides = array<i32>} : memref<64x128xf32, #tpu.memory_space<vmem>>, vector<16xf32>,
      %parallel_loop3A_460 = arith.constant 0 : i32
      %parallel_loop3A_461 = arith.constant 0 : i32
      %parallel_loop3A_462 = tpu.memref_slice %arg9[%parallel_loop3A_371, %parallel_loop3A_460, %parallel_loop3A_461] : memref<4x64x128xf32, #tpu.memory_space<vmem>> -> memref<1x64x128xf32, #tpu.memory_space<vmem>>
      %parallel_loop3A_463 = tpu.memref_squeeze %parallel_loop3A_462 : memref<1x64x128xf32, #tpu.memory_space<vmem>> -> memref<64x128xf32, #tpu.memory_space<vmem>>
      %parallel_loop3A_464 = arith.index_cast %parallel_loop3A_372 : i32 to index
      %parallel_loop3A_465 = arith.constant 80 : index
      %parallel_loop3A_466 = tpu.vector_load %parallel_loop3A_463[%parallel_loop3A_464, %parallel_loop3A_465] {strides = array<i32>} : memref<64x128xf32, #tpu.memory_space<vmem>>, vector<16xf32>,
      %parallel_loop3A_467 = arith.mulf %parallel_loop3A_459, %parallel_loop3A_466 : vector<16xf32>
      %parallel_loop3A_468 = arith.addf %parallel_loop3A_452, %parallel_loop3A_467 : vector<16xf32>
      %parallel_loop3A_469 = arith.constant 0 : i32
      %parallel_loop3A_470 = arith.constant 0 : i32
      %parallel_loop3A_471 = tpu.memref_slice %arg8[%parallel_loop3A_370, %parallel_loop3A_469, %parallel_loop3A_470] : memref<4x64x128xf32, #tpu.memory_space<vmem>> -> memref<1x64x128xf32, #tpu.memory_space<vmem>>
      %parallel_loop3A_472 = tpu.memref_squeeze %parallel_loop3A_471 : memref<1x64x128xf32, #tpu.memory_space<vmem>> -> memref<64x128xf32, #tpu.memory_space<vmem>>
      %parallel_loop3A_473 = arith.index_cast %parallel_loop3A_372 : i32 to index
      %parallel_loop3A_474 = arith.constant 96 : index
      %parallel_loop3A_475 = tpu.vector_load %parallel_loop3A_472[%parallel_loop3A_473, %parallel_loop3A_474] {strides = array<i32>} : memref<64x128xf32, #tpu.memory_space<vmem>>, vector<16xf32>,
      %parallel_loop3A_476 = arith.constant 0 : i32
      %parallel_loop3A_477 = arith.constant 0 : i32
      %parallel_loop3A_478 = tpu.memref_slice %arg9[%parallel_loop3A_371, %parallel_loop3A_476, %parallel_loop3A_477] : memref<4x64x128xf32, #tpu.memory_space<vmem>> -> memref<1x64x128xf32, #tpu.memory_space<vmem>>
      %parallel_loop3A_479 = tpu.memref_squeeze %parallel_loop3A_478 : memref<1x64x128xf32, #tpu.memory_space<vmem>> -> memref<64x128xf32, #tpu.memory_space<vmem>>
      %parallel_loop3A_480 = arith.index_cast %parallel_loop3A_372 : i32 to index
      %parallel_loop3A_481 = arith.constant 96 : index
      %parallel_loop3A_482 = tpu.vector_load %parallel_loop3A_479[%parallel_loop3A_480, %parallel_loop3A_481] {strides = array<i32>} : memref<64x128xf32, #tpu.memory_space<vmem>>, vector<16xf32>,
      %parallel_loop3A_483 = arith.mulf %parallel_loop3A_475, %parallel_loop3A_482 : vector<16xf32>
      %parallel_loop3A_484 = arith.addf %parallel_loop3A_468, %parallel_loop3A_483 : vector<16xf32>
      %parallel_loop3A_485 = arith.constant 0 : i32
      %parallel_loop3A_486 = arith.constant 0 : i32
      %parallel_loop3A_487 = tpu.memref_slice %arg8[%parallel_loop3A_370, %parallel_loop3A_485, %parallel_loop3A_486] : memref<4x64x128xf32, #tpu.memory_space<vmem>> -> memref<1x64x128xf32, #tpu.memory_space<vmem>>
      %parallel_loop3A_488 = tpu.memref_squeeze %parallel_loop3A_487 : memref<1x64x128xf32, #tpu.memory_space<vmem>> -> memref<64x128xf32, #tpu.memory_space<vmem>>
      %parallel_loop3A_489 = arith.index_cast %parallel_loop3A_372 : i32 to index
      %parallel_loop3A_490 = arith.constant 112 : index
      %parallel_loop3A_491 = tpu.vector_load %parallel_loop3A_488[%parallel_loop3A_489, %parallel_loop3A_490] {strides = array<i32>} : memref<64x128xf32, #tpu.memory_space<vmem>>, vector<16xf32>,
      %parallel_loop3A_492 = arith.constant 0 : i32
      %parallel_loop3A_493 = arith.constant 0 : i32
      %parallel_loop3A_494 = tpu.memref_slice %arg9[%parallel_loop3A_371, %parallel_loop3A_492, %parallel_loop3A_493] : memref<4x64x128xf32, #tpu.memory_space<vmem>> -> memref<1x64x128xf32, #tpu.memory_space<vmem>>
      %parallel_loop3A_495 = tpu.memref_squeeze %parallel_loop3A_494 : memref<1x64x128xf32, #tpu.memory_space<vmem>> -> memref<64x128xf32, #tpu.memory_space<vmem>>
      %parallel_loop3A_496 = arith.index_cast %parallel_loop3A_372 : i32 to index
      %parallel_loop3A_497 = arith.constant 112 : index
      %parallel_loop3A_498 = tpu.vector_load %parallel_loop3A_495[%parallel_loop3A_496, %parallel_loop3A_497] {strides = array<i32>} : memref<64x128xf32, #tpu.memory_space<vmem>>, vector<16xf32>,
      %parallel_loop3A_499 = arith.mulf %parallel_loop3A_491, %parallel_loop3A_498 : vector<16xf32>
      %parallel_loop3A_500 = arith.addf %parallel_loop3A_484, %parallel_loop3A_499 : vector<16xf32>
      %parallel_loop3A_501 = arith.constant 448 : i32
      %parallel_loop3A_502 = arith.addi %parallel_loop3A_501, %parallel_loop3A_372 : i32
      %parallel_loop3A_503 = vector.broadcast %parallel_loop3A_502 : i32 to vector<16xi32>
      tpu.vector_store_idx %arg10[%iota3A, %parallel_loop3A_503], %parallel_loop3A_500 : memref<16x513xf32, #tpu.memory_space<vmem>>[vector<16xi32>, vector<16xi32>], vector<16xf32>,
    } {sc.loop_unroll_factor = 1 : i64, sc.parallel_access}
    "tpu.region"() ({
      %run_scoped3A = tpu.sem_alloc : memref<!tpu.dma_semaphore, #tpu.memory_space<semaphore_mem>>
      %dma_start3A_372 = arith.constant 0 : i32
      %dma_start3A_373 = arith.constant 0 : i32
      %dma_start3A_374 = tpu.memref_slice %arg10[%dma_start3A_372, %dma_start3A_373] : memref<16x513xf32, #tpu.memory_space<vmem>> -> memref<16x512xf32, #tpu.memory_space<vmem>>
      %dma_start3A_375 = arith.constant 0 : i32
      %dma_start3A_376 = tpu.memref_slice %arg5[%dma_start3A_375, %mul3A_2] : memref<16x16384xf32, #tpu.memory_space<hbm>> -> memref<16x512xf32, #tpu.memory_space<hbm>>
      %dma_start3A_377 = arith.constant 0 : i32
      %dma_start3A_378 = tpu.memref_slice %arg5[%dma_start3A_377, %mul3A_2] : memref<16x16384xf32, #tpu.memory_space<hbm>> -> memref<16x512xf32, #tpu.memory_space<hbm>>
      %dma_start3A_379 = arith.constant 0 : i32
      %dma_start3A_380 = arith.constant 0 : i32
      %dma_start3A_381 = tpu.memref_slice %arg10[%dma_start3A_379, %dma_start3A_380] : memref<16x513xf32, #tpu.memory_space<vmem>> -> memref<16x512xf32, #tpu.memory_space<vmem>>
      tpu.enqueue_dma source(%dma_start3A_381 : memref<16x512xf32, #tpu.memory_space<vmem>>) target(%dma_start3A_378 : memref<16x512xf32, #tpu.memory_space<hbm>>) target_semaphore(%run_scoped3A : memref<!tpu.dma_semaphore, #tpu.memory_space<semaphore_mem>>)
      %dma_wait3A_382 = arith.constant 0 : i32
      %dma_wait3A_383 = arith.constant 0 : i32
      %dma_wait3A_384 = tpu.memref_slice %arg10[%dma_wait3A_382, %dma_wait3A_383] : memref<16x513xf32, #tpu.memory_space<vmem>> -> memref<16x512xf32, #tpu.memory_space<vmem>>
      %dma_wait3A_385 = arith.constant 0 : i32
      %dma_wait3A_386 = tpu.memref_slice %arg5[%dma_wait3A_385, %mul3A_2] : memref<16x16384xf32, #tpu.memory_space<hbm>> -> memref<16x512xf32, #tpu.memory_space<hbm>>
      %dma_wait3A_387 = arith.constant 0 : i32
      %dma_wait3A_388 = tpu.memref_slice %arg5[%dma_wait3A_387, %mul3A_2] : memref<16x16384xf32, #tpu.memory_space<hbm>> -> memref<16x512xf32, #tpu.memory_space<hbm>>
      %dma_wait3A_389 = arith.constant 0 : i32
      %dma_wait3A_390 = arith.constant 0 : i32
      %dma_wait3A_391 = tpu.memref_slice %arg10[%dma_wait3A_389, %dma_wait3A_390] : memref<16x513xf32, #tpu.memory_space<vmem>> -> memref<16x512xf32, #tpu.memory_space<vmem>>
      tpu.wait_dma2 semaphore(%run_scoped3A : memref<!tpu.dma_semaphore, #tpu.memory_space<semaphore_mem>>) src(%dma_wait3A_391 : memref<16x512xf32, #tpu.memory_space<vmem>>) dst(%dma_wait3A_388 : memref<16x512xf32, #tpu.memory_space<hbm>>)
      tpu.yield
    }) : () -> ()
    return
  }
}

module attributes {stable_mosaic.version = 14 : i64} {
  func.func @body(%arg0: memref<1xf32, #tpu.memory_space<smem>>, %arg1: memref<16x16384xf32, #tpu.memory_space<vmem>>, %arg2: memref<16384xf32, #tpu.memory_space<vmem>>) attributes {dimension_semantics = [], scalar_prefetch = 0 : i64, scratch_operands = 0 : i64, tpu.core_type = #tpu.core_type<tc>} {
    %get3A = arith.constant 0 : index
    %get3A_0 = memref.load %arg0[%get3A] : memref<1xf32, #tpu.memory_space<smem>>
    %get3A_1 = arith.constant 0 : index
    %get3A_2 = arith.constant 0 : index
    %get3A_3 = vector.load %arg1[%get3A_1, %get3A_2] : memref<16x16384xf32, #tpu.memory_space<vmem>>, vector<16x16384xf32>
    %reduce_sum3A = arith.constant dense<0.000000e+00> : vector<16384xf32>
    %reduce_sum3A_4 = vector.multi_reduction <add>, %get3A_3, %reduce_sum3A [0] : vector<16x16384xf32> to vector<16384xf32>
    %neg3A = arith.constant 0.000000e+00 : f32
    %neg3A_5 = vector.broadcast %neg3A : f32 to vector<16384xf32>
    %neg3A_6 = arith.subf %neg3A_5, %reduce_sum3A_4 : vector<16384xf32>
    %div3A = vector.broadcast %get3A_0 : f32 to vector<16384xf32>
    %div3A_7 = arith.divf %neg3A_6, %div3A : vector<16384xf32>
    %max3A = arith.constant 1.00000012 : f32
    %max3A_8 = vector.broadcast %max3A : f32 to vector<16384xf32>
    %max3A_9 = arith.maximumf %div3A_7, %max3A_8 : vector<16384xf32>
    %sub3A = arith.constant 1.000000e+00 : f32
    %sub3A_10 = vector.broadcast %sub3A : f32 to vector<16384xf32>
    %sub3A_11 = arith.subf %max3A_9, %sub3A_10 : vector<16384xf32>
    %add3A = arith.constant 1.000000e+00 : f32
    %add3A_12 = vector.broadcast %add3A : f32 to vector<16384xf32>
    %add3A_13 = arith.addf %max3A_9, %add3A_12 : vector<16384xf32>
    %mul3A = arith.mulf %sub3A_11, %add3A_13 : vector<16384xf32>
    %sqrt3A = math.sqrt %mul3A : vector<16384xf32>
    %add3A_14 = arith.addf %max3A_9, %sqrt3A : vector<16384xf32>
    %log3A = math.log %add3A_14 : vector<16384xf32>
    %sqrt3A_15 = math.sqrt %get3A_0 : f32
    %mul3A_16 = vector.broadcast %sqrt3A_15 : f32 to vector<16384xf32>
    %mul3A_17 = arith.mulf %mul3A_16, %log3A : vector<16384xf32>
    %swap3A = arith.constant 0 : index
    %swap3A_18 = vector.load %arg2[%swap3A] : memref<16384xf32, #tpu.memory_space<vmem>>, vector<16384xf32>
    tpu.vector_store %arg2[%swap3A], %mul3A_17 {strides = array<i32>} : memref<16384xf32, #tpu.memory_space<vmem>>, vector<16384xf32>,
    return
  }
}

</mosaic_0001>

<sc_bundles>
// kernel: kernel.4.cloned.1.call-start
scs
__scs_entry_jumppad:
0x0: {  	(pc) =	sbr.rel $0x88, $3  }
0x1: {  	(tag) =	ssettag $0x0;
	lr =	simm.s32 $0x1  }
0x2: {  	[smem:$0x3F9D] =	sst lr;
	_ =	strace $0xD0000000  }
0x3: {  	_ = 	snop  }
0x4: {  	_ = 	snop  }
0x5: {  	_ = 	snop  }
0x6: {  	_ = 	snop  }
0x7: {  	_ = 	snop  }
__scs_overlays_trampoline_lowered:
0x8: {  	[smem:$0x3FAC] =	sst s0  }
0x9: {  	[smem:$0x3FAD] =	sst s1  }
0xa: {  	[smem:$0x3FAE] =	sst s2  }
0xb: {  	[smem:$0x3FAF] =	sst s3  }
0xc: {  	[smem:$0x3FB0] =	sst s4  }
0xd: {  	[smem:$0x3FB1] =	sst s5  }
0xe: {  	[smem:$0x3FB2] =	sst s6  }
0xf: {  	[smem:$0x3FB3] =	sst s7  }
0x10: {  	[smem:$0x3FB4] =	sst s8  }
0x11: {  	[smem:$0x3FB5] =	sst s9;
	s0 =	simm.s32 @!p0 $0x0  }
0x12: {  	s1 =	sld [smem:$0x3F9B];
	s0 =	simm.s32 @p0 $0x1  }
0x13: {  	[smem:$0x3FB6] =	sst s0;
	s0 =	simm.s32 @!p1 $0x0  }
0x14: {  	s2 =	sld [smem:$0x3F9A];
	s0 =	simm.s32 @p1 $0x1  }
0x15: {  	[smem:$0x3FB7] =	sst s0;
	s0 =	simm.s32 @!p2 $0x0  }
0x16: {  	s3 =	sld [smem:$0x3FDB];
	s0 =	simm.s32 @p2 $0x1  }
0x17: {  	s4 =	simm.s32 $0x1BF5;
	[smem:$0x3FB9] =	sst s0  }
0x18: {  	s0 =	sld [smem:$0x3F9C];
	_ =	swait.ge [sflag:s4], $0x0  }
0x19: {  	s7 =	sld [smem:$0x3F9D]  }
0x1a: {  	s8 =	sadd.s32 $0xFFFFE003, lr  }
0x1b: {  	s9 =	sadd.s32 $0xFFFFFEF7, lr;
	s5 =	simm.s32 $0xFFFFFFFF;
	p2 =	slt.u32 s8, $0xFFFFF086  }
0x1c: {  	p1 =	slt.u32 s9, $0xF7A;
	s5 =	simm.s32 @!p2 $0x0  }
0x1d: {  	s5 =	simm.s32 @p1 $0x1;
	p0 =	seq.s32 s7, s2  }
0x1e: {  	s7 =	smul.u32 @!p0 $0xF7A, s2;
	p2 =	seq.s32 @!p0 s5, $0x0  }
0x1f: {  	s9 =	smul.u32 $0xF7A, s1;
	s8 =	simm.s32 @!p0 $0x1BF5;
	p2 =	por !p2, p0  }
0x20: {  	[sflag:s8] =	ssyncset.s32 @!p0 $0xFFFFF086;
	s6 =	sadd.s32 @!p0 s3, s7;
	s7 =	simm.s32 @!p0 $0x108  }
0x21: {  	s3 =	sadd.s32 s3, s9;
	s6 =	sadd.s32 @!p0 $0x88, s6;
	s7 =	simm.s32 @p2 $0x1082  }
0x22: {  	[simem:s7], [sflag:s8] =	dma.local @!p0 [hbm:s6], $0xF7A  }
0x23: {  	s9 =	sor.u32 $0xD0000000, s2;
	s6 =	simm.s32 $0x108;
	_ =	swait.ge @!p0 [sflag:s8], $0x0  }
0x24: {  	s3 =	sadd.s32 $0x88, s3;
	s6 =	simm.s32 @!p1 $0x1082;
	[sflag:s4] =	ssyncset.s32 $0xFFFFF086  }
0x25: {  	[simem:s6], [sflag:s4] =	dma.local [hbm:s3], $0xF7A  }
0x26: {  	[smem:$0x3F9D] =	sst s1;
	(tag) =	ssettag s2;
	_ =	strace s9  }
0x27: {  	s1 =	sld [smem:$0x3FAD]  }
0x28: {  	s2 =	sld [smem:$0x3FAE]  }
0x29: {  	s4 =	sld [smem:$0x3FB0]  }
0x2a: {  	p0 =	seq.s32 s5, $0x0;
	s5 =	sld [smem:$0x3FB1]  }
0x2b: {  	s6 =	sld [smem:$0x3FB2]  }
0x2c: {  	s7 =	sld [smem:$0x3FB3]  }
0x2d: {  	s3 =	simm.s32 $0x108;
	s8 =	sld [smem:$0x3FB4]  }
0x2e: {  	s3 =	simm.s32 @!p0 $0x1082;
	s9 =	sld [smem:$0x3FB5]  }
0x2f: {  	lr =	sadd.s32 s0, s3;
	s0 =	sld [smem:$0x3FAC]  }
0x30: {  	s3 =	sld [smem:$0x3FAF]  }
0x31: {  	[smem:$0x3FB8] =	sst s10  }
0x32: {  	s10 =	sld [smem:$0x3FB6];
	_ =	sdelay $0x3  }
0x33: {  	p0 =	seq.s32 s10, $0x1;
	s10 =	sld [smem:$0x3FB8];
	_ =	sdelay $0x3  }
0x34: {  	[smem:$0x3FB8] =	sst s10  }
0x35: {  	s10 =	sld [smem:$0x3FB7];
	_ =	sdelay $0x3  }
0x36: {  	p1 =	seq.s32 s10, $0x1;
	s10 =	sld [smem:$0x3FB8];
	_ =	sdelay $0x3  }
0x37: {  	[smem:$0x3FB8] =	sst s10  }
0x38: {  	s10 =	sld [smem:$0x3FB9]  }
0x39: {  	_ = 	snop;
	(pc) =	sbr.ind lr, $3  }
0x3a: {  	_ = 	snop  }
0x3b: {  	_ = 	snop  }
0x3c: {  	p2 =	seq.s32 s10, $0x1;
	s10 =	sld [smem:$0x3FB8]  }
0x3d: {  	_ =	shalt  }
0x3e: {  	_ =	shalt  }
0x3f: {  	_ =	shalt  }
0x40: {  	_ =	shalt  }
0x41: {  	_ =	shalt  }
0x42: {  	_ =	shalt  }
0x43: {  	_ =	shalt  }
0x44: {  	_ =	shalt  }
0x45: {  	_ =	shalt  }
0x46: {  	_ =	shalt  }
0x47: {  	_ =	shalt  }
0x48: {  	_ =	shalt  }
0x49: {  	_ =	shalt  }
0x4a: {  	_ =	shalt  }
0x4b: {  	_ =	shalt  }
0x4c: {  	_ =	shalt  }
0x4d: {  	_ =	shalt  }
0x4e: {  	_ =	shalt  }
0x4f: {  	_ =	shalt  }
0x50: {  	_ =	shalt  }
0x51: {  	_ =	shalt  }
0x52: {  	_ =	shalt  }
0x53: {  	_ =	shalt  }
0x54: {  	_ =	shalt  }
0x55: {  	_ =	shalt  }
0x56: {  	_ =	shalt  }
0x57: {  	_ =	shalt  }
0x58: {  	_ =	shalt  }
0x59: {  	_ =	shalt  }
0x5a: {  	_ =	shalt  }
0x5b: {  	_ =	shalt  }
0x5c: {  	_ =	shalt  }
0x5d: {  	_ =	shalt  }
0x5e: {  	_ =	shalt  }
0x5f: {  	_ =	shalt  }
0x60: {  	_ =	shalt  }
0x61: {  	_ =	shalt  }
0x62: {  	_ =	shalt  }
0x63: {  	_ =	shalt  }
0x64: {  	_ =	shalt  }
0x65: {  	_ =	shalt  }
0x66: {  	_ =	shalt  }
0x67: {  	_ =	shalt  }
0x68: {  	_ =	shalt  }
0x69: {  	_ =	shalt  }
0x6a: {  	_ =	shalt  }
0x6b: {  	_ =	shalt  }
0x6c: {  	_ =	shalt  }
0x6d: {  	_ =	shalt  }
0x6e: {  	_ =	shalt  }
0x6f: {  	_ =	shalt  }
0x70: {  	_ =	shalt  }
0x71: {  	_ =	shalt  }
0x72: {  	_ =	shalt  }
0x73: {  	_ =	shalt  }
0x74: {  	_ =	shalt  }
0x75: {  	_ =	shalt  }
0x76: {  	_ =	shalt  }
0x77: {  	_ =	shalt  }
0x78: {  	_ =	shalt  }
0x79: {  	_ =	shalt  }
0x7a: {  	_ =	shalt  }
0x7b: {  	_ =	shalt  }
0x7c: {  	_ =	shalt  }
0x7d: {  	_ =	shalt  }
0x7e: {  	_ =	shalt  }
0x7f: {  	_ =	shalt  }
0x80: {  	_ =	shalt  }
0x81: {  	_ =	shalt  }
0x82: {  	_ =	shalt  }
0x83: {  	_ =	shalt  }
0x84: {  	_ =	shalt  }
0x85: {  	_ =	shalt  }
0x86: {  	_ =	shalt  }
0x87: {  	_ =	shalt  }
.Lfunc_end0:
.L_simem_size_0:
called_computation_lowered:
.L_overlay_start_0:
0x88: {  	s2 =	sld [smem:$0x3FD9]  }
0x89: {  	s3 =	sld [smem:$0x3FFE];
	_ =	sdelay $0x1  }
0x8a: {  	s1 =	srdreg.scid  }
0x8b: {  	s0 =	sand.u32 $0x1, s1  }
0x8c: {  	s17 =	sshll.u32 s0, $0xA;
	s2 =	sadd.s32 s3, s2  }
0x8d: {  	s2 =	sadd.s32 s2, s17  }
0x8e: {  	[smem:$0x3FC4] =	sst s2  }
0x8f: {  	_ = 	snop  }
0x90: {  	s2 =	sld [smem:$0x3FC9]  }
0x91: {  	s18 =	sld [smem:$0x3FC8]  }
0x92: {  	s4 =	sld [smem:$0x3FC7];
	(tm) =	ssettm $0x1  }
0x93: {  	s5 =	sld [smem:$0x3FFB];
	_ =	sdelay $0x3  }
0x94: {  	_ =	strace s5  }
0x95: {  	s5 =	sld [smem:$0x3FFC];
	_ =	sdelay $0x3  }
0x96: {  	_ =	strace s5  }
0x97: {  	s5 =	sld [smem:$0x3FFD];
	_ =	sdelay $0x3  }
0x98: {  	_ =	strace s5  }
0x99: {  	_ =	strace $0x8FFFFFFF  }
0x9a: {  	s19 =	sld [smem:$0x3FDB];
	_ =	sdelay $0x1  }
0x9b: {  	s6 =	simm.s32 $_scs_section_size  }
0x9c: {  	s7 =	simm.s32 $_size__tile_overlayer_lowered;
	s8 =	simm.s32 $_tile_overlayer_lowered  }
0x9d: {  	s22 =	simm.s32 $0x1BFF;
	s21 =	sshll.u32 s8, $0x1;
	s5 =	sadd.s32 s6, s19  }
0x9e: {  	s9 =	simm.s32 $0x0;
	s20 =	sshll.u32 s7, $0x1;
	s7 =	sadd.s32 s21, s5  }
0x9f: {  	[timem:s9], [sflag:s22] =	dma.local [hbm:s7], s20  }
0xa0: {  	_ =	swait.ge [sflag:s22], s20  }
0xa1: {  	s6 =	ssub.s32 $0x0, s20;
	[sflag:s22] =	ssyncset.done $0x0  }
0xa2: {  	[sflag:s22] =	ssyncadd.s32 s6;
	_ =	sdelay $0x1  }
0xa3: {  	s23 =	simm.s32 $0x1B8B  }
0xa4: {  	_ =	swait.ge [sflag:s23], $0x1  }
0xa5: {  	[sflag:s23] =	ssyncset.done $0x0  }
0xa6: {  	s25 =	simm.s32 $0x1B8E;
	s24 =	sld [smem:$0x3FFE];
	[sflag:s23] =	ssyncadd.s32 $0xFFFFFFFF  }
0xa7: {  	s26 =	simm.s32 $execute0_lowered;
	[smem:$0x3FD2] =	sst s25  }
0xa8: {  	s7 =	sshll.u32 s26, $0x1;
	_ =	strace $0x80000046;
	[dreg:$0x1] =	wrdreg $0xFFFFFFFF  }
0xa9: {  	s28 =	simm.s32 $_size_execute0_lowered;
	s5 =	sadd.s32 s5, s7;
	[dreg:$0x0] =	wrdreg $0x0  }
0xaa: {  	s7 =	sshll.u32 s28, $0x1;
	[dreg:$0x2] =	wrdreg s5  }
0xab: {  	[dreg:$0x3] =	wrdreg s7  }
0xac: {  	[dreg:$0x4] =	wrdreg $0xC0  }
0xad: {  	_ =	task [dreg:s9], $0x5FFFF  }
0xae: {  	[dreg:$0x1] =	wrdreg $0xFFFFFFFF  }
0xaf: {  	[dreg:$0x0] =	wrdreg $0x60  }
0xb0: {  	[dreg:$0x2] =	wrdreg s2  }
0xb1: {  	[dreg:$0x3] =	wrdreg s18  }
0xb2: {  	[dreg:$0x4] =	wrdreg s4  }
0xb3: {  	[dreg:$0x5] =	wrdreg s24  }
0xb4: {  	[dreg:$0x6] =	wrdreg $0x9  }
0xb5: {  	_ =	task.clear_ibuf [dreg:s9], $0x7FFFF;
	_ =	strace $0x90000046  }
0xb6: {  	s29 =	simm.s32 $0x9;
	_ =	strace $0x80000048  }
0xb7: {  	_ =	swait.ge [sflag:s29], $0x1  }
0xb8: {  	[sflag:s29] =	ssyncadd.s32 $0xFFFFFFFF  }
0xb9: {  	_ =	strace $0x90000048  }
0xba: {  	_ =	sfence  }
0xbb: {  	s30 =	sld [smem:$0x0];
	_ =	sdelay $0x2  }
0xbc: {  	s31 =	sshll.u32 s1, $0xD;
	s1 =	sshrl.u32 s1, $0x2  }
0xbd: {  	s3 =	sand.u32 $0x4000, s31;
	s1 =	sadd.s32 s1, s30  }
0xbe: {  	s0 =	sor.u32 s3, s0;
	s1 =	sshll.u32 s1, $0x11  }
0xbf: {  	s0 =	sor.u32 s1, s0  }
0xc0: {  	s0 =	sadd.s32 $0x8F2B, s0  }
0xc1: {  	[sflag:s0] =	ssyncadd.remote.s32 $0x1  }
0xc2: {  	_ =	sfence.sel $0xFFFF  }
0xc3: {  	[dreg:$0x0] =	wrdreg $0xFFFFFFFF;
	(pc) =	sbr.abs _section_cstart, $3  }
0xc4: {  	[dreg:$0x1] =	wrdreg $0xFFFFFFFF  }
0xc5: {  	_ =	task.clear_ibuf [dreg:s9], $0x2FFFF;
	_ =	strace $0x9FFFFFFF  }
0xc6: {  	(tm) =	ssettm $0x7FFFFFFF  }
0xc7: {  	_ =	shalt  }
tec
execute0_lowered:
.L_overlay_start_1:
0x0: {  	(tag) =	ssettag $0x1  }
0x1: {  	vm14 =	vcmask $0x300;
	v0 =	vimm.s32 $0x1780  }
0x2: {  	vm13 =	vcmask $0x704;
	v0 =	vsel vm14, $0x0, v0  }
0x3: {  	vm12 =	vcmask $0xB08;
	v0 =	vsel vm13, $0x80, v0  }
0x4: {  	vm11 =	vcmask $0xF0C;
	v0 =	vsel vm12, $0x100, v0  }
0x5: {  	vm10 =	vcmask $0x1310;
	v0 =	vsel vm11, $0x180, v0  }
0x6: {  	vm9 =	vcmask $0x1714;
	v0 =	vsel vm10, $0x200, v0  }
0x7: {  	vm8 =	vcmask $0x1B18;
	v0 =	vsel vm9, $0x280, v0  }
0x8: {  	vm7 =	vcmask $0x1F1C;
	v0 =	vsel vm8, $0x300, v0  }
0x9: {  	vm6 =	vcmask $0x2320;
	v0 =	vsel vm7, $0x380, v0  }
0xa: {  	vm5 =	vcmask $0x2724;
	v0 =	vsel vm6, $0x1400, v0  }
0xb: {  	vm4 =	vcmask $0x2B28;
	v0 =	vsel vm5, $0x1480, v0  }
0xc: {  	vm3 =	vcmask $0x2F2C;
	v0 =	vsel vm4, $0x1500, v0  }
0xd: {  	vm2 =	vcmask $0x3330;
	vm0 =	vcmask $0x3734;
	v0 =	vsel vm3, $0x1580, v0  }
0xe: {  	v1 =	vimm.f32 $1.000000000e+00;
	vm1 =	vcmask $0x3B38;
	v0 =	vsel vm2, $0x1600, v0  }
0xf: {  	v3 =	vimm.s32 $0x1F80;
	v4 =	vimm.s32 $0x2380;
	v2 =	vsel vm0, $0x1680, v0  }
0x10: {  	s0 =	rddreg [dreg:$0x0];
	v0 =	vsel vm14, $0xBF800000, v1;
	v1 =	vsel vm1, $0x1700, v2;
	v2 =	vimm.s32 $0x1B80  }
0x11: {  	s2 =	rddreg [dreg:$0x1];
	v3 =	vsel vm14, $0x800, v3;
	v4 =	vsel vm14, $0xC00, v4;
	v2 =	vsel vm14, $0x400, v2  }
0x12: {  	s1 =	rddreg [dreg:$0x2];
	v3 =	vsel vm13, $0x880, v3;
	v4 =	vsel vm13, $0xC80, v4;
	v2 =	vsel vm13, $0x480, v2  }
0x13: {  	s4 =	rddreg [dreg:$0x3];
	s5 =	srdreg.scid;
	s3 =	simm.s32 $0x0;
	v3 =	vsel vm12, $0x900, v3;
	v4 =	vsel vm12, $0xD00, v4;
	v2 =	vsel vm12, $0x500, v2  }
0x14: {  	s6 =	stileid.u32;
	s9 =	simm.s32 $0x9;
	s10 =	simm.s32 $0xA;
	v3 =	vsel vm11, $0x980, v3;
	v4 =	vsel vm11, $0xD80, v4;
	v2 =	vsel vm11, $0x580, v2  }
0x15: {  	s11 =	simm.s32 $0x40;
	s14 =	simm.s32 $0x2400;
	s16 =	simm.s32 $0xA400;
	v3 =	vsel vm10, $0xA00, v3;
	v4 =	vsel vm10, $0xE00, v4;
	v2 =	vsel vm10, $0x600, v2  }
0x16: {  	s18 =	simm.s32 $0x4400;
	s20 =	simm.s32 $0xC400;
	s22 =	simm.s32 $0x6400;
	v3 =	vsel vm9, $0xA80, v3;
	v4 =	vsel vm9, $0xE80, v4;
	v2 =	vsel vm9, $0x680, v2  }
0x17: {  	s24 =	simm.s32 $0xE400;
	s25 =	simm.s32 $0x1;
	s28 =	simm.s32 $0x10400;
	v3 =	vsel vm8, $0xB00, v3;
	v4 =	vsel vm8, $0xF00, v4;
	v2 =	vsel vm8, $0x700, v2  }
0x18: {  	s31 =	simm.s32 $0x2;
	s17 =	simm.s32 $0x3;
	s19 =	simm.s32 $0x7;
	v3 =	vsel vm7, $0xB80, v3;
	v4 =	vsel vm7, $0xF80, v4;
	v2 =	vsel vm7, $0x780, v2  }
0x19: {  	s29 =	simm.s32 $0x4;
	s30 =	simm.s32 $0x8;
	s5 =	sand.u32 $0x1, s5;
	v3 =	vsel vm6, $0x1C00, v3;
	v4 =	vsel vm6, $0x2000, v4;
	v2 =	vsel vm6, $0x1800, v2  }
0x1a: {  	s23 =	simm.s32 $0xB;
	s6 =	sshll.u32 s6, $0xA;
	s7 =	sshll.u32 s5, $0x9;
	v3 =	vsel vm5, $0x1C80, v3;
	v4 =	vsel vm5, $0x2080, v4;
	v2 =	vsel vm5, $0x1880, v2  }
0x1b: {  	[smem:$0x7FF] =	sst s3;
	s5 =	ssub.s32 $0x2, s5;
	s6 =	sor.u32 s7, s6;
	v3 =	vsel vm4, $0x1D00, v3;
	v4 =	vsel vm4, $0x2100, v4;
	v2 =	vsel vm4, $0x1900, v2  }
0x1c: {  	_ =	strace $0x80000047;
	s26 =	sshrl.u32 s5, $0x1;
	s7 =	sadd.s32 s6, s4;
	v3 =	vsel vm3, $0x1D80, v3;
	v4 =	vsel vm3, $0x2180, v4;
	v2 =	vsel vm3, $0x1980, v2  }
0x1d: {  	s6 =	sshrl.u32 s6, $0x3;
	s8 =	ssub.s32 s5, s26;
	s26 =	simm.s32 $0x5;
	v3 =	vsel vm2, $0x1E00, v3;
	v4 =	vsel vm2, $0x2200, v4;
	v2 =	vsel vm2, $0x1A00, v2  }
0x1e: {  	s4 =	sadd.s32 s0, s6;
	s5 =	sadd.s32 s2, s6;
	s6 =	sadd.s32 $0x600, s7;
	v3 =	vsel vm0, $0x1E80, v3;
	v4 =	vsel vm0, $0x2280, v4;
	v2 =	vsel vm0, $0x1A80, v2  }
0x1f: {  	s7 =	smax.u32 s8, $0x1;
	s0 =	simm.s32 $0x6;
	s2 =	simm.s32 $0x0;
	v3 =	vsel vm1, $0x1F00, v3;
	v4 =	vsel vm1, $0x2300, v4;
	v2 =	vsel vm1, $0x1B00, v2  }
.LBB2_1:
0x20: {  	[tilespmem:s3], [sflag:$0x9] =	stream.linear.gather [hbm4b:s4+s3], $0x200, $0x38;
	[tilespmem:$0x12C00] =	vst v63  }
0x21: {  	s8 =	simm.s32 $0x200  }
0x22: {  	[tilespmem:s8], [sflag:$0xA] =	stream.linear.gather [hbm4b:s5+s3], $0x200, $0x38;
	[tilespmem:$0x12C00] =	vst v63  }
0x23: {  	_ =	swait.ge [sflag:s9], $0x200  }
0x24: {  	[sflag:s9] =	ssyncset.done $0x0  }
0x25: {  	[sflag:s9] =	ssyncadd.s32 $0xFFFFFE00  }
0x26: {  	_ =	swait.ge [sflag:s10], $0x200  }
0x27: {  	[sflag:s10] =	ssyncset.done $0x0  }
0x28: {  	s12 =	simm.s32 $0x400;
	[sflag:s10] =	ssyncadd.s32 $0xFFFFFE00  }
0x29: {  	[tilespmem:s12], [sflag:$0x1] =	stream.indirect.gather [hbm4b:s1+s11], $0x80, s3, s11, $0xb8;
	[tilespmem:$0x12C00] =	vst v63  }
0x2a: {  	s21 =	simm.s32 $0x8400  }
0x2b: {  	[tilespmem:s21], [sflag:$0x5] =	stream.indirect.gather [hbm4b:s1+s11], $0x80, s8, s11, $0xb8;
	[tilespmem:$0x12C00] =	vst v63  }
0x2c: {  	_ = 	snop  }
0x2d: {  	[tilespmem:s14], [sflag:$0x2] =	stream.indirect.gather [hbm4b:s1+s11], $0x80, s11, s11, $0xb8;
	[tilespmem:$0x12C00] =	vst v63  }
0x2e: {  	s13 =	simm.s32 $0x240  }
0x2f: {  	[tilespmem:s16], [sflag:$0x6] =	stream.indirect.gather [hbm4b:s1+s11], $0x80, s13, s11, $0xb8;
	[tilespmem:$0x12C00] =	vst v63  }
0x30: {  	s15 =	simm.s32 $0x80  }
0x31: {  	[tilespmem:s18], [sflag:$0x3] =	stream.indirect.gather [hbm4b:s1+s11], $0x80, s15, s11, $0xb8;
	[tilespmem:$0x12C00] =	vst v63  }
0x32: {  	s21 =	simm.s32 $0x280  }
0x33: {  	[tilespmem:s20], [sflag:$0x7] =	stream.indirect.gather [hbm4b:s1+s11], $0x80, s21, s11, $0xb8;
	[tilespmem:$0x12C00] =	vst v63  }
0x34: {  	s12 =	simm.s32 $0xC0  }
0x35: {  	[tilespmem:s22], [sflag:$0x4] =	stream.indirect.gather [hbm4b:s1+s11], $0x80, s12, s11, $0xb8;
	[tilespmem:$0x12C00] =	vst v63  }
0x36: {  	s13 =	simm.s32 $0x2C0  }
0x37: {  	[tilespmem:s24], [sflag:$0x8] =	stream.indirect.gather [hbm4b:s1+s11], $0x80, s13, s11, $0xb8;
	[tilespmem:$0x12C00] =	vst v63  }
0x38: {  	_ =	swait.ge [sflag:s25], $0x2000  }
0x39: {  	[sflag:s25] =	ssyncset.done $0x0  }
0x3a: {  	[sflag:s25] =	ssyncadd.s32 $0xFFFFE000  }
0x3b: {  	_ =	swait.ge [sflag:s26], $0x2000  }
0x3c: {  	[sflag:s26] =	ssyncset.done $0x0  }
0x3d: {  	s15 =	simm.s32 $0x8440;
	[sflag:s26] =	ssyncadd.s32 $0xFFFFE000  }
0x3e: {  	s21 =	simm.s32 $0x440;
	v5 =	vld [tilespmem:s15+$0xFFFFFFC0]  }
0x3f: {  	v6 =	vld [tilespmem:s21+$0xFFFFFFC0]  }
0x40: {  	v7 =	vld [tilespmem:s21+$0xFFFFFFD0]  }
0x41: {  	v8 =	vld [tilespmem:s15+$0xFFFFFFD0]  }
0x42: {  	v9 =	vld [tilespmem:s21+$0xFFFFFFE0]  }
0x43: {  	v10 =	vld [tilespmem:s15+$0xFFFFFFE0]  }
0x44: {  	v11 =	vld [tilespmem:s21+$0xFFFFFFF0];
	v6 =	vmul.f32 v0, v6  }
0x45: {  	v12 =	vld [tilespmem:s15+$0xFFFFFFF0]  }
0x46: {  	v13 =	vld [tilespmem:s21+$0x0];
	v5 =	vmul.f32 v5, v6;
	v6 =	vmul.f32 v8, v7  }
0x47: {  	v7 =	vld [tilespmem:s15+$0x0]  }
0x48: {  	v14 =	vld [tilespmem:s21+$0x10];
	v8 =	vmul.f32 v10, v9;
	v5 =	vadd.f32 v6, v5  }
0x49: {  	v15 =	vld [tilespmem:s15+$0x10]  }
0x4a: {  	v10 =	vmul.f32 v12, v11;
	v6 =	vld [tilespmem:s21+$0x20];
	v9 =	vadd.f32 v8, v5  }
0x4b: {  	v8 =	vld [tilespmem:s15+$0x20]  }
0x4c: {  	v5 =	vld [tilespmem:s21+$0x30];
	v11 =	vmul.f32 v7, v13;
	v10 =	vadd.f32 v10, v9  }
0x4d: {  	s12 =	simm.s32 $0x4C0;
	v7 =	vld [tilespmem:s15+$0x30]  }
0x4e: {  	v12 =	vld [tilespmem:s12+$0xFFFFFFC0];
	s21 =	simm.s32 $0x84C0;
	v10 =	vadd.f32 v11, v10;
	v11 =	vmul.f32 v15, v14  }
0x4f: {  	s8 =	simm.s32 $0x0;
	s13 =	simm.s32 $0x2;
	s15 =	simm.s32 $0x1;
	v9 =	vld [tilespmem:s21+$0xFFFFFFC0]  }
.LBB2_2:
0x50: {  	p0 =	sne.s32 s13, $0x3F;
	v13 =	vld [tilespmem:s12+$0xFFFFFFD0];
	v10 =	vadd.f32 v11, v10;
	v6 =	vmul.f32 v8, v6  }
0x51: {  	v11 =	vor.u32 s8, v1;
	s8 =	smov.u32 s15;
	s15 =	smov.u32 s13;
	v8 =	vld [tilespmem:s21+$0xFFFFFFD0]  }
0x52: {  	v14 =	vld [tilespmem:s12+$0xFFFFFFE0];
	v6 =	vadd.f32 v6, v10;
	v5 =	vmul.f32 v7, v5  }
0x53: {  	v7 =	vld [tilespmem:s21+$0xFFFFFFE0]  }
0x54: {  	v10 =	vmul.f32 v0, v12;
	v12 =	vld [tilespmem:s12+$0xFFFFFFF0];
	v5 =	vadd.f32 v5, v6  }
0x55: {  	v6 =	vld [tilespmem:s21+$0xFFFFFFF0]  }
0x56: {  	v9 =	vmul.f32 v9, v10;
	v8 =	vmul.f32 v8, v13;
	v10 =	vld [tilespmem:s12+$0x0];
	[tilespmem:v11+s28+$0x0] =	vst.idx.msk $0xffff, v5  }
0x57: {  	v5 =	vld [tilespmem:s21+$0x0]  }
0x58: {  	v8 =	vadd.f32 v8, v9;
	v7 =	vmul.f32 v7, v14;
	v11 =	vld [tilespmem:s12+$0x10]  }
0x59: {  	v13 =	vld [tilespmem:s21+$0x10]  }
0x5a: {  	v7 =	vadd.f32 v7, v8;
	v9 =	vmul.f32 v6, v12;
	v6 =	vld [tilespmem:s12+$0x20]  }
.Ltmp0:
0x5b: {  	v8 =	vld [tilespmem:s21+$0x20];
	(pc) =	sbr.rel @p0 .LBB2_2-.Ltmp0, $4  }
0x5c: {  	v12 =	vadd.f32 v9, v7;
	v10 =	vmul.f32 v5, v10;
	v5 =	vld [tilespmem:s12+$0x30]  }
0x5d: {  	v7 =	vld [tilespmem:s21+$0x30];
	s21 =	sadd.s32 $0x80, s21  }
0x5e: {  	s12 =	sadd.s32 $0x80, s12;
	v9 =	vld [tilespmem:s21+$0xFFFFFFC0];
	v10 =	vadd.f32 v10, v12;
	v11 =	vmul.f32 v13, v11  }
0x5f: {  	s13 =	sadd.s32 $0x1, s13;
	v12 =	vld [tilespmem:s12+$0xFFFFFFC0]  }
0x60: {  	v13 =	vld [tilespmem:s12+$0xFFFFFFD0]  }
0x61: {  	v14 =	vld [tilespmem:s21+$0xFFFFFFD0]  }
0x62: {  	v15 =	vld [tilespmem:s12+$0xFFFFFFE0]  }
0x63: {  	v16 =	vld [tilespmem:s21+$0xFFFFFFE0]  }
0x64: {  	v17 =	vld [tilespmem:s12+$0xFFFFFFF0];
	v12 =	vmul.f32 v0, v12  }
0x65: {  	v18 =	vld [tilespmem:s21+$0xFFFFFFF0]  }
0x66: {  	v9 =	vmul.f32 v9, v12;
	v12 =	vmul.f32 v14, v13;
	v13 =	vld [tilespmem:s12+$0x0]  }
0x67: {  	v14 =	vld [tilespmem:s21+$0x0]  }
0x68: {  	v61 =	vld [tilespmem:s21+$0x10];
	v9 =	vadd.f32 v12, v9;
	v12 =	vmul.f32 v16, v15  }
0x69: {  	v15 =	vld [tilespmem:s12+$0x10]  }
0x6a: {  	v62 =	vld [tilespmem:s12+$0x20];
	v9 =	vadd.f32 v12, v9;
	v12 =	vmul.f32 v18, v17  }
0x6b: {  	v63 =	vld [tilespmem:s21+$0x20]  }
0x6c: {  	v9 =	vadd.f32 v12, v9;
	v12 =	vmul.f32 v14, v13;
	v13 =	vld [tilespmem:s12+$0x30]  }
0x6d: {  	v14 =	vld [tilespmem:s21+$0x30]  }
0x6e: {  	v9 =	vadd.f32 v12, v9;
	v12 =	vmul.f32 v61, v15  }
0x6f: {  	v10 =	vadd.f32 v11, v10;
	v6 =	vmul.f32 v8, v6  }
0x70: {  	v11 =	vmul.f32 v63, v62;
	v8 =	vadd.f32 v12, v9;
	v9 =	vor.u32 s8, v1  }
0x71: {  	v6 =	vadd.f32 v6, v10;
	v5 =	vmul.f32 v7, v5;
	v7 =	vor.u32 s15, v1  }
0x72: {  	v10 =	vmul.f32 v14, v13;
	v8 =	vadd.f32 v11, v8  }
0x73: {  	v5 =	vadd.f32 v5, v6  }
0x74: {  	v6 =	vadd.f32 v10, v8  }
0x75: {  	[tilespmem:v9+s28+$0x0] =	vst.idx.msk $0xffff, v5  }
0x76: {  	s13 =	simm.s32 $0x400;
	s15 =	simm.s32 $0x40;
	s21 =	simm.s32 $0x100;
	[tilespmem:v7+s28+$0x0] =	vst.idx.msk $0xffff, v6  }
0x77: {  	[tilespmem:s13], [sflag:$0x1] =	stream.indirect.gather [hbm4b:s1+s15], $0x80, s21, s15, $0xb8;
	[tilespmem:$0x12C00] =	vst v63  }
0x78: {  	s13 =	simm.s32 $0x8400;
	s21 =	simm.s32 $0x300  }
0x79: {  	[tilespmem:s13], [sflag:$0x5] =	stream.indirect.gather [hbm4b:s1+s15], $0x80, s21, s15, $0xb8;
	[tilespmem:$0x12C00] =	vst v63  }
0x7a: {  	_ =	swait.ge [sflag:s31], $0x2000  }
0x7b: {  	[sflag:s31] =	ssyncset.done $0x0  }
0x7c: {  	[sflag:s31] =	ssyncadd.s32 $0xFFFFE000  }
0x7d: {  	_ =	swait.ge [sflag:s0], $0x2000  }
0x7e: {  	[sflag:s0] =	ssyncset.done $0x0  }
0x7f: {  	s13 =	simm.s32 $0xA470;
	[sflag:s0] =	ssyncadd.s32 $0xFFFFE000  }
0x80: {  	s21 =	simm.s32 $0x2470;
	v5 =	vld [tilespmem:s13+$0xFFFFFF90]  }
0x81: {  	v6 =	vld [tilespmem:s21+$0xFFFFFF90]  }
0x82: {  	v7 =	vld [tilespmem:s21+$0xFFFFFFA0]  }
0x83: {  	v8 =	vld [tilespmem:s13+$0xFFFFFFA0]  }
0x84: {  	v9 =	vld [tilespmem:s21+$0xFFFFFFB0]  }
0x85: {  	v10 =	vld [tilespmem:s13+$0xFFFFFFB0]  }
0x86: {  	v11 =	vld [tilespmem:s21+$0xFFFFFFC0];
	v6 =	vmul.f32 v0, v6  }
0x87: {  	v12 =	vld [tilespmem:s13+$0xFFFFFFC0]  }
0x88: {  	v13 =	vld [tilespmem:s21+$0xFFFFFFD0];
	v5 =	vmul.f32 v5, v6;
	v6 =	vmul.f32 v8, v7  }
0x89: {  	v7 =	vld [tilespmem:s13+$0xFFFFFFD0]  }
0x8a: {  	v14 =	vld [tilespmem:s21+$0xFFFFFFE0];
	v8 =	vmul.f32 v10, v9;
	v5 =	vadd.f32 v6, v5  }
0x8b: {  	v15 =	vld [tilespmem:s13+$0xFFFFFFE0]  }
0x8c: {  	v10 =	vmul.f32 v12, v11;
	v6 =	vld [tilespmem:s21+$0xFFFFFFF0];
	v9 =	vadd.f32 v8, v5  }
0x8d: {  	v8 =	vld [tilespmem:s13+$0xFFFFFFF0]  }
0x8e: {  	v5 =	vld [tilespmem:s21+$0x0];
	v11 =	vmul.f32 v7, v13;
	v10 =	vadd.f32 v10, v9  }
0x8f: {  	s12 =	simm.s32 $0x24F0;
	v7 =	vld [tilespmem:s13+$0x0]  }
0x90: {  	s8 =	simm.s32 $0xA4F0;
	v12 =	vld [tilespmem:s12+$0xFFFFFF90];
	v10 =	vadd.f32 v11, v10;
	v11 =	vmul.f32 v15, v14  }
0x91: {  	s21 =	simm.s32 $0x41;
	s13 =	simm.s32 $0x42;
	v9 =	vld [tilespmem:s8+$0xFFFFFF90]  }
.LBB2_4:
0x92: {  	p0 =	sne.s32 s13, $0x7F;
	v13 =	vld [tilespmem:s12+$0xFFFFFFA0];
	v10 =	vadd.f32 v11, v10;
	v6 =	vmul.f32 v8, v6  }
0x93: {  	v11 =	vor.u32 s15, v1;
	s15 =	smov.u32 s21;
	s21 =	smov.u32 s13;
	v8 =	vld [tilespmem:s8+$0xFFFFFFA0]  }
0x94: {  	v14 =	vld [tilespmem:s12+$0xFFFFFFB0];
	v6 =	vadd.f32 v6, v10;
	v5 =	vmul.f32 v7, v5  }
0x95: {  	v7 =	vld [tilespmem:s8+$0xFFFFFFB0]  }
0x96: {  	v10 =	vmul.f32 v0, v12;
	v12 =	vld [tilespmem:s12+$0xFFFFFFC0];
	v5 =	vadd.f32 v5, v6  }
0x97: {  	v6 =	vld [tilespmem:s8+$0xFFFFFFC0]  }
0x98: {  	v9 =	vmul.f32 v9, v10;
	v8 =	vmul.f32 v8, v13;
	v10 =	vld [tilespmem:s12+$0xFFFFFFD0];
	[tilespmem:v11+s28+$0x0] =	vst.idx.msk $0xffff, v5  }
0x99: {  	v5 =	vld [tilespmem:s8+$0xFFFFFFD0]  }
0x9a: {  	v8 =	vadd.f32 v8, v9;
	v7 =	vmul.f32 v7, v14;
	v11 =	vld [tilespmem:s12+$0xFFFFFFE0]  }
0x9b: {  	v13 =	vld [tilespmem:s8+$0xFFFFFFE0]  }
0x9c: {  	v7 =	vadd.f32 v7, v8;
	v9 =	vmul.f32 v6, v12;
	v6 =	vld [tilespmem:s12+$0xFFFFFFF0]  }
.Ltmp1:
0x9d: {  	v8 =	vld [tilespmem:s8+$0xFFFFFFF0];
	(pc) =	sbr.rel @p0 .LBB2_4-.Ltmp1, $4  }
0x9e: {  	v12 =	vadd.f32 v9, v7;
	v10 =	vmul.f32 v5, v10;
	v5 =	vld [tilespmem:s12+$0x0]  }
0x9f: {  	v7 =	vld [tilespmem:s8+$0x0];
	s8 =	sadd.s32 $0x80, s8  }
0xa0: {  	s12 =	sadd.s32 $0x80, s12;
	v9 =	vld [tilespmem:s8+$0xFFFFFF90];
	v10 =	vadd.f32 v10, v12;
	v11 =	vmul.f32 v13, v11  }
0xa1: {  	s13 =	sadd.s32 $0x1, s13;
	v12 =	vld [tilespmem:s12+$0xFFFFFF90]  }
0xa2: {  	v13 =	vld [tilespmem:s12+$0xFFFFFFA0]  }
0xa3: {  	v14 =	vld [tilespmem:s8+$0xFFFFFFA0]  }
0xa4: {  	v15 =	vld [tilespmem:s12+$0xFFFFFFB0]  }
0xa5: {  	v16 =	vld [tilespmem:s8+$0xFFFFFFB0]  }
0xa6: {  	v17 =	vld [tilespmem:s12+$0xFFFFFFC0];
	v12 =	vmul.f32 v0, v12  }
0xa7: {  	v18 =	vld [tilespmem:s8+$0xFFFFFFC0]  }
0xa8: {  	v9 =	vmul.f32 v9, v12;
	v12 =	vmul.f32 v14, v13;
	v13 =	vld [tilespmem:s12+$0xFFFFFFD0]  }
0xa9: {  	v14 =	vld [tilespmem:s8+$0xFFFFFFD0]  }
0xaa: {  	v61 =	vld [tilespmem:s8+$0xFFFFFFE0];
	v9 =	vadd.f32 v12, v9;
	v12 =	vmul.f32 v16, v15  }
0xab: {  	v15 =	vld [tilespmem:s12+$0xFFFFFFE0]  }
0xac: {  	v62 =	vld [tilespmem:s12+$0xFFFFFFF0];
	v9 =	vadd.f32 v12, v9;
	v12 =	vmul.f32 v18, v17  }
0xad: {  	v63 =	vld [tilespmem:s8+$0xFFFFFFF0]  }
0xae: {  	v9 =	vadd.f32 v12, v9;
	v12 =	vmul.f32 v14, v13;
	v13 =	vld [tilespmem:s12+$0x0]  }
0xaf: {  	v14 =	vld [tilespmem:s8+$0x0]  }
0xb0: {  	v9 =	vadd.f32 v12, v9;
	v12 =	vmul.f32 v61, v15  }
0xb1: {  	v10 =	vadd.f32 v11, v10;
	v6 =	vmul.f32 v8, v6  }
0xb2: {  	v11 =	vmul.f32 v63, v62;
	v8 =	vadd.f32 v12, v9;
	v9 =	vor.u32 s15, v1  }
0xb3: {  	v6 =	vadd.f32 v6, v10;
	v5 =	vmul.f32 v7, v5;
	v7 =	vor.u32 s21, v1  }
0xb4: {  	v10 =	vmul.f32 v14, v13;
	v8 =	vadd.f32 v11, v8  }
0xb5: {  	v5 =	vadd.f32 v5, v6  }
0xb6: {  	v6 =	vadd.f32 v10, v8  }
0xb7: {  	[tilespmem:v9+s28+$0x0] =	vst.idx.msk $0xffff, v5  }
0xb8: {  	s21 =	simm.s32 $0x140;
	[tilespmem:v7+s28+$0x0] =	vst.idx.msk $0xffff, v6  }
0xb9: {  	[tilespmem:s14], [sflag:$0x2] =	stream.indirect.gather [hbm4b:s1+s11], $0x80, s21, s11, $0xb8;
	[tilespmem:$0x12C00] =	vst v63  }
0xba: {  	s12 =	simm.s32 $0x340  }
0xbb: {  	[tilespmem:s16], [sflag:$0x6] =	stream.indirect.gather [hbm4b:s1+s11], $0x80, s12, s11, $0xb8;
	[tilespmem:$0x12C00] =	vst v63  }
0xbc: {  	_ =	swait.ge [sflag:s17], $0x2000  }
0xbd: {  	[sflag:s17] =	ssyncset.done $0x0  }
0xbe: {  	[sflag:s17] =	ssyncadd.s32 $0xFFFFE000  }
0xbf: {  	_ =	swait.ge [sflag:s19], $0x2000  }
0xc0: {  	[sflag:s19] =	ssyncset.done $0x0  }
0xc1: {  	s13 =	simm.s32 $0x0;
	[sflag:s19] =	ssyncadd.s32 $0xFFFFE000  }
0xc2: {  	v5 =	vld [tilespmem:s13+$0xC400]  }
0xc3: {  	v6 =	vld [tilespmem:s13+$0x4400]  }
0xc4: {  	v7 =	vld [tilespmem:s13+$0x4410]  }
0xc5: {  	v8 =	vld [tilespmem:s13+$0xC410]  }
0xc6: {  	v9 =	vld [tilespmem:s13+$0x4420]  }
0xc7: {  	v10 =	vld [tilespmem:s13+$0xC420]  }
0xc8: {  	v11 =	vld [tilespmem:s13+$0x4430];
	v6 =	vmul.f32 v0, v6  }
0xc9: {  	v12 =	vld [tilespmem:s13+$0xC430]  }
0xca: {  	v13 =	vld [tilespmem:s13+$0xC440];
	v5 =	vmul.f32 v5, v6;
	v6 =	vmul.f32 v8, v7  }
0xcb: {  	v8 =	vld [tilespmem:s13+$0x4440]  }
0xcc: {  	v14 =	vld [tilespmem:s13+$0x4450];
	v5 =	vadd.f32 v6, v5;
	v6 =	vmul.f32 v10, v9  }
0xcd: {  	v15 =	vld [tilespmem:s13+$0xC450]  }
0xce: {  	v7 =	vld [tilespmem:s13+$0xC460];
	v9 =	vmul.f32 v12, v11;
	v5 =	vadd.f32 v6, v5  }
0xcf: {  	v6 =	vld [tilespmem:s13+$0x4460]  }
0xd0: {  	s15 =	simm.s32 $0x0;
	v11 =	vmul.f32 v13, v8;
	v8 =	vld [tilespmem:s13+$0xC470];
	v9 =	vadd.f32 v9, v5  }
0xd1: {  	s21 =	simm.s32 $0x80;
	v12 =	vmov s15;
	v5 =	vld [tilespmem:s13+$0x4470]  }
0xd2: {  	s8 =	simm.s32 $0x400;
	v10 =	vld [tilespmem:s21+$0xC400];
	v12 =	vand.u32 $0x3F, v12;
	v9 =	vadd.f32 v11, v9;
	v11 =	vmul.f32 v15, v14  }
.LBB2_6:
0xd3: {  	p0 =	sne.s32 s8, $0x7E00;
	v13 =	vld [tilespmem:s21+$0x4400];
	v12 =	vbroadcast v12, $0x0  }
0xd4: {  	v14 =	vld [tilespmem:s21+$0x4410];
	v9 =	vadd.f32 v11, v9;
	v6 =	vmul.f32 v7, v6  }
0xd5: {  	v7 =	vld [tilespmem:s21+$0xC410];
	v11 =	vor.u32 v2, v12  }
0xd6: {  	v12 =	vld [tilespmem:s21+$0x4420];
	v6 =	vadd.f32 v6, v9;
	v5 =	vmul.f32 v8, v5  }
0xd7: {  	v8 =	vld [tilespmem:s21+$0xC420]  }
0xd8: {  	v9 =	vmul.f32 v0, v13;
	v13 =	vld [tilespmem:s21+$0x4430];
	v5 =	vadd.f32 v5, v6  }
0xd9: {  	v6 =	vld [tilespmem:s21+$0xC430]  }
0xda: {  	v9 =	vmul.f32 v10, v9;
	v7 =	vmul.f32 v7, v14;
	v10 =	vld [tilespmem:s21+$0x4440];
	[tilespmem:v11+s28+$0x0] =	vst.idx.msk $0xffff, v5  }
0xdb: {  	v5 =	vld [tilespmem:s21+$0xC440]  }
0xdc: {  	v7 =	vadd.f32 v7, v9;
	v8 =	vmul.f32 v8, v12;
	v11 =	vld [tilespmem:s21+$0x4450]  }
0xdd: {  	v12 =	vld [tilespmem:s21+$0xC450]  }
.Ltmp2:
0xde: {  	v8 =	vadd.f32 v8, v7;
	v9 =	vmul.f32 v6, v13;
	v6 =	vld [tilespmem:s21+$0x4460];
	(pc) =	sbr.rel @p0 .LBB2_6-.Ltmp2, $4  }
0xdf: {  	v7 =	vld [tilespmem:s21+$0xC460]  }
0xe0: {  	s15 =	sadd.s32 $0x1, s15;
	v9 =	vadd.f32 v9, v8;
	v13 =	vmul.f32 v5, v10;
	v5 =	vld [tilespmem:s21+$0x4470]  }
0xe1: {  	v14 =	vmov s15;
	v8 =	vld [tilespmem:s21+$0xC470];
	s21 =	sshra.s32 s8, $0x2  }
0xe2: {  	s8 =	sadd.s32 $0x200, s8;
	v10 =	vld [tilespmem:s21+$0xC400];
	v9 =	vadd.f32 v13, v9;
	v11 =	vmul.f32 v12, v11;
	v12 =	vand.u32 $0x3F, v14  }
0xe3: {  	v13 =	vld [tilespmem:s21+$0x4400]  }
0xe4: {  	v14 =	vld [tilespmem:s21+$0x4410]  }
0xe5: {  	v15 =	vld [tilespmem:s21+$0xC410]  }
0xe6: {  	v16 =	vld [tilespmem:s21+$0x4420]  }
0xe7: {  	v17 =	vld [tilespmem:s21+$0xC420]  }
0xe8: {  	v18 =	vld [tilespmem:s21+$0x4430];
	v13 =	vmul.f32 v0, v13  }
0xe9: {  	v19 =	vld [tilespmem:s21+$0xC430]  }
0xea: {  	v10 =	vmul.f32 v10, v13;
	v13 =	vmul.f32 v15, v14;
	v14 =	vld [tilespmem:s21+$0x4440]  }
0xeb: {  	v15 =	vld [tilespmem:s21+$0xC440]  }
0xec: {  	v10 =	vadd.f32 v13, v10;
	v13 =	vmul.f32 v17, v16  }
0xed: {  	v60 =	vld [tilespmem:s21+$0x4450]  }
0xee: {  	v61 =	vld [tilespmem:s21+$0xC450];
	v10 =	vadd.f32 v13, v10;
	v13 =	vmul.f32 v19, v18  }
0xef: {  	v62 =	vld [tilespmem:s21+$0x4460]  }
0xf0: {  	v63 =	vld [tilespmem:s21+$0xC460];
	v10 =	vadd.f32 v13, v10;
	v13 =	vmul.f32 v15, v14  }
0xf1: {  	s8 =	sadd.s32 $0x1, s15;
	v14 =	vld [tilespmem:s21+$0x4470]  }
0xf2: {  	v15 =	vld [tilespmem:s21+$0xC470];
	v10 =	vadd.f32 v13, v10;
	v13 =	vmov s8  }
0xf3: {  	v12 =	vbroadcast v12, $0x0;
	v16 =	vmul.f32 v61, v60;
	v13 =	vand.u32 $0x3F, v13  }
0xf4: {  	v9 =	vadd.f32 v11, v9;
	v6 =	vmul.f32 v7, v6;
	v7 =	vbroadcast v13, $0x0  }
0xf5: {  	v12 =	vor.u32 v2, v12;
	v11 =	vmul.f32 v63, v62;
	v10 =	vadd.f32 v16, v10  }
0xf6: {  	v6 =	vadd.f32 v6, v9;
	v5 =	vmul.f32 v8, v5;
	v7 =	vor.u32 v2, v7  }
0xf7: {  	v9 =	vmul.f32 v15, v14;
	v8 =	vadd.f32 v11, v10  }
0xf8: {  	v5 =	vadd.f32 v5, v6  }
0xf9: {  	v6 =	vadd.f32 v9, v8  }
0xfa: {  	[tilespmem:v12+s28+$0x0] =	vst.idx.msk $0xffff, v5  }
0xfb: {  	s21 =	simm.s32 $0x180;
	[tilespmem:v7+s28+$0x0] =	vst.idx.msk $0xffff, v6  }
0xfc: {  	[tilespmem:s18], [sflag:$0x3] =	stream.indirect.gather [hbm4b:s1+s11], $0x80, s21, s11, $0xb8;
	[tilespmem:$0x12C00] =	vst v63  }
0xfd: {  	s12 =	simm.s32 $0x380  }
0xfe: {  	[tilespmem:s20], [sflag:$0x7] =	stream.indirect.gather [hbm4b:s1+s11], $0x80, s12, s11, $0xb8;
	[tilespmem:$0x12C00] =	vst v63  }
0xff: {  	_ =	swait.ge [sflag:s29], $0x2000  }
0x100: {  	[sflag:s29] =	ssyncset.done $0x0  }
0x101: {  	[sflag:s29] =	ssyncadd.s32 $0xFFFFE000  }
0x102: {  	_ =	swait.ge [sflag:s30], $0x2000  }
0x103: {  	[sflag:s30] =	ssyncset.done $0x0  }
0x104: {  	s13 =	simm.s32 $0x0;
	[sflag:s30] =	ssyncadd.s32 $0xFFFFE000  }
0x105: {  	v5 =	vld [tilespmem:s13+$0xE400]  }
0x106: {  	v6 =	vld [tilespmem:s13+$0x6400]  }
0x107: {  	v7 =	vld [tilespmem:s13+$0x6410]  }
0x108: {  	v8 =	vld [tilespmem:s13+$0xE410]  }
0x109: {  	v9 =	vld [tilespmem:s13+$0x6420]  }
0x10a: {  	v10 =	vld [tilespmem:s13+$0xE420]  }
0x10b: {  	v11 =	vld [tilespmem:s13+$0x6430];
	v6 =	vmul.f32 v0, v6  }
0x10c: {  	v12 =	vld [tilespmem:s13+$0xE430]  }
0x10d: {  	v13 =	vld [tilespmem:s13+$0xE440];
	v5 =	vmul.f32 v5, v6;
	v6 =	vmul.f32 v8, v7  }
0x10e: {  	v8 =	vld [tilespmem:s13+$0x6440]  }
0x10f: {  	v14 =	vld [tilespmem:s13+$0x6450];
	v5 =	vadd.f32 v6, v5;
	v6 =	vmul.f32 v10, v9  }
0x110: {  	v15 =	vld [tilespmem:s13+$0xE450]  }
0x111: {  	v7 =	vld [tilespmem:s13+$0xE460];
	v9 =	vmul.f32 v12, v11;
	v5 =	vadd.f32 v6, v5  }
0x112: {  	v6 =	vld [tilespmem:s13+$0x6460]  }
0x113: {  	s15 =	simm.s32 $0xC0;
	v11 =	vmul.f32 v13, v8;
	v8 =	vld [tilespmem:s13+$0xE470];
	v9 =	vadd.f32 v9, v5  }
0x114: {  	s21 =	simm.s32 $0x80;
	v12 =	vmov s15;
	v5 =	vld [tilespmem:s13+$0x6470]  }
0x115: {  	s8 =	simm.s32 $0x400;
	v10 =	vld [tilespmem:s21+$0xE400];
	v12 =	vand.u32 $0x7F, v12;
	v9 =	vadd.f32 v11, v9;
	v11 =	vmul.f32 v15, v14  }
.LBB2_8:
0x116: {  	p0 =	sne.s32 s8, $0x7E00;
	v13 =	vld [tilespmem:s21+$0x6400];
	v12 =	vbroadcast v12, $0x0  }
0x117: {  	v14 =	vld [tilespmem:s21+$0x6410];
	v9 =	vadd.f32 v11, v9;
	v6 =	vmul.f32 v7, v6  }
0x118: {  	v7 =	vld [tilespmem:s21+$0xE410];
	v11 =	vor.u32 v2, v12  }
0x119: {  	v12 =	vld [tilespmem:s21+$0x6420];
	v6 =	vadd.f32 v6, v9;
	v5 =	vmul.f32 v8, v5  }
0x11a: {  	v8 =	vld [tilespmem:s21+$0xE420]  }
0x11b: {  	v9 =	vmul.f32 v0, v13;
	v13 =	vld [tilespmem:s21+$0x6430];
	v5 =	vadd.f32 v5, v6  }
0x11c: {  	v6 =	vld [tilespmem:s21+$0xE430]  }
0x11d: {  	v9 =	vmul.f32 v10, v9;
	v7 =	vmul.f32 v7, v14;
	v10 =	vld [tilespmem:s21+$0x6440];
	[tilespmem:v11+s28+$0x0] =	vst.idx.msk $0xffff, v5  }
0x11e: {  	v5 =	vld [tilespmem:s21+$0xE440]  }
0x11f: {  	v7 =	vadd.f32 v7, v9;
	v8 =	vmul.f32 v8, v12;
	v11 =	vld [tilespmem:s21+$0x6450]  }
0x120: {  	v12 =	vld [tilespmem:s21+$0xE450]  }
.Ltmp3:
0x121: {  	v8 =	vadd.f32 v8, v7;
	v9 =	vmul.f32 v6, v13;
	v6 =	vld [tilespmem:s21+$0x6460];
	(pc) =	sbr.rel @p0 .LBB2_8-.Ltmp3, $4  }
0x122: {  	v7 =	vld [tilespmem:s21+$0xE460]  }
0x123: {  	s15 =	sadd.s32 $0x1, s15;
	v9 =	vadd.f32 v9, v8;
	v13 =	vmul.f32 v5, v10;
	v5 =	vld [tilespmem:s21+$0x6470]  }
0x124: {  	v14 =	vmov s15;
	v8 =	vld [tilespmem:s21+$0xE470];
	s21 =	sshra.s32 s8, $0x2  }
0x125: {  	s8 =	sadd.s32 $0x200, s8;
	v10 =	vld [tilespmem:s21+$0xE400];
	v9 =	vadd.f32 v13, v9;
	v11 =	vmul.f32 v12, v11;
	v12 =	vand.u32 $0x7F, v14  }
0x126: {  	v13 =	vld [tilespmem:s21+$0x6400]  }
0x127: {  	v14 =	vld [tilespmem:s21+$0x6410]  }
0x128: {  	v15 =	vld [tilespmem:s21+$0xE410]  }
0x129: {  	v16 =	vld [tilespmem:s21+$0x6420]  }
0x12a: {  	v17 =	vld [tilespmem:s21+$0xE420]  }
0x12b: {  	v18 =	vld [tilespmem:s21+$0x6430];
	v13 =	vmul.f32 v0, v13  }
0x12c: {  	v19 =	vld [tilespmem:s21+$0xE430]  }
0x12d: {  	v10 =	vmul.f32 v10, v13;
	v13 =	vmul.f32 v15, v14;
	v14 =	vld [tilespmem:s21+$0x6440]  }
0x12e: {  	v15 =	vld [tilespmem:s21+$0xE440]  }
0x12f: {  	v10 =	vadd.f32 v13, v10;
	v13 =	vmul.f32 v17, v16  }
0x130: {  	v60 =	vld [tilespmem:s21+$0x6450]  }
0x131: {  	v61 =	vld [tilespmem:s21+$0xE450];
	v10 =	vadd.f32 v13, v10;
	v13 =	vmul.f32 v19, v18  }
0x132: {  	v62 =	vld [tilespmem:s21+$0x6460]  }
0x133: {  	v63 =	vld [tilespmem:s21+$0xE460];
	v10 =	vadd.f32 v13, v10;
	v13 =	vmul.f32 v15, v14  }
0x134: {  	s8 =	sadd.s32 $0x1, s15;
	v14 =	vld [tilespmem:s21+$0x6470]  }
0x135: {  	v15 =	vld [tilespmem:s21+$0xE470];
	v10 =	vadd.f32 v13, v10;
	v13 =	vmov s8  }
0x136: {  	v12 =	vbroadcast v12, $0x0;
	v16 =	vmul.f32 v61, v60;
	v13 =	vand.u32 $0x7F, v13  }
0x137: {  	v9 =	vadd.f32 v11, v9;
	v6 =	vmul.f32 v7, v6;
	v7 =	vbroadcast v13, $0x0  }
0x138: {  	v12 =	vor.u32 v2, v12;
	v11 =	vmul.f32 v63, v62;
	v10 =	vadd.f32 v16, v10  }
0x139: {  	v6 =	vadd.f32 v6, v9;
	v5 =	vmul.f32 v8, v5;
	v7 =	vor.u32 v2, v7  }
0x13a: {  	v9 =	vmul.f32 v15, v14;
	v8 =	vadd.f32 v11, v10  }
0x13b: {  	v5 =	vadd.f32 v5, v6  }
0x13c: {  	v6 =	vadd.f32 v9, v8  }
0x13d: {  	[tilespmem:v12+s28+$0x0] =	vst.idx.msk $0xffff, v5  }
0x13e: {  	s13 =	simm.s32 $0x1C0;
	[tilespmem:v7+s28+$0x0] =	vst.idx.msk $0xffff, v6  }
0x13f: {  	[tilespmem:s22], [sflag:$0x4] =	stream.indirect.gather [hbm4b:s1+s11], $0x80, s13, s11, $0xb8;
	[tilespmem:$0x12C00] =	vst v63  }
0x140: {  	s15 =	simm.s32 $0x3C0  }
0x141: {  	[tilespmem:s24], [sflag:$0x8] =	stream.indirect.gather [hbm4b:s1+s11], $0x80, s15, s11, $0xb8;
	[tilespmem:$0x12C00] =	vst v63  }
0x142: {  	_ =	swait.ge [sflag:s25], $0x2000  }
0x143: {  	[sflag:s25] =	ssyncset.done $0x0  }
0x144: {  	[sflag:s25] =	ssyncadd.s32 $0xFFFFE000  }
0x145: {  	_ =	swait.ge [sflag:s26], $0x2000  }
0x146: {  	[sflag:s26] =	ssyncset.done $0x0  }
0x147: {  	s21 =	simm.s32 $0x8440;
	[sflag:s26] =	ssyncadd.s32 $0xFFFFE000  }
0x148: {  	s12 =	simm.s32 $0x440;
	v5 =	vld [tilespmem:s21+$0xFFFFFFC0]  }
0x149: {  	v6 =	vld [tilespmem:s12+$0xFFFFFFC0]  }
0x14a: {  	v7 =	vld [tilespmem:s12+$0xFFFFFFD0]  }
0x14b: {  	v8 =	vld [tilespmem:s21+$0xFFFFFFD0]  }
0x14c: {  	v9 =	vld [tilespmem:s12+$0xFFFFFFE0]  }
0x14d: {  	v10 =	vld [tilespmem:s21+$0xFFFFFFE0]  }
0x14e: {  	v11 =	vld [tilespmem:s12+$0xFFFFFFF0];
	v6 =	vmul.f32 v0, v6  }
0x14f: {  	v12 =	vld [tilespmem:s21+$0xFFFFFFF0]  }
0x150: {  	v13 =	vld [tilespmem:s12+$0x0];
	v5 =	vmul.f32 v5, v6;
	v6 =	vmul.f32 v8, v7  }
0x151: {  	v7 =	vld [tilespmem:s21+$0x0]  }
0x152: {  	v14 =	vld [tilespmem:s12+$0x10];
	v8 =	vmul.f32 v10, v9;
	v5 =	vadd.f32 v6, v5  }
0x153: {  	v15 =	vld [tilespmem:s21+$0x10]  }
0x154: {  	v10 =	vmul.f32 v12, v11;
	v6 =	vld [tilespmem:s12+$0x20];
	v9 =	vadd.f32 v8, v5  }
0x155: {  	v8 =	vld [tilespmem:s21+$0x20]  }
0x156: {  	s13 =	simm.s32 $0x0;
	v5 =	vld [tilespmem:s12+$0x30];
	v11 =	vmul.f32 v7, v13;
	v10 =	vadd.f32 v10, v9  }
0x157: {  	s8 =	simm.s32 $0x4C0;
	v12 =	vmov s13;
	v7 =	vld [tilespmem:s21+$0x30]  }
0x158: {  	s15 =	simm.s32 $0x84C0;
	v12 =	vand.u32 $0x3F, v12;
	v13 =	vld [tilespmem:s8+$0xFFFFFFC0];
	v10 =	vadd.f32 v11, v10;
	v11 =	vmul.f32 v15, v14  }
0x159: {  	v12 =	vbroadcast v12, $0x0;
	s12 =	simm.s32 $0x2;
	s21 =	simm.s32 $0x1;
	v9 =	vld [tilespmem:s15+$0xFFFFFFC0]  }
.LBB2_10:
0x15a: {  	p0 =	sne.s32 s12, $0x3F;
	v14 =	vld [tilespmem:s8+$0xFFFFFFD0];
	v10 =	vadd.f32 v11, v10;
	v6 =	vmul.f32 v8, v6  }
0x15b: {  	v8 =	vld [tilespmem:s15+$0xFFFFFFD0];
	v11 =	vor.u32 v3, v12  }
0x15c: {  	v12 =	vld [tilespmem:s8+$0xFFFFFFE0];
	v6 =	vadd.f32 v6, v10;
	v5 =	vmul.f32 v7, v5  }
0x15d: {  	v7 =	vld [tilespmem:s15+$0xFFFFFFE0]  }
0x15e: {  	v10 =	vmul.f32 v0, v13;
	v13 =	vld [tilespmem:s8+$0xFFFFFFF0];
	v5 =	vadd.f32 v5, v6  }
0x15f: {  	v6 =	vld [tilespmem:s15+$0xFFFFFFF0]  }
0x160: {  	v9 =	vmul.f32 v9, v10;
	v8 =	vmul.f32 v8, v14;
	v10 =	vld [tilespmem:s8+$0x0];
	[tilespmem:v11+s28+$0x0] =	vst.idx.msk $0xffff, v5  }
0x161: {  	v5 =	vld [tilespmem:s15+$0x0]  }
0x162: {  	v8 =	vadd.f32 v8, v9;
	v7 =	vmul.f32 v7, v12;
	v11 =	vld [tilespmem:s8+$0x10]  }
0x163: {  	v12 =	vld [tilespmem:s15+$0x10]  }
0x164: {  	v7 =	vadd.f32 v7, v8;
	v9 =	vmul.f32 v6, v13;
	v6 =	vld [tilespmem:s8+$0x20]  }
.Ltmp4:
0x165: {  	v8 =	vld [tilespmem:s15+$0x20];
	(pc) =	sbr.rel @p0 .LBB2_10-.Ltmp4, $4  }
0x166: {  	v13 =	vadd.f32 v9, v7;
	v10 =	vmul.f32 v5, v10;
	v5 =	vld [tilespmem:s8+$0x30]  }
0x167: {  	v14 =	vmov s21;
	s21 =	smov.u32 s12;
	v7 =	vld [tilespmem:s15+$0x30];
	s15 =	sadd.s32 $0x80, s15  }
0x168: {  	s8 =	sadd.s32 $0x80, s8;
	v9 =	vld [tilespmem:s15+$0xFFFFFFC0];
	v10 =	vadd.f32 v10, v13;
	v11 =	vmul.f32 v12, v11;
	v12 =	vand.u32 $0x3F, v14  }
0x169: {  	s12 =	sadd.s32 $0x1, s12;
	v13 =	vld [tilespmem:s8+$0xFFFFFFC0];
	v12 =	vbroadcast v12, $0x0  }
0x16a: {  	v14 =	vld [tilespmem:s8+$0xFFFFFFD0]  }
0x16b: {  	v15 =	vld [tilespmem:s15+$0xFFFFFFD0]  }
0x16c: {  	v16 =	vld [tilespmem:s8+$0xFFFFFFE0]  }
0x16d: {  	v17 =	vld [tilespmem:s15+$0xFFFFFFE0]  }
0x16e: {  	v18 =	vld [tilespmem:s8+$0xFFFFFFF0];
	v13 =	vmul.f32 v0, v13  }
0x16f: {  	v19 =	vld [tilespmem:s15+$0xFFFFFFF0]  }
0x170: {  	v9 =	vmul.f32 v9, v13;
	v13 =	vmul.f32 v15, v14;
	v14 =	vld [tilespmem:s8+$0x0]  }
0x171: {  	v15 =	vld [tilespmem:s15+$0x0]  }
0x172: {  	v59 =	vld [tilespmem:s8+$0x10];
	v9 =	vadd.f32 v13, v9;
	v13 =	vmul.f32 v17, v16  }
0x173: {  	v60 =	vld [tilespmem:s15+$0x10]  }
0x174: {  	v61 =	vld [tilespmem:s8+$0x20];
	v9 =	vadd.f32 v13, v9;
	v13 =	vmul.f32 v19, v18  }
0x175: {  	v62 =	vld [tilespmem:s15+$0x20]  }
0x176: {  	v9 =	vadd.f32 v13, v9;
	v13 =	vmul.f32 v15, v14;
	v14 =	vld [tilespmem:s8+$0x30]  }
0x177: {  	v20 =	vmov s21;
	v15 =	vld [tilespmem:s15+$0x30]  }
0x178: {  	v63 =	vand.u32 $0x3F, v20;
	v9 =	vadd.f32 v13, v9;
	v13 =	vmul.f32 v60, v59  }
0x179: {  	v10 =	vadd.f32 v11, v10;
	v6 =	vmul.f32 v8, v6;
	v8 =	vbroadcast v63, $0x0  }
0x17a: {  	v12 =	vor.u32 v3, v12;
	v11 =	vmul.f32 v62, v61;
	v9 =	vadd.f32 v13, v9  }
0x17b: {  	v6 =	vadd.f32 v6, v10;
	v5 =	vmul.f32 v7, v5;
	v7 =	vor.u32 v3, v8  }
0x17c: {  	v8 =	vadd.f32 v11, v9;
	v9 =	vmul.f32 v15, v14  }
0x17d: {  	v5 =	vadd.f32 v5, v6  }
0x17e: {  	v6 =	vadd.f32 v9, v8  }
0x17f: {  	[tilespmem:v12+s28+$0x0] =	vst.idx.msk $0xffff, v5  }
0x180: {  	[tilespmem:v7+s28+$0x0] =	vst.idx.msk $0xffff, v6  }
0x181: {  	_ =	swait.ge [sflag:s31], $0x2000  }
0x182: {  	[sflag:s31] =	ssyncset.done $0x0  }
0x183: {  	[sflag:s31] =	ssyncadd.s32 $0xFFFFE000  }
0x184: {  	_ =	swait.ge [sflag:s0], $0x2000  }
0x185: {  	[sflag:s0] =	ssyncset.done $0x0  }
0x186: {  	s21 =	simm.s32 $0xA470;
	[sflag:s0] =	ssyncadd.s32 $0xFFFFE000  }
0x187: {  	s12 =	simm.s32 $0x2470;
	v5 =	vld [tilespmem:s21+$0xFFFFFF90]  }
0x188: {  	v6 =	vld [tilespmem:s12+$0xFFFFFF90]  }
0x189: {  	v7 =	vld [tilespmem:s12+$0xFFFFFFA0]  }
0x18a: {  	v8 =	vld [tilespmem:s21+$0xFFFFFFA0]  }
0x18b: {  	v9 =	vld [tilespmem:s12+$0xFFFFFFB0]  }
0x18c: {  	v10 =	vld [tilespmem:s21+$0xFFFFFFB0]  }
0x18d: {  	v11 =	vld [tilespmem:s12+$0xFFFFFFC0];
	v6 =	vmul.f32 v0, v6  }
0x18e: {  	v12 =	vld [tilespmem:s21+$0xFFFFFFC0]  }
0x18f: {  	v13 =	vld [tilespmem:s12+$0xFFFFFFD0];
	v5 =	vmul.f32 v5, v6;
	v6 =	vmul.f32 v8, v7  }
0x190: {  	v7 =	vld [tilespmem:s21+$0xFFFFFFD0]  }
0x191: {  	v14 =	vld [tilespmem:s12+$0xFFFFFFE0];
	v8 =	vmul.f32 v10, v9;
	v5 =	vadd.f32 v6, v5  }
0x192: {  	v15 =	vld [tilespmem:s21+$0xFFFFFFE0]  }
0x193: {  	v10 =	vmul.f32 v12, v11;
	v6 =	vld [tilespmem:s12+$0xFFFFFFF0];
	v9 =	vadd.f32 v8, v5  }
0x194: {  	v8 =	vld [tilespmem:s21+$0xFFFFFFF0]  }
0x195: {  	s13 =	simm.s32 $0x140;
	v5 =	vld [tilespmem:s12+$0x0];
	v11 =	vmul.f32 v7, v13;
	v10 =	vadd.f32 v10, v9  }
0x196: {  	s8 =	simm.s32 $0x24F0;
	v12 =	vmov s13;
	v7 =	vld [tilespmem:s21+$0x0]  }
0x197: {  	s15 =	simm.s32 $0xA4F0;
	v12 =	vand.u32 $0x7F, v12;
	v13 =	vld [tilespmem:s8+$0xFFFFFF90];
	v10 =	vadd.f32 v11, v10;
	v11 =	vmul.f32 v15, v14  }
0x198: {  	v12 =	vbroadcast v12, $0x0;
	s12 =	simm.s32 $0x142;
	s21 =	simm.s32 $0x141;
	v9 =	vld [tilespmem:s15+$0xFFFFFF90]  }
.LBB2_12:
0x199: {  	p0 =	sne.s32 s12, $0x17F;
	v14 =	vld [tilespmem:s8+$0xFFFFFFA0];
	v10 =	vadd.f32 v11, v10;
	v6 =	vmul.f32 v8, v6  }
0x19a: {  	v8 =	vld [tilespmem:s15+$0xFFFFFFA0];
	v11 =	vor.u32 v3, v12  }
0x19b: {  	v12 =	vld [tilespmem:s8+$0xFFFFFFB0];
	v6 =	vadd.f32 v6, v10;
	v5 =	vmul.f32 v7, v5  }
0x19c: {  	v7 =	vld [tilespmem:s15+$0xFFFFFFB0]  }
0x19d: {  	v10 =	vmul.f32 v0, v13;
	v13 =	vld [tilespmem:s8+$0xFFFFFFC0];
	v5 =	vadd.f32 v5, v6  }
0x19e: {  	v6 =	vld [tilespmem:s15+$0xFFFFFFC0]  }
0x19f: {  	v9 =	vmul.f32 v9, v10;
	v8 =	vmul.f32 v8, v14;
	v10 =	vld [tilespmem:s8+$0xFFFFFFD0];
	[tilespmem:v11+s28+$0x0] =	vst.idx.msk $0xffff, v5  }
0x1a0: {  	v5 =	vld [tilespmem:s15+$0xFFFFFFD0]  }
0x1a1: {  	v8 =	vadd.f32 v8, v9;
	v7 =	vmul.f32 v7, v12;
	v11 =	vld [tilespmem:s8+$0xFFFFFFE0]  }
0x1a2: {  	v12 =	vld [tilespmem:s15+$0xFFFFFFE0]  }
0x1a3: {  	v7 =	vadd.f32 v7, v8;
	v9 =	vmul.f32 v6, v13;
	v6 =	vld [tilespmem:s8+$0xFFFFFFF0]  }
.Ltmp5:
0x1a4: {  	v8 =	vld [tilespmem:s15+$0xFFFFFFF0];
	(pc) =	sbr.rel @p0 .LBB2_12-.Ltmp5, $4  }
0x1a5: {  	v13 =	vadd.f32 v9, v7;
	v10 =	vmul.f32 v5, v10;
	v5 =	vld [tilespmem:s8+$0x0]  }
0x1a6: {  	v14 =	vmov s21;
	s21 =	smov.u32 s12;
	v7 =	vld [tilespmem:s15+$0x0];
	s15 =	sadd.s32 $0x80, s15  }
0x1a7: {  	s8 =	sadd.s32 $0x80, s8;
	v9 =	vld [tilespmem:s15+$0xFFFFFF90];
	v10 =	vadd.f32 v10, v13;
	v11 =	vmul.f32 v12, v11;
	v12 =	vand.u32 $0x7F, v14  }
0x1a8: {  	s12 =	sadd.s32 $0x1, s12;
	v13 =	vld [tilespmem:s8+$0xFFFFFF90];
	v12 =	vbroadcast v12, $0x0  }
0x1a9: {  	v14 =	vld [tilespmem:s8+$0xFFFFFFA0]  }
0x1aa: {  	v15 =	vld [tilespmem:s15+$0xFFFFFFA0]  }
0x1ab: {  	v16 =	vld [tilespmem:s8+$0xFFFFFFB0]  }
0x1ac: {  	v17 =	vld [tilespmem:s15+$0xFFFFFFB0]  }
0x1ad: {  	v18 =	vld [tilespmem:s8+$0xFFFFFFC0];
	v13 =	vmul.f32 v0, v13  }
0x1ae: {  	v19 =	vld [tilespmem:s15+$0xFFFFFFC0]  }
0x1af: {  	v9 =	vmul.f32 v9, v13;
	v13 =	vmul.f32 v15, v14;
	v14 =	vld [tilespmem:s8+$0xFFFFFFD0]  }
0x1b0: {  	v15 =	vld [tilespmem:s15+$0xFFFFFFD0]  }
0x1b1: {  	v59 =	vld [tilespmem:s8+$0xFFFFFFE0];
	v9 =	vadd.f32 v13, v9;
	v13 =	vmul.f32 v17, v16  }
0x1b2: {  	v60 =	vld [tilespmem:s15+$0xFFFFFFE0]  }
0x1b3: {  	v61 =	vld [tilespmem:s8+$0xFFFFFFF0];
	v9 =	vadd.f32 v13, v9;
	v13 =	vmul.f32 v19, v18  }
0x1b4: {  	v62 =	vld [tilespmem:s15+$0xFFFFFFF0]  }
0x1b5: {  	v9 =	vadd.f32 v13, v9;
	v13 =	vmul.f32 v15, v14;
	v14 =	vld [tilespmem:s8+$0x0]  }
0x1b6: {  	v20 =	vmov s21;
	v15 =	vld [tilespmem:s15+$0x0]  }
0x1b7: {  	v63 =	vand.u32 $0x7F, v20;
	v9 =	vadd.f32 v13, v9;
	v13 =	vmul.f32 v60, v59  }
0x1b8: {  	v10 =	vadd.f32 v11, v10;
	v6 =	vmul.f32 v8, v6;
	v8 =	vbroadcast v63, $0x0  }
0x1b9: {  	v12 =	vor.u32 v3, v12;
	v11 =	vmul.f32 v62, v61;
	v9 =	vadd.f32 v13, v9  }
0x1ba: {  	v6 =	vadd.f32 v6, v10;
	v5 =	vmul.f32 v7, v5;
	v7 =	vor.u32 v3, v8  }
0x1bb: {  	v8 =	vadd.f32 v11, v9;
	v9 =	vmul.f32 v15, v14  }
0x1bc: {  	v5 =	vadd.f32 v5, v6  }
0x1bd: {  	v6 =	vadd.f32 v9, v8  }
0x1be: {  	[tilespmem:v12+s28+$0x0] =	vst.idx.msk $0xffff, v5  }
0x1bf: {  	[tilespmem:v7+s28+$0x0] =	vst.idx.msk $0xffff, v6  }
0x1c0: {  	_ =	swait.ge [sflag:s17], $0x2000  }
0x1c1: {  	[sflag:s17] =	ssyncset.done $0x0  }
0x1c2: {  	[sflag:s17] =	ssyncadd.s32 $0xFFFFE000  }
0x1c3: {  	_ =	swait.ge [sflag:s19], $0x2000  }
0x1c4: {  	[sflag:s19] =	ssyncset.done $0x0  }
0x1c5: {  	s13 =	simm.s32 $0x0;
	[sflag:s19] =	ssyncadd.s32 $0xFFFFE000  }
0x1c6: {  	v5 =	vld [tilespmem:s13+$0xC400]  }
0x1c7: {  	v6 =	vld [tilespmem:s13+$0x4400]  }
0x1c8: {  	v7 =	vld [tilespmem:s13+$0x4410]  }
0x1c9: {  	v8 =	vld [tilespmem:s13+$0xC410]  }
0x1ca: {  	v9 =	vld [tilespmem:s13+$0x4420]  }
0x1cb: {  	v10 =	vld [tilespmem:s13+$0xC420]  }
0x1cc: {  	v11 =	vld [tilespmem:s13+$0x4430];
	v6 =	vmul.f32 v0, v6  }
0x1cd: {  	v12 =	vld [tilespmem:s13+$0xC430]  }
0x1ce: {  	v13 =	vld [tilespmem:s13+$0xC440];
	v5 =	vmul.f32 v5, v6;
	v6 =	vmul.f32 v8, v7  }
0x1cf: {  	v8 =	vld [tilespmem:s13+$0x4440]  }
0x1d0: {  	v14 =	vld [tilespmem:s13+$0x4450];
	v5 =	vadd.f32 v6, v5;
	v6 =	vmul.f32 v10, v9  }
0x1d1: {  	v15 =	vld [tilespmem:s13+$0xC450]  }
0x1d2: {  	v7 =	vld [tilespmem:s13+$0xC460];
	v9 =	vmul.f32 v12, v11;
	v5 =	vadd.f32 v6, v5  }
0x1d3: {  	v6 =	vld [tilespmem:s13+$0x4460]  }
0x1d4: {  	s15 =	simm.s32 $0x0;
	v11 =	vmul.f32 v13, v8;
	v8 =	vld [tilespmem:s13+$0xC470];
	v9 =	vadd.f32 v9, v5  }
0x1d5: {  	s21 =	simm.s32 $0x80;
	v12 =	vmov s15;
	v5 =	vld [tilespmem:s13+$0x4470]  }
0x1d6: {  	s8 =	simm.s32 $0x400;
	v10 =	vld [tilespmem:s21+$0xC400];
	v12 =	vand.u32 $0x3F, v12;
	v9 =	vadd.f32 v11, v9;
	v11 =	vmul.f32 v15, v14  }
.LBB2_14:
0x1d7: {  	p0 =	sne.s32 s8, $0x7E00;
	v13 =	vld [tilespmem:s21+$0x4400];
	v12 =	vbroadcast v12, $0x0  }
0x1d8: {  	v14 =	vld [tilespmem:s21+$0x4410];
	v9 =	vadd.f32 v11, v9;
	v6 =	vmul.f32 v7, v6  }
0x1d9: {  	v7 =	vld [tilespmem:s21+$0xC410];
	v11 =	vor.u32 v4, v12  }
0x1da: {  	v12 =	vld [tilespmem:s21+$0x4420];
	v6 =	vadd.f32 v6, v9;
	v5 =	vmul.f32 v8, v5  }
0x1db: {  	v8 =	vld [tilespmem:s21+$0xC420]  }
0x1dc: {  	v9 =	vmul.f32 v0, v13;
	v13 =	vld [tilespmem:s21+$0x4430];
	v5 =	vadd.f32 v5, v6  }
0x1dd: {  	v6 =	vld [tilespmem:s21+$0xC430]  }
0x1de: {  	v9 =	vmul.f32 v10, v9;
	v7 =	vmul.f32 v7, v14;
	v10 =	vld [tilespmem:s21+$0x4440];
	[tilespmem:v11+s28+$0x0] =	vst.idx.msk $0xffff, v5  }
0x1df: {  	v5 =	vld [tilespmem:s21+$0xC440]  }
0x1e0: {  	v7 =	vadd.f32 v7, v9;
	v8 =	vmul.f32 v8, v12;
	v11 =	vld [tilespmem:s21+$0x4450]  }
0x1e1: {  	v12 =	vld [tilespmem:s21+$0xC450]  }
.Ltmp6:
0x1e2: {  	v8 =	vadd.f32 v8, v7;
	v9 =	vmul.f32 v6, v13;
	v6 =	vld [tilespmem:s21+$0x4460];
	(pc) =	sbr.rel @p0 .LBB2_14-.Ltmp6, $4  }
0x1e3: {  	v7 =	vld [tilespmem:s21+$0xC460]  }
0x1e4: {  	s15 =	sadd.s32 $0x1, s15;
	v9 =	vadd.f32 v9, v8;
	v13 =	vmul.f32 v5, v10;
	v5 =	vld [tilespmem:s21+$0x4470]  }
0x1e5: {  	v14 =	vmov s15;
	v8 =	vld [tilespmem:s21+$0xC470];
	s21 =	sshra.s32 s8, $0x2  }
0x1e6: {  	s8 =	sadd.s32 $0x200, s8;
	v10 =	vld [tilespmem:s21+$0xC400];
	v9 =	vadd.f32 v13, v9;
	v11 =	vmul.f32 v12, v11;
	v12 =	vand.u32 $0x3F, v14  }
0x1e7: {  	v13 =	vld [tilespmem:s21+$0x4400]  }
0x1e8: {  	v14 =	vld [tilespmem:s21+$0x4410]  }
0x1e9: {  	v15 =	vld [tilespmem:s21+$0xC410]  }
0x1ea: {  	v16 =	vld [tilespmem:s21+$0x4420]  }
0x1eb: {  	v17 =	vld [tilespmem:s21+$0xC420]  }
0x1ec: {  	v18 =	vld [tilespmem:s21+$0x4430];
	v13 =	vmul.f32 v0, v13  }
0x1ed: {  	v19 =	vld [tilespmem:s21+$0xC430]  }
0x1ee: {  	v10 =	vmul.f32 v10, v13;
	v13 =	vmul.f32 v15, v14;
	v14 =	vld [tilespmem:s21+$0x4440]  }
0x1ef: {  	v15 =	vld [tilespmem:s21+$0xC440]  }
0x1f0: {  	v10 =	vadd.f32 v13, v10;
	v13 =	vmul.f32 v17, v16  }
0x1f1: {  	v60 =	vld [tilespmem:s21+$0x4450]  }
0x1f2: {  	v61 =	vld [tilespmem:s21+$0xC450];
	v10 =	vadd.f32 v13, v10;
	v13 =	vmul.f32 v19, v18  }
0x1f3: {  	v62 =	vld [tilespmem:s21+$0x4460]  }
0x1f4: {  	v63 =	vld [tilespmem:s21+$0xC460];
	v10 =	vadd.f32 v13, v10;
	v13 =	vmul.f32 v15, v14  }
0x1f5: {  	s8 =	sadd.s32 $0x1, s15;
	v14 =	vld [tilespmem:s21+$0x4470]  }
0x1f6: {  	v15 =	vld [tilespmem:s21+$0xC470];
	v10 =	vadd.f32 v13, v10;
	v13 =	vmov s8  }
0x1f7: {  	v12 =	vbroadcast v12, $0x0;
	v16 =	vmul.f32 v61, v60;
	v13 =	vand.u32 $0x3F, v13  }
0x1f8: {  	v9 =	vadd.f32 v11, v9;
	v6 =	vmul.f32 v7, v6;
	v7 =	vbroadcast v13, $0x0  }
0x1f9: {  	v12 =	vor.u32 v4, v12;
	v11 =	vmul.f32 v63, v62;
	v10 =	vadd.f32 v16, v10  }
0x1fa: {  	v6 =	vadd.f32 v6, v9;
	v5 =	vmul.f32 v8, v5;
	v7 =	vor.u32 v4, v7  }
0x1fb: {  	v9 =	vmul.f32 v15, v14;
	v8 =	vadd.f32 v11, v10  }
0x1fc: {  	v5 =	vadd.f32 v5, v6  }
0x1fd: {  	v6 =	vadd.f32 v9, v8  }
0x1fe: {  	[tilespmem:v12+s28+$0x0] =	vst.idx.msk $0xffff, v5  }
0x1ff: {  	[tilespmem:v7+s28+$0x0] =	vst.idx.msk $0xffff, v6  }
0x200: {  	_ =	swait.ge [sflag:s29], $0x2000  }
0x201: {  	[sflag:s29] =	ssyncset.done $0x0  }
0x202: {  	[sflag:s29] =	ssyncadd.s32 $0xFFFFE000  }
0x203: {  	_ =	swait.ge [sflag:s30], $0x2000  }
0x204: {  	[sflag:s30] =	ssyncset.done $0x0  }
0x205: {  	s13 =	simm.s32 $0x0;
	[sflag:s30] =	ssyncadd.s32 $0xFFFFE000  }
0x206: {  	v5 =	vld [tilespmem:s13+$0xE400]  }
0x207: {  	v6 =	vld [tilespmem:s13+$0x6400]  }
0x208: {  	v7 =	vld [tilespmem:s13+$0x6410]  }
0x209: {  	v8 =	vld [tilespmem:s13+$0xE410]  }
0x20a: {  	v9 =	vld [tilespmem:s13+$0x6420]  }
0x20b: {  	v10 =	vld [tilespmem:s13+$0xE420]  }
0x20c: {  	v11 =	vld [tilespmem:s13+$0x6430];
	v6 =	vmul.f32 v0, v6  }
0x20d: {  	v12 =	vld [tilespmem:s13+$0xE430]  }
0x20e: {  	v13 =	vld [tilespmem:s13+$0xE440];
	v5 =	vmul.f32 v5, v6;
	v6 =	vmul.f32 v8, v7  }
0x20f: {  	v8 =	vld [tilespmem:s13+$0x6440]  }
0x210: {  	v14 =	vld [tilespmem:s13+$0x6450];
	v5 =	vadd.f32 v6, v5;
	v6 =	vmul.f32 v10, v9  }
0x211: {  	v15 =	vld [tilespmem:s13+$0xE450]  }
0x212: {  	v7 =	vld [tilespmem:s13+$0xE460];
	v9 =	vmul.f32 v12, v11;
	v5 =	vadd.f32 v6, v5  }
0x213: {  	v6 =	vld [tilespmem:s13+$0x6460]  }
0x214: {  	s15 =	simm.s32 $0x1C0;
	v11 =	vmul.f32 v13, v8;
	v8 =	vld [tilespmem:s13+$0xE470];
	v9 =	vadd.f32 v9, v5  }
0x215: {  	s21 =	simm.s32 $0x80;
	v12 =	vmov s15;
	v5 =	vld [tilespmem:s13+$0x6470]  }
0x216: {  	s8 =	simm.s32 $0x400;
	v10 =	vld [tilespmem:s21+$0xE400];
	v12 =	vand.u32 $0x7F, v12;
	v9 =	vadd.f32 v11, v9;
	v11 =	vmul.f32 v15, v14  }
.LBB2_16:
0x217: {  	p0 =	sne.s32 s8, $0x7E00;
	v13 =	vld [tilespmem:s21+$0x6400];
	v12 =	vbroadcast v12, $0x0  }
0x218: {  	v14 =	vld [tilespmem:s21+$0x6410];
	v9 =	vadd.f32 v11, v9;
	v6 =	vmul.f32 v7, v6  }
0x219: {  	v7 =	vld [tilespmem:s21+$0xE410];
	v11 =	vor.u32 v4, v12  }
0x21a: {  	v12 =	vld [tilespmem:s21+$0x6420];
	v6 =	vadd.f32 v6, v9;
	v5 =	vmul.f32 v8, v5  }
0x21b: {  	v8 =	vld [tilespmem:s21+$0xE420]  }
0x21c: {  	v9 =	vmul.f32 v0, v13;
	v13 =	vld [tilespmem:s21+$0x6430];
	v5 =	vadd.f32 v5, v6  }
0x21d: {  	v6 =	vld [tilespmem:s21+$0xE430]  }
0x21e: {  	v9 =	vmul.f32 v10, v9;
	v7 =	vmul.f32 v7, v14;
	v10 =	vld [tilespmem:s21+$0x6440];
	[tilespmem:v11+s28+$0x0] =	vst.idx.msk $0xffff, v5  }
0x21f: {  	v5 =	vld [tilespmem:s21+$0xE440]  }
0x220: {  	v7 =	vadd.f32 v7, v9;
	v8 =	vmul.f32 v8, v12;
	v11 =	vld [tilespmem:s21+$0x6450]  }
0x221: {  	v12 =	vld [tilespmem:s21+$0xE450]  }
.Ltmp7:
0x222: {  	v8 =	vadd.f32 v8, v7;
	v9 =	vmul.f32 v6, v13;
	v6 =	vld [tilespmem:s21+$0x6460];
	(pc) =	sbr.rel @p0 .LBB2_16-.Ltmp7, $4  }
0x223: {  	v7 =	vld [tilespmem:s21+$0xE460]  }
0x224: {  	s15 =	sadd.s32 $0x1, s15;
	v9 =	vadd.f32 v9, v8;
	v13 =	vmul.f32 v5, v10;
	v5 =	vld [tilespmem:s21+$0x6470]  }
0x225: {  	v14 =	vmov s15;
	v8 =	vld [tilespmem:s21+$0xE470];
	s21 =	sshra.s32 s8, $0x2  }
0x226: {  	s8 =	sadd.s32 $0x200, s8;
	v10 =	vld [tilespmem:s21+$0xE400];
	v9 =	vadd.f32 v13, v9;
	v11 =	vmul.f32 v12, v11;
	v12 =	vand.u32 $0x7F, v14  }
0x227: {  	v13 =	vld [tilespmem:s21+$0x6400]  }
0x228: {  	v14 =	vld [tilespmem:s21+$0x6410]  }
0x229: {  	v15 =	vld [tilespmem:s21+$0xE410]  }
0x22a: {  	v16 =	vld [tilespmem:s21+$0x6420]  }
0x22b: {  	v17 =	vld [tilespmem:s21+$0xE420]  }
0x22c: {  	v18 =	vld [tilespmem:s21+$0x6430];
	v13 =	vmul.f32 v0, v13  }
0x22d: {  	v19 =	vld [tilespmem:s21+$0xE430]  }
0x22e: {  	v49 =	vld [tilespmem:s21+$0x6440];
	v48 =	vmul.f32 v15, v14;
	v10 =	vmul.f32 v10, v13  }
0x22f: {  	v50 =	vld [tilespmem:s21+$0xE440]  }
0x230: {  	v52 =	vld [tilespmem:s21+$0x6450];
	v51 =	vmul.f32 v17, v16;
	v10 =	vadd.f32 v48, v10  }
0x231: {  	v53 =	vld [tilespmem:s21+$0xE450]  }
0x232: {  	v55 =	vld [tilespmem:s21+$0x6460];
	v54 =	vmul.f32 v19, v18;
	v10 =	vadd.f32 v51, v10  }
0x233: {  	v56 =	vld [tilespmem:s21+$0xE460]  }
0x234: {  	v58 =	vld [tilespmem:s21+$0x6470];
	s8 =	sadd.s32 $0x1, s15;
	v57 =	vmul.f32 v50, v49;
	v10 =	vadd.f32 v54, v10  }
0x235: {  	v59 =	vld [tilespmem:s21+$0xE470];
	v12 =	vbroadcast v12, $0x0;
	v60 =	vmov s8  }
0x236: {  	v16 =	vmul.f32 v53, v52;
	v13 =	vand.u32 $0x7F, v60;
	v10 =	vadd.f32 v57, v10  }
0x237: {  	v9 =	vadd.f32 v11, v9;
	v6 =	vmul.f32 v7, v6;
	v7 =	vbroadcast v13, $0x0  }
0x238: {  	v12 =	vor.u32 v4, v12;
	v61 =	vmul.f32 v56, v55;
	v10 =	vadd.f32 v16, v10  }
0x239: {  	v6 =	vadd.f32 v6, v9;
	v5 =	vmul.f32 v8, v5;
	v7 =	vor.u32 v4, v7  }
0x23a: {  	v63 =	vmul.f32 v59, v58;
	v62 =	vadd.f32 v61, v10  }
0x23b: {  	v5 =	vadd.f32 v5, v6  }
0x23c: {  	v6 =	vadd.f32 v63, v62  }
0x23d: {  	s2 =	sadd.s32 $0x1, s2;
	[tilespmem:v12+s28+$0x0] =	vst.idx.msk $0xffff, v5  }
0x23e: {  	p0 =	sne.s32 s2, s7;
	[tilespmem:v7+s28+$0x0] =	vst.idx.msk $0xffff, v6  }
0x23f: {  	[hbm4b:s6+s3] =	stream.linear.scatter [tilespmem:s28], [sflag:$0xB], $0x1000, $0x38;
	[tilespmem:$0x12C00] =	vst v63  }
.Ltmp8:
0x240: {  	s21 =	sadd.s32 $0x4000, s6;
	s12 =	simm.s32 $0x11800;
	(pc) =	sbr.rel @p0 .LBB2_1-.Ltmp8, $4  }
0x241: {  	[hbm4b:s21+s3] =	stream.linear.scatter [tilespmem:s12], [sflag:$0xB], $0x1000, $0x38;
	[tilespmem:$0x12C00] =	vst v63  }
0x242: {  	_ =	swait.ge [sflag:s23], $0x2000  }
0x243: {  	[sflag:s23] =	ssyncset.done $0x0  }
0x244: {  	[sflag:s23] =	ssyncadd.s32 $0xFFFFE000  }
0x245: {  	_ =	sfence.sel $0x180000  }
0x246: {  	[bflag:$0x0] =	sbarrier.arrive $0xFFFF  }
0x247: {  	_ =	strace $0x90000047  }
0x248: {  	s0 =	stileid.u32;
	[bflag:$0x2] =	sbarrier.arrive $0xFFFF  }
0x249: {  	p0 =	sne.s32 s0, $0x0;
	s0 =	rddreg [dreg:$0x4]  }
0x24a: {  	s0 =	sadd.s32 @!p0 $0x100000, s0  }
0x24b: {  	[sflag:s0] =	ssyncadd.tile.s32 @!p0 $0x1;
	_ =	shalt  }
.Lfunc_end2:
_tile_overlayer_lowered:
.L_overlay_start_2:
0x24c: {  	(tag) =	ssettag $0x2  }
0x24d: {  	s0 =	rddreg [dreg:$0x0];
	s2 =	stileid.u32  }
0x24e: {  	s1 =	rddreg [dreg:$0x1];
	p0 =	sne.s32 s2, $0x0  }
0x24f: {  	s3 =	rddreg [dreg:$0x2];
	[bflag:$0x3] =	sbarrier.arrive $0xFFFF;
	s2 =	simm.s32 @!p0 $0x1C0B  }
0x250: {  	[timem:s3], [sflag:s2] =	dma.local @!p0 [hbm:s0], s1  }
0x251: {  	s0 =	simm.s32 @!p0 $0xB  }
0x252: {  	_ =	swait.ge @!p0 [sflag:s0], s1  }
0x253: {  	s1 =	ssub.s32 @!p0 $0x0, s1;
	[sflag:s0] =	ssyncset.done @!p0 $0x0  }
0x254: {  	[sflag:s0] =	ssyncadd.s32 @!p0 s1  }
0x255: {  	[bflag:$0x3] =	sbarrier.arrive $0xFFFF  }
0x256: {  	_ =	shalt  }

</sc_bundles>
